<compile_context>
chip_gen: v7x
topology: tpu7x:2x2x1
jax: 0.10.2.dev20260603
libtpu: 0.0.44.dev20260713+nightly
codegen_flags: <defaults>
</compile_context>

<pallas_src>
import functools

import jax
import jax.numpy as jnp
from jax import lax
from jax.experimental import pallas as pl
from jax.experimental.pallas import tpu as pltpu
from jax.experimental.pallas import tpu_sc as plsc

B, L, D, E = 16384, 200, 10, 16
NW = 32
BPW = B // NW
BW = 256
LC = 8
NBH = BPW // BW
NLB = L // LC
NBLK = NBH * NLB

_mesh = plsc.VectorSubcoreMesh(core_axis_name="c", subcore_axis_name="s")


@functools.partial(
    pl.kernel,
    mesh=_mesh,
    out_type=jax.ShapeDtypeStruct((L, E, B), jnp.float32),
    scratch_types=[
        pltpu.VMEM((D, LC, BW), jnp.float32),
        pltpu.VMEM((D, LC, BW), jnp.float32),
        pltpu.VMEM((LC, E, BW), jnp.float32),
        pltpu.VMEM((LC, E, BW), jnp.float32),
        pltpu.VMEM((D * E,), jnp.float32),
        pltpu.VMEM((16,), jnp.float32),
        pltpu.SemaphoreType.DMA,
        pltpu.SemaphoreType.DMA,
        pltpu.SemaphoreType.DMA,
        pltpu.SemaphoreType.DMA,
    ],
    compiler_params=pltpu.CompilerParams(needs_layout_passes=False),
)
def _encode(x_hbm, emb_hbm, a_hbm, out_hbm,
            xin0, xin1, yo0, yo1, tb, ab, xs0, xs1, ys0, ys1):
    wid = lax.axis_index("s") * 2 + lax.axis_index("c")
    tile_b0 = wid * BPW

    xins = (xin0, xin1)
    youts = (yo0, yo1)
    xsems = (xs0, xs1)
    ysems = (ys0, ys1)

    pltpu.sync_copy(emb_hbm, tb)
    pltpu.sync_copy(a_hbm, ab)
    a = ab[...]
    for i in range(D * E // 16):
        v = tb[pl.ds(16 * i, 16)]
        tb[pl.ds(16 * i, 16)] = jnp.maximum(v, 0.0) + a * jnp.minimum(v, 0.0)

    def block_coords(m):
        bh = m // NLB
        l0 = (m % NLB) * LC
        return tile_b0 + bh * BW, l0

    def in_copy(m, buf):
        b0, l0 = block_coords(m)
        return pltpu.make_async_copy(
            x_hbm.at[:, pl.ds(l0, LC), pl.ds(b0, BW)], xins[buf], xsems[buf])

    def out_copy(m, buf):
        b0, l0 = block_coords(m)
        return pltpu.make_async_copy(
            youts[buf], out_hbm.at[pl.ds(l0, LC), :, pl.ds(b0, BW)], ysems[buf])

    def compute_block(buf):
        xin = xins[buf]
        yo = youts[buf]

        @plsc.parallel_loop(0, LC * (BW // 16), unroll=2)
        def unit(u):
            l = u >> 4
            bs = (u & 15) * 16
            maxv = xin[0, l, pl.ds(bs, 16)]
            maxi = jnp.zeros((16,), jnp.int32)
            for d in range(1, D):
                xd = xin[d, l, pl.ds(bs, 16)]
                m = xd > maxv
                maxv = jnp.where(m, xd, maxv)
                maxi = jnp.where(m, jnp.int32(d), maxi)
            for e in range(E):
                yo[l, e, pl.ds(bs, 16)] = plsc.load_gather(
                    tb, [maxi + jnp.int32(e * D)])

    in_copy(0, 0).start()
    in_copy(1, 1).start()

    def pair_body(g, carry):
        for buf in range(2):
            m = g * 2 + buf
            in_copy(m, buf).wait()

            @pl.when(m >= 2)
            def _():
                out_copy(m - 2, buf).wait()

            compute_block(buf)
            out_copy(m, buf).start()

            @pl.when(m + 2 < NBLK)
            def _():
                in_copy(m + 2, buf).start()

        return carry

    lax.fori_loop(0, NBLK // 2, pair_body, 0)
    out_copy(NBLK - 2, 0).wait()
    out_copy(NBLK - 1, 1).wait()


def kernel(number, emb, prelu_a):
    x_t = jnp.transpose(number, (2, 1, 0))
    emb_flat = jnp.transpose(emb).reshape(D * E)
    a16 = jnp.broadcast_to(prelu_a.astype(jnp.float32), (16,))
    o = _encode(x_t, emb_flat, a16)
    return jnp.transpose(o, (2, 0, 1))

# --- scband reference (transcript-rebuilt; emitter-appended) ---
"""Pipeline reference for scband-number-encoder-81844896792850 (READ-ONLY COPY).

The authoritative reference and input builder live on the scoring server;
editing this copy changes nothing except your own understanding.
"""

import jax, jax.numpy as jnp
import numpy as np


def setup_inputs(seed: int = 0) -> dict:
    key = jax.random.key(seed)
    k1, k2 = jax.random.split(key, 2)
    number = jax.random.normal(k1, (16384, 200, 10), dtype=jnp.float32)
    emb = jax.random.normal(k2, (10, 16), dtype=jnp.float32) * 0.02
    prelu_a = jnp.full((1,), 0.25, dtype=jnp.float32)
    return {"number": number, "emb": emb, "prelu_a": prelu_a}


def reference(number, emb, prelu_a):
    # number: [B, L, D] one-hot-like scores over digits
    idx = jnp.argmax(number, axis=-1)           # [B, L] int
    out = jnp.take(emb, idx, axis=0)            # embedding lookup -> [B, L, 16]
    out = jnp.where(out >= 0, out, prelu_a * out)  # PReLU (single shared param)
    return out

if __name__ == "__main__":
    import jax
    _d = setup_inputs()
    print(jax.jit(kernel)(*tuple(_d.values())))

</pallas_src>

<mosaic_0001>
#map = affine_map<(d0, d1) -> (0, 0, 0)>
#map1 = affine_map<(d0, d1) -> (0)>
module attributes {stable_mosaic.version = 14 : i64} {
  func.func @_encode(%arg0: i32, %arg1: i32, %arg2: memref<10x200x16384xf32, #tpu.memory_space<hbm>>, %arg3: memref<160xf32, #tpu.memory_space<hbm>>, %arg4: memref<16xf32, #tpu.memory_space<hbm>>, %arg5: memref<200x16x16384xf32, #tpu.memory_space<hbm>>, %arg6: memref<10x8x256xf32, #tpu.memory_space<vmem>>, %arg7: memref<10x8x256xf32, #tpu.memory_space<vmem>>, %arg8: memref<8x16x256xf32, #tpu.memory_space<vmem>>, %arg9: memref<8x16x256xf32, #tpu.memory_space<vmem>>, %arg10: memref<160xf32, #tpu.memory_space<vmem>>, %arg11: memref<16xf32, #tpu.memory_space<vmem>>, %arg12: memref<!tpu.dma_semaphore, #tpu.memory_space<semaphore_mem>>, %arg13: memref<!tpu.dma_semaphore, #tpu.memory_space<semaphore_mem>>, %arg14: memref<!tpu.dma_semaphore, #tpu.memory_space<semaphore_mem>>, %arg15: memref<!tpu.dma_semaphore, #tpu.memory_space<semaphore_mem>>) attributes {dimension_semantics = [#tpu.dimension_semantics<core_parallel>, #tpu.dimension_semantics<subcore_parallel>], iteration_bounds = array<i64: 2, 16>, scalar_prefetch = 0 : i64, scratch_operands = 10 : i64, tpu.core_type = #tpu.core_type<sc_vector_subcore>, window_params = [{transform_indices = #map}, {transform_indices = #map1}, {transform_indices = #map1}, {transform_indices = #map}]} {
    %mul3A = arith.constant 2 : i32
    %mul3A_0 = arith.muli %arg1, %mul3A : i32
    %add3A = arith.addi %mul3A_0, %arg0 : i32
    %mul3A_1 = arith.constant 512 : i32
    %mul3A_2 = arith.muli %add3A, %mul3A_1 : i32
    "tpu.region"() ({
      %run_scoped3A = tpu.sem_alloc : memref<!tpu.dma_semaphore, #tpu.memory_space<semaphore_mem>>
      tpu.enqueue_dma source(%arg3 : memref<160xf32, #tpu.memory_space<hbm>>) target(%arg10 : memref<160xf32, #tpu.memory_space<vmem>>) target_semaphore(%run_scoped3A : memref<!tpu.dma_semaphore, #tpu.memory_space<semaphore_mem>>)
      tpu.wait_dma2 semaphore(%run_scoped3A : memref<!tpu.dma_semaphore, #tpu.memory_space<semaphore_mem>>) src(%arg3 : memref<160xf32, #tpu.memory_space<hbm>>) dst(%arg10 : memref<160xf32, #tpu.memory_space<vmem>>)
      tpu.yield
    }) : () -> ()
    "tpu.region"() ({
      %run_scoped3A = tpu.sem_alloc : memref<!tpu.dma_semaphore, #tpu.memory_space<semaphore_mem>>
      tpu.enqueue_dma source(%arg4 : memref<16xf32, #tpu.memory_space<hbm>>) target(%arg11 : memref<16xf32, #tpu.memory_space<vmem>>) target_semaphore(%run_scoped3A : memref<!tpu.dma_semaphore, #tpu.memory_space<semaphore_mem>>)
      tpu.wait_dma2 semaphore(%run_scoped3A : memref<!tpu.dma_semaphore, #tpu.memory_space<semaphore_mem>>) src(%arg4 : memref<16xf32, #tpu.memory_space<hbm>>) dst(%arg11 : memref<16xf32, #tpu.memory_space<vmem>>)
      tpu.yield
    }) : () -> ()
    %get3A = arith.constant 0 : index
    %get3A_3 = tpu.vector_load %arg11[%get3A] {strides = array<i32>} : memref<16xf32, #tpu.memory_space<vmem>>, vector<16xf32>,
    %get3A_4 = arith.constant 0 : index
    %get3A_5 = tpu.vector_load %arg10[%get3A_4] {strides = array<i32>} : memref<160xf32, #tpu.memory_space<vmem>>, vector<16xf32>,
    %max3A = arith.constant 0.000000e+00 : f32
    %max3A_6 = vector.broadcast %max3A : f32 to vector<16xf32>
    %max3A_7 = arith.maximumf %get3A_5, %max3A_6 : vector<16xf32>
    %min3A = arith.constant 0.000000e+00 : f32
    %min3A_8 = vector.broadcast %min3A : f32 to vector<16xf32>
    %min3A_9 = arith.minimumf %get3A_5, %min3A_8 : vector<16xf32>
    %mul3A_10 = arith.mulf %get3A_3, %min3A_9 : vector<16xf32>
    %add3A_11 = arith.addf %max3A_7, %mul3A_10 : vector<16xf32>
    %swap3A = arith.constant 0 : index
    %swap3A_12 = tpu.vector_load %arg10[%swap3A] {strides = array<i32>} : memref<160xf32, #tpu.memory_space<vmem>>, vector<16xf32>,
    tpu.vector_store %arg10[%swap3A], %add3A_11 {strides = array<i32>} : memref<160xf32, #tpu.memory_space<vmem>>, vector<16xf32>,
    %get3A_13 = arith.constant 16 : index
    %get3A_14 = tpu.vector_load %arg10[%get3A_13] {strides = array<i32>} : memref<160xf32, #tpu.memory_space<vmem>>, vector<16xf32>,
    %max3A_15 = arith.constant 0.000000e+00 : f32
    %max3A_16 = vector.broadcast %max3A_15 : f32 to vector<16xf32>
    %max3A_17 = arith.maximumf %get3A_14, %max3A_16 : vector<16xf32>
    %min3A_18 = arith.constant 0.000000e+00 : f32
    %min3A_19 = vector.broadcast %min3A_18 : f32 to vector<16xf32>
    %min3A_20 = arith.minimumf %get3A_14, %min3A_19 : vector<16xf32>
    %mul3A_21 = arith.mulf %get3A_3, %min3A_20 : vector<16xf32>
    %add3A_22 = arith.addf %max3A_17, %mul3A_21 : vector<16xf32>
    %swap3A_23 = arith.constant 16 : index
    %swap3A_24 = tpu.vector_load %arg10[%swap3A_23] {strides = array<i32>} : memref<160xf32, #tpu.memory_space<vmem>>, vector<16xf32>,
    tpu.vector_store %arg10[%swap3A_23], %add3A_22 {strides = array<i32>} : memref<160xf32, #tpu.memory_space<vmem>>, vector<16xf32>,
    %get3A_25 = arith.constant 32 : index
    %get3A_26 = tpu.vector_load %arg10[%get3A_25] {strides = array<i32>} : memref<160xf32, #tpu.memory_space<vmem>>, vector<16xf32>,
    %max3A_27 = arith.constant 0.000000e+00 : f32
    %max3A_28 = vector.broadcast %max3A_27 : f32 to vector<16xf32>
    %max3A_29 = arith.maximumf %get3A_26, %max3A_28 : vector<16xf32>
    %min3A_30 = arith.constant 0.000000e+00 : f32
    %min3A_31 = vector.broadcast %min3A_30 : f32 to vector<16xf32>
    %min3A_32 = arith.minimumf %get3A_26, %min3A_31 : vector<16xf32>
    %mul3A_33 = arith.mulf %get3A_3, %min3A_32 : vector<16xf32>
    %add3A_34 = arith.addf %max3A_29, %mul3A_33 : vector<16xf32>
    %swap3A_35 = arith.constant 32 : index
    %swap3A_36 = tpu.vector_load %arg10[%swap3A_35] {strides = array<i32>} : memref<160xf32, #tpu.memory_space<vmem>>, vector<16xf32>,
    tpu.vector_store %arg10[%swap3A_35], %add3A_34 {strides = array<i32>} : memref<160xf32, #tpu.memory_space<vmem>>, vector<16xf32>,
    %get3A_37 = arith.constant 48 : index
    %get3A_38 = tpu.vector_load %arg10[%get3A_37] {strides = array<i32>} : memref<160xf32, #tpu.memory_space<vmem>>, vector<16xf32>,
    %max3A_39 = arith.constant 0.000000e+00 : f32
    %max3A_40 = vector.broadcast %max3A_39 : f32 to vector<16xf32>
    %max3A_41 = arith.maximumf %get3A_38, %max3A_40 : vector<16xf32>
    %min3A_42 = arith.constant 0.000000e+00 : f32
    %min3A_43 = vector.broadcast %min3A_42 : f32 to vector<16xf32>
    %min3A_44 = arith.minimumf %get3A_38, %min3A_43 : vector<16xf32>
    %mul3A_45 = arith.mulf %get3A_3, %min3A_44 : vector<16xf32>
    %add3A_46 = arith.addf %max3A_41, %mul3A_45 : vector<16xf32>
    %swap3A_47 = arith.constant 48 : index
    %swap3A_48 = tpu.vector_load %arg10[%swap3A_47] {strides = array<i32>} : memref<160xf32, #tpu.memory_space<vmem>>, vector<16xf32>,
    tpu.vector_store %arg10[%swap3A_47], %add3A_46 {strides = array<i32>} : memref<160xf32, #tpu.memory_space<vmem>>, vector<16xf32>,
    %get3A_49 = arith.constant 64 : index
    %get3A_50 = tpu.vector_load %arg10[%get3A_49] {strides = array<i32>} : memref<160xf32, #tpu.memory_space<vmem>>, vector<16xf32>,
    %max3A_51 = arith.constant 0.000000e+00 : f32
    %max3A_52 = vector.broadcast %max3A_51 : f32 to vector<16xf32>
    %max3A_53 = arith.maximumf %get3A_50, %max3A_52 : vector<16xf32>
    %min3A_54 = arith.constant 0.000000e+00 : f32
    %min3A_55 = vector.broadcast %min3A_54 : f32 to vector<16xf32>
    %min3A_56 = arith.minimumf %get3A_50, %min3A_55 : vector<16xf32>
    %mul3A_57 = arith.mulf %get3A_3, %min3A_56 : vector<16xf32>
    %add3A_58 = arith.addf %max3A_53, %mul3A_57 : vector<16xf32>
    %swap3A_59 = arith.constant 64 : index
    %swap3A_60 = tpu.vector_load %arg10[%swap3A_59] {strides = array<i32>} : memref<160xf32, #tpu.memory_space<vmem>>, vector<16xf32>,
    tpu.vector_store %arg10[%swap3A_59], %add3A_58 {strides = array<i32>} : memref<160xf32, #tpu.memory_space<vmem>>, vector<16xf32>,
    %get3A_61 = arith.constant 80 : index
    %get3A_62 = tpu.vector_load %arg10[%get3A_61] {strides = array<i32>} : memref<160xf32, #tpu.memory_space<vmem>>, vector<16xf32>,
    %max3A_63 = arith.constant 0.000000e+00 : f32
    %max3A_64 = vector.broadcast %max3A_63 : f32 to vector<16xf32>
    %max3A_65 = arith.maximumf %get3A_62, %max3A_64 : vector<16xf32>
    %min3A_66 = arith.constant 0.000000e+00 : f32
    %min3A_67 = vector.broadcast %min3A_66 : f32 to vector<16xf32>
    %min3A_68 = arith.minimumf %get3A_62, %min3A_67 : vector<16xf32>
    %mul3A_69 = arith.mulf %get3A_3, %min3A_68 : vector<16xf32>
    %add3A_70 = arith.addf %max3A_65, %mul3A_69 : vector<16xf32>
    %swap3A_71 = arith.constant 80 : index
    %swap3A_72 = tpu.vector_load %arg10[%swap3A_71] {strides = array<i32>} : memref<160xf32, #tpu.memory_space<vmem>>, vector<16xf32>,
    tpu.vector_store %arg10[%swap3A_71], %add3A_70 {strides = array<i32>} : memref<160xf32, #tpu.memory_space<vmem>>, vector<16xf32>,
    %get3A_73 = arith.constant 96 : index
    %get3A_74 = tpu.vector_load %arg10[%get3A_73] {strides = array<i32>} : memref<160xf32, #tpu.memory_space<vmem>>, vector<16xf32>,
    %max3A_75 = arith.constant 0.000000e+00 : f32
    %max3A_76 = vector.broadcast %max3A_75 : f32 to vector<16xf32>
    %max3A_77 = arith.maximumf %get3A_74, %max3A_76 : vector<16xf32>
    %min3A_78 = arith.constant 0.000000e+00 : f32
    %min3A_79 = vector.broadcast %min3A_78 : f32 to vector<16xf32>
    %min3A_80 = arith.minimumf %get3A_74, %min3A_79 : vector<16xf32>
    %mul3A_81 = arith.mulf %get3A_3, %min3A_80 : vector<16xf32>
    %add3A_82 = arith.addf %max3A_77, %mul3A_81 : vector<16xf32>
    %swap3A_83 = arith.constant 96 : index
    %swap3A_84 = tpu.vector_load %arg10[%swap3A_83] {strides = array<i32>} : memref<160xf32, #tpu.memory_space<vmem>>, vector<16xf32>,
    tpu.vector_store %arg10[%swap3A_83], %add3A_82 {strides = array<i32>} : memref<160xf32, #tpu.memory_space<vmem>>, vector<16xf32>,
    %get3A_85 = arith.constant 112 : index
    %get3A_86 = tpu.vector_load %arg10[%get3A_85] {strides = array<i32>} : memref<160xf32, #tpu.memory_space<vmem>>, vector<16xf32>,
    %max3A_87 = arith.constant 0.000000e+00 : f32
    %max3A_88 = vector.broadcast %max3A_87 : f32 to vector<16xf32>
    %max3A_89 = arith.maximumf %get3A_86, %max3A_88 : vector<16xf32>
    %min3A_90 = arith.constant 0.000000e+00 : f32
    %min3A_91 = vector.broadcast %min3A_90 : f32 to vector<16xf32>
    %min3A_92 = arith.minimumf %get3A_86, %min3A_91 : vector<16xf32>
    %mul3A_93 = arith.mulf %get3A_3, %min3A_92 : vector<16xf32>
    %add3A_94 = arith.addf %max3A_89, %mul3A_93 : vector<16xf32>
    %swap3A_95 = arith.constant 112 : index
    %swap3A_96 = tpu.vector_load %arg10[%swap3A_95] {strides = array<i32>} : memref<160xf32, #tpu.memory_space<vmem>>, vector<16xf32>,
    tpu.vector_store %arg10[%swap3A_95], %add3A_94 {strides = array<i32>} : memref<160xf32, #tpu.memory_space<vmem>>, vector<16xf32>,
    %get3A_97 = arith.constant 128 : index
    %get3A_98 = tpu.vector_load %arg10[%get3A_97] {strides = array<i32>} : memref<160xf32, #tpu.memory_space<vmem>>, vector<16xf32>,
    %max3A_99 = arith.constant 0.000000e+00 : f32
    %max3A_100 = vector.broadcast %max3A_99 : f32 to vector<16xf32>
    %max3A_101 = arith.maximumf %get3A_98, %max3A_100 : vector<16xf32>
    %min3A_102 = arith.constant 0.000000e+00 : f32
    %min3A_103 = vector.broadcast %min3A_102 : f32 to vector<16xf32>
    %min3A_104 = arith.minimumf %get3A_98, %min3A_103 : vector<16xf32>
    %mul3A_105 = arith.mulf %get3A_3, %min3A_104 : vector<16xf32>
    %add3A_106 = arith.addf %max3A_101, %mul3A_105 : vector<16xf32>
    %swap3A_107 = arith.constant 128 : index
    %swap3A_108 = tpu.vector_load %arg10[%swap3A_107] {strides = array<i32>} : memref<160xf32, #tpu.memory_space<vmem>>, vector<16xf32>,
    tpu.vector_store %arg10[%swap3A_107], %add3A_106 {strides = array<i32>} : memref<160xf32, #tpu.memory_space<vmem>>, vector<16xf32>,
    %get3A_109 = arith.constant 144 : index
    %get3A_110 = tpu.vector_load %arg10[%get3A_109] {strides = array<i32>} : memref<160xf32, #tpu.memory_space<vmem>>, vector<16xf32>,
    %max3A_111 = arith.constant 0.000000e+00 : f32
    %max3A_112 = vector.broadcast %max3A_111 : f32 to vector<16xf32>
    %max3A_113 = arith.maximumf %get3A_110, %max3A_112 : vector<16xf32>
    %min3A_114 = arith.constant 0.000000e+00 : f32
    %min3A_115 = vector.broadcast %min3A_114 : f32 to vector<16xf32>
    %min3A_116 = arith.minimumf %get3A_110, %min3A_115 : vector<16xf32>
    %mul3A_117 = arith.mulf %get3A_3, %min3A_116 : vector<16xf32>
    %add3A_118 = arith.addf %max3A_113, %mul3A_117 : vector<16xf32>
    %swap3A_119 = arith.constant 144 : index
    %swap3A_120 = tpu.vector_load %arg10[%swap3A_119] {strides = array<i32>} : memref<160xf32, #tpu.memory_space<vmem>>, vector<16xf32>,
    tpu.vector_store %arg10[%swap3A_119], %add3A_118 {strides = array<i32>} : memref<160xf32, #tpu.memory_space<vmem>>, vector<16xf32>,
    %add3A_121 = arith.constant 0 : i32
    %add3A_122 = arith.addi %mul3A_2, %add3A_121 : i32
    %dma_start3A = arith.constant 0 : i32
    %dma_start3A_123 = arith.constant 0 : i32
    %dma_start3A_124 = tpu.memref_slice %arg2[%dma_start3A, %dma_start3A_123, %add3A_122] : memref<10x200x16384xf32, #tpu.memory_space<hbm>> -> memref<10x8x256xf32, #tpu.memory_space<hbm>>
    %dma_start3A_125 = arith.constant 0 : i32
    %dma_start3A_126 = arith.constant 0 : i32
    %dma_start3A_127 = tpu.memref_slice %arg2[%dma_start3A_125, %dma_start3A_126, %add3A_122] : memref<10x200x16384xf32, #tpu.memory_space<hbm>> -> memref<10x8x256xf32, #tpu.memory_space<hbm>>
    tpu.enqueue_dma source(%dma_start3A_127 : memref<10x8x256xf32, #tpu.memory_space<hbm>>) target(%arg6 : memref<10x8x256xf32, #tpu.memory_space<vmem>>) target_semaphore(%arg12 : memref<!tpu.dma_semaphore, #tpu.memory_space<semaphore_mem>>)
    %add3A_128 = arith.constant 0 : i32
    %add3A_129 = arith.addi %mul3A_2, %add3A_128 : i32
    %dma_start3A_130 = arith.constant 0 : i32
    %dma_start3A_131 = arith.constant 8 : i32
    %dma_start3A_132 = tpu.memref_slice %arg2[%dma_start3A_130, %dma_start3A_131, %add3A_129] : memref<10x200x16384xf32, #tpu.memory_space<hbm>> -> memref<10x8x256xf32, #tpu.memory_space<hbm>>
    %dma_start3A_133 = arith.constant 0 : i32
    %dma_start3A_134 = arith.constant 8 : i32
    %dma_start3A_135 = tpu.memref_slice %arg2[%dma_start3A_133, %dma_start3A_134, %add3A_129] : memref<10x200x16384xf32, #tpu.memory_space<hbm>> -> memref<10x8x256xf32, #tpu.memory_space<hbm>>
    tpu.enqueue_dma source(%dma_start3A_135 : memref<10x8x256xf32, #tpu.memory_space<hbm>>) target(%arg7 : memref<10x8x256xf32, #tpu.memory_space<vmem>>) target_semaphore(%arg13 : memref<!tpu.dma_semaphore, #tpu.memory_space<semaphore_mem>>)
    %scan3A = arith.constant 0 : i32
    %scan3A_136 = arith.constant 0 : i32
    %scan3A_137 = arith.constant 25 : i32
    %scan3A_138 = arith.addi %scan3A_136, %scan3A_137 : i32
    %scan3A_139 = arith.constant 1 : i32
    scf.for %scan3A_156 = %scan3A_136 to %scan3A_138 step %scan3A_139  : i32 {
      %mul3A_157 = arith.constant 2 : i32
      %mul3A_158 = arith.muli %scan3A_156, %mul3A_157 : i32
      %add3A_159 = arith.constant 0 : i32
      %add3A_160 = arith.addi %mul3A_158, %add3A_159 : i32
      %jit3A = arith.constant 25 : i32
      %div3A = arith.divsi %add3A_160, %jit3A : i32
      %sign3A = arith.constant 0 : i32
      %sign3A_161 = arith.cmpi sgt, %add3A_160, %sign3A : i32
      %sign3A_162 = arith.extui %sign3A_161 : i1 to i32
      %sign3A_163 = arith.constant 0 : i32
      %sign3A_164 = arith.cmpi slt, %add3A_160, %sign3A_163 : i32
      %sign3A_165 = arith.extui %sign3A_164 : i1 to i32
      %sign3A_166 = arith.subi %sign3A_162, %sign3A_165 : i32
      %sign3A_167 = arith.constant 0 : i32
      %sign3A_168 = arith.cmpi sgt, %jit3A, %sign3A_167 : i32
      %sign3A_169 = arith.extui %sign3A_168 : i1 to i32
      %sign3A_170 = arith.constant 0 : i32
      %sign3A_171 = arith.cmpi slt, %jit3A, %sign3A_170 : i32
      %sign3A_172 = arith.extui %sign3A_171 : i1 to i32
      %sign3A_173 = arith.subi %sign3A_169, %sign3A_172 : i32
      %ne3A = arith.cmpi ne, %sign3A_166, %sign3A_173 : i32
      %rem3A = arith.remsi %add3A_160, %jit3A : i32
      %ne3A_174 = arith.constant 0 : i32
      %ne3A_175 = arith.cmpi ne, %rem3A, %ne3A_174 : i32
      %and3A = arith.andi %ne3A, %ne3A_175 : i1
      %sub3A = arith.constant 1 : i32
      %sub3A_176 = arith.subi %div3A, %sub3A : i32
      %select_n3A = arith.select %and3A, %sub3A_176, %div3A : i32
      %jit3A_177 = arith.constant 25 : i32
      %eq3A = arith.constant 0 : i32
      %eq3A_178 = arith.cmpi eq, %jit3A_177, %eq3A : i32
      %jit3A_179 = arith.constant 1 : i32
      %select_n3A_180 = arith.select %eq3A_178, %jit3A_179, %jit3A_177 : i32
      %rem3A_181 = arith.remsi %add3A_160, %select_n3A_180 : i32
      %ne3A_182 = arith.constant 0 : i32
      %ne3A_183 = arith.cmpi ne, %rem3A_181, %ne3A_182 : i32
      %lt3A = arith.constant 0 : i32
      %lt3A_184 = arith.cmpi slt, %rem3A_181, %lt3A : i32
      %lt3A_185 = arith.constant 0 : i32
      %lt3A_186 = arith.cmpi slt, %select_n3A_180, %lt3A_185 : i32
      %ne3A_187 = arith.xori %lt3A_184, %lt3A_186 : i1
      %and3A_188 = arith.andi %ne3A_187, %ne3A_183 : i1
      %add3A_189 = arith.addi %rem3A_181, %select_n3A_180 : i32
      %select_n3A_190 = arith.select %and3A_188, %add3A_189, %rem3A_181 : i32
      %mul3A_191 = arith.constant 8 : i32
      %mul3A_192 = arith.muli %select_n3A_190, %mul3A_191 : i32
      %mul3A_193 = arith.constant 256 : i32
      %mul3A_194 = arith.muli %select_n3A, %mul3A_193 : i32
      %add3A_195 = arith.addi %mul3A_2, %mul3A_194 : i32
      %dma_wait3A_196 = arith.constant 0 : i32
      %dma_wait3A_197 = tpu.memref_slice %arg2[%dma_wait3A_196, %mul3A_192, %add3A_195] : memref<10x200x16384xf32, #tpu.memory_space<hbm>> -> memref<10x8x256xf32, #tpu.memory_space<hbm>>
      %dma_wait3A_198 = arith.constant 0 : i32
      %dma_wait3A_199 = tpu.memref_slice %arg2[%dma_wait3A_198, %mul3A_192, %add3A_195] : memref<10x200x16384xf32, #tpu.memory_space<hbm>> -> memref<10x8x256xf32, #tpu.memory_space<hbm>>
      tpu.wait_dma2 semaphore(%arg12 : memref<!tpu.dma_semaphore, #tpu.memory_space<semaphore_mem>>) src(%dma_wait3A_199 : memref<10x8x256xf32, #tpu.memory_space<hbm>>) dst(%arg6 : memref<10x8x256xf32, #tpu.memory_space<vmem>>)
      %ge3A = arith.constant 2 : i32
      %ge3A_200 = arith.cmpi sge, %add3A_160, %ge3A : i32
      %convert_element_type3A = arith.extui %ge3A_200 : i1 to i32
      %cond3A = arith.constant 0 : i32
      %cond3A_201 = arith.cmpi ne, %convert_element_type3A, %cond3A : i32
      scf.if %cond3A_201 {
        %sub3A_377 = arith.constant 2 : i32
        %sub3A_378 = arith.subi %add3A_160, %sub3A_377 : i32
        %jit3A_379 = arith.constant 25 : i32
        %div3A_380 = arith.divsi %sub3A_378, %jit3A_379 : i32
        %sign3A_381 = arith.constant 0 : i32
        %sign3A_382 = arith.cmpi sgt, %sub3A_378, %sign3A_381 : i32
        %sign3A_383 = arith.extui %sign3A_382 : i1 to i32
        %sign3A_384 = arith.constant 0 : i32
        %sign3A_385 = arith.cmpi slt, %sub3A_378, %sign3A_384 : i32
        %sign3A_386 = arith.extui %sign3A_385 : i1 to i32
        %sign3A_387 = arith.subi %sign3A_383, %sign3A_386 : i32
        %sign3A_388 = arith.constant 0 : i32
        %sign3A_389 = arith.cmpi sgt, %jit3A_379, %sign3A_388 : i32
        %sign3A_390 = arith.extui %sign3A_389 : i1 to i32
        %sign3A_391 = arith.constant 0 : i32
        %sign3A_392 = arith.cmpi slt, %jit3A_379, %sign3A_391 : i32
        %sign3A_393 = arith.extui %sign3A_392 : i1 to i32
        %sign3A_394 = arith.subi %sign3A_390, %sign3A_393 : i32
        %ne3A_395 = arith.cmpi ne, %sign3A_387, %sign3A_394 : i32
        %rem3A_396 = arith.remsi %sub3A_378, %jit3A_379 : i32
        %ne3A_397 = arith.constant 0 : i32
        %ne3A_398 = arith.cmpi ne, %rem3A_396, %ne3A_397 : i32
        %and3A_399 = arith.andi %ne3A_395, %ne3A_398 : i1
        %sub3A_400 = arith.constant 1 : i32
        %sub3A_401 = arith.subi %div3A_380, %sub3A_400 : i32
        %select_n3A_402 = arith.select %and3A_399, %sub3A_401, %div3A_380 : i32
        %jit3A_403 = arith.constant 25 : i32
        %eq3A_404 = arith.constant 0 : i32
        %eq3A_405 = arith.cmpi eq, %jit3A_403, %eq3A_404 : i32
        %jit3A_406 = arith.constant 1 : i32
        %select_n3A_407 = arith.select %eq3A_405, %jit3A_406, %jit3A_403 : i32
        %rem3A_408 = arith.remsi %sub3A_378, %select_n3A_407 : i32
        %ne3A_409 = arith.constant 0 : i32
        %ne3A_410 = arith.cmpi ne, %rem3A_408, %ne3A_409 : i32
        %lt3A_411 = arith.constant 0 : i32
        %lt3A_412 = arith.cmpi slt, %rem3A_408, %lt3A_411 : i32
        %lt3A_413 = arith.constant 0 : i32
        %lt3A_414 = arith.cmpi slt, %select_n3A_407, %lt3A_413 : i32
        %ne3A_415 = arith.xori %lt3A_412, %lt3A_414 : i1
        %and3A_416 = arith.andi %ne3A_415, %ne3A_410 : i1
        %add3A_417 = arith.addi %rem3A_408, %select_n3A_407 : i32
        %select_n3A_418 = arith.select %and3A_416, %add3A_417, %rem3A_408 : i32
        %mul3A_419 = arith.constant 8 : i32
        %mul3A_420 = arith.muli %select_n3A_418, %mul3A_419 : i32
        %mul3A_421 = arith.constant 256 : i32
        %mul3A_422 = arith.muli %select_n3A_402, %mul3A_421 : i32
        %add3A_423 = arith.addi %mul3A_2, %mul3A_422 : i32
        %dma_wait3A_424 = arith.constant 0 : i32
        %dma_wait3A_425 = tpu.memref_slice %arg5[%mul3A_420, %dma_wait3A_424, %add3A_423] : memref<200x16x16384xf32, #tpu.memory_space<hbm>> -> memref<8x16x256xf32, #tpu.memory_space<hbm>>
        %dma_wait3A_426 = arith.constant 0 : i32
        %dma_wait3A_427 = tpu.memref_slice %arg5[%mul3A_420, %dma_wait3A_426, %add3A_423] : memref<200x16x16384xf32, #tpu.memory_space<hbm>> -> memref<8x16x256xf32, #tpu.memory_space<hbm>>
        tpu.wait_dma2 semaphore(%arg14 : memref<!tpu.dma_semaphore, #tpu.memory_space<semaphore_mem>>) src(%arg8 : memref<8x16x256xf32, #tpu.memory_space<vmem>>) dst(%dma_wait3A_427 : memref<8x16x256xf32, #tpu.memory_space<hbm>>)
      } else {
      }
      %parallel_loop3A = arith.constant 0 : i32
      %parallel_loop3A_202 = arith.constant 128 : i32
      %parallel_loop3A_203 = arith.constant 1 : i32
      scf.for %parallel_loop3A_377 = %parallel_loop3A to %parallel_loop3A_202 step %parallel_loop3A_203  : i32 {
        %parallel_loop3A_378 = arith.constant 4 : i32
        %parallel_loop3A_379 = arith.shrsi %parallel_loop3A_377, %parallel_loop3A_378 : i32
        %parallel_loop3A_380 = arith.constant 15 : i32
        %parallel_loop3A_381 = arith.andi %parallel_loop3A_377, %parallel_loop3A_380 : i32
        %parallel_loop3A_382 = arith.constant 16 : i32
        %parallel_loop3A_383 = arith.muli %parallel_loop3A_381, %parallel_loop3A_382 : i32
        %parallel_loop3A_384 = arith.constant 0 : i32
        %parallel_loop3A_385 = arith.index_cast %parallel_loop3A_384 : i32 to index
        %parallel_loop3A_386 = arith.index_cast %parallel_loop3A_379 : i32 to index
        %parallel_loop3A_387 = arith.index_cast %parallel_loop3A_383 : i32 to index
        %parallel_loop3A_388 = tpu.vector_load %arg6[%parallel_loop3A_385, %parallel_loop3A_386, %parallel_loop3A_387] {strides = array<i32>} : memref<10x8x256xf32, #tpu.memory_space<vmem>>, vector<16xf32>,
        %parallel_loop3A_389 = arith.constant 0 : i32
        %parallel_loop3A_390 = vector.broadcast %parallel_loop3A_389 : i32 to vector<16xi32>
        %parallel_loop3A_391 = arith.constant 1 : i32
        %parallel_loop3A_392 = arith.index_cast %parallel_loop3A_391 : i32 to index
        %parallel_loop3A_393 = arith.index_cast %parallel_loop3A_379 : i32 to index
        %parallel_loop3A_394 = arith.index_cast %parallel_loop3A_383 : i32 to index
        %parallel_loop3A_395 = tpu.vector_load %arg6[%parallel_loop3A_392, %parallel_loop3A_393, %parallel_loop3A_394] {strides = array<i32>} : memref<10x8x256xf32, #tpu.memory_space<vmem>>, vector<16xf32>,
        %parallel_loop3A_396 = arith.cmpf ogt, %parallel_loop3A_395, %parallel_loop3A_388 : vector<16xf32>
        %parallel_loop3A_397 = arith.select %parallel_loop3A_396, %parallel_loop3A_395, %parallel_loop3A_388 : vector<16xi1>, vector<16xf32>
        %parallel_loop3A_398 = arith.constant 1 : i32
        %parallel_loop3A_399 = vector.broadcast %parallel_loop3A_398 : i32 to vector<16xi32>
        %parallel_loop3A_400 = arith.select %parallel_loop3A_396, %parallel_loop3A_399, %parallel_loop3A_390 : vector<16xi1>, vector<16xi32>
        %parallel_loop3A_401 = arith.constant 2 : i32
        %parallel_loop3A_402 = arith.index_cast %parallel_loop3A_401 : i32 to index
        %parallel_loop3A_403 = arith.index_cast %parallel_loop3A_379 : i32 to index
        %parallel_loop3A_404 = arith.index_cast %parallel_loop3A_383 : i32 to index
        %parallel_loop3A_405 = tpu.vector_load %arg6[%parallel_loop3A_402, %parallel_loop3A_403, %parallel_loop3A_404] {strides = array<i32>} : memref<10x8x256xf32, #tpu.memory_space<vmem>>, vector<16xf32>,
        %parallel_loop3A_406 = arith.cmpf ogt, %parallel_loop3A_405, %parallel_loop3A_397 : vector<16xf32>
        %parallel_loop3A_407 = arith.select %parallel_loop3A_406, %parallel_loop3A_405, %parallel_loop3A_397 : vector<16xi1>, vector<16xf32>
        %parallel_loop3A_408 = arith.constant 2 : i32
        %parallel_loop3A_409 = vector.broadcast %parallel_loop3A_408 : i32 to vector<16xi32>
        %parallel_loop3A_410 = arith.select %parallel_loop3A_406, %parallel_loop3A_409, %parallel_loop3A_400 : vector<16xi1>, vector<16xi32>
        %parallel_loop3A_411 = arith.constant 3 : i32
        %parallel_loop3A_412 = arith.index_cast %parallel_loop3A_411 : i32 to index
        %parallel_loop3A_413 = arith.index_cast %parallel_loop3A_379 : i32 to index
        %parallel_loop3A_414 = arith.index_cast %parallel_loop3A_383 : i32 to index
        %parallel_loop3A_415 = tpu.vector_load %arg6[%parallel_loop3A_412, %parallel_loop3A_413, %parallel_loop3A_414] {strides = array<i32>} : memref<10x8x256xf32, #tpu.memory_space<vmem>>, vector<16xf32>,
        %parallel_loop3A_416 = arith.cmpf ogt, %parallel_loop3A_415, %parallel_loop3A_407 : vector<16xf32>
        %parallel_loop3A_417 = arith.select %parallel_loop3A_416, %parallel_loop3A_415, %parallel_loop3A_407 : vector<16xi1>, vector<16xf32>
        %parallel_loop3A_418 = arith.constant 3 : i32
        %parallel_loop3A_419 = vector.broadcast %parallel_loop3A_418 : i32 to vector<16xi32>
        %parallel_loop3A_420 = arith.select %parallel_loop3A_416, %parallel_loop3A_419, %parallel_loop3A_410 : vector<16xi1>, vector<16xi32>
        %parallel_loop3A_421 = arith.constant 4 : i32
        %parallel_loop3A_422 = arith.index_cast %parallel_loop3A_421 : i32 to index
        %parallel_loop3A_423 = arith.index_cast %parallel_loop3A_379 : i32 to index
        %parallel_loop3A_424 = arith.index_cast %parallel_loop3A_383 : i32 to index
        %parallel_loop3A_425 = tpu.vector_load %arg6[%parallel_loop3A_422, %parallel_loop3A_423, %parallel_loop3A_424] {strides = array<i32>} : memref<10x8x256xf32, #tpu.memory_space<vmem>>, vector<16xf32>,
        %parallel_loop3A_426 = arith.cmpf ogt, %parallel_loop3A_425, %parallel_loop3A_417 : vector<16xf32>
        %parallel_loop3A_427 = arith.select %parallel_loop3A_426, %parallel_loop3A_425, %parallel_loop3A_417 : vector<16xi1>, vector<16xf32>
        %parallel_loop3A_428 = arith.constant 4 : i32
        %parallel_loop3A_429 = vector.broadcast %parallel_loop3A_428 : i32 to vector<16xi32>
        %parallel_loop3A_430 = arith.select %parallel_loop3A_426, %parallel_loop3A_429, %parallel_loop3A_420 : vector<16xi1>, vector<16xi32>
        %parallel_loop3A_431 = arith.constant 5 : i32
        %parallel_loop3A_432 = arith.index_cast %parallel_loop3A_431 : i32 to index
        %parallel_loop3A_433 = arith.index_cast %parallel_loop3A_379 : i32 to index
        %parallel_loop3A_434 = arith.index_cast %parallel_loop3A_383 : i32 to index
        %parallel_loop3A_435 = tpu.vector_load %arg6[%parallel_loop3A_432, %parallel_loop3A_433, %parallel_loop3A_434] {strides = array<i32>} : memref<10x8x256xf32, #tpu.memory_space<vmem>>, vector<16xf32>,
        %parallel_loop3A_436 = arith.cmpf ogt, %parallel_loop3A_435, %parallel_loop3A_427 : vector<16xf32>
        %parallel_loop3A_437 = arith.select %parallel_loop3A_436, %parallel_loop3A_435, %parallel_loop3A_427 : vector<16xi1>, vector<16xf32>
        %parallel_loop3A_438 = arith.constant 5 : i32
        %parallel_loop3A_439 = vector.broadcast %parallel_loop3A_438 : i32 to vector<16xi32>
        %parallel_loop3A_440 = arith.select %parallel_loop3A_436, %parallel_loop3A_439, %parallel_loop3A_430 : vector<16xi1>, vector<16xi32>
        %parallel_loop3A_441 = arith.constant 6 : i32
        %parallel_loop3A_442 = arith.index_cast %parallel_loop3A_441 : i32 to index
        %parallel_loop3A_443 = arith.index_cast %parallel_loop3A_379 : i32 to index
        %parallel_loop3A_444 = arith.index_cast %parallel_loop3A_383 : i32 to index
        %parallel_loop3A_445 = tpu.vector_load %arg6[%parallel_loop3A_442, %parallel_loop3A_443, %parallel_loop3A_444] {strides = array<i32>} : memref<10x8x256xf32, #tpu.memory_space<vmem>>, vector<16xf32>,
        %parallel_loop3A_446 = arith.cmpf ogt, %parallel_loop3A_445, %parallel_loop3A_437 : vector<16xf32>
        %parallel_loop3A_447 = arith.select %parallel_loop3A_446, %parallel_loop3A_445, %parallel_loop3A_437 : vector<16xi1>, vector<16xf32>
        %parallel_loop3A_448 = arith.constant 6 : i32
        %parallel_loop3A_449 = vector.broadcast %parallel_loop3A_448 : i32 to vector<16xi32>
        %parallel_loop3A_450 = arith.select %parallel_loop3A_446, %parallel_loop3A_449, %parallel_loop3A_440 : vector<16xi1>, vector<16xi32>
        %parallel_loop3A_451 = arith.constant 7 : i32
        %parallel_loop3A_452 = arith.index_cast %parallel_loop3A_451 : i32 to index
        %parallel_loop3A_453 = arith.index_cast %parallel_loop3A_379 : i32 to index
        %parallel_loop3A_454 = arith.index_cast %parallel_loop3A_383 : i32 to index
        %parallel_loop3A_455 = tpu.vector_load %arg6[%parallel_loop3A_452, %parallel_loop3A_453, %parallel_loop3A_454] {strides = array<i32>} : memref<10x8x256xf32, #tpu.memory_space<vmem>>, vector<16xf32>,
        %parallel_loop3A_456 = arith.cmpf ogt, %parallel_loop3A_455, %parallel_loop3A_447 : vector<16xf32>
        %parallel_loop3A_457 = arith.select %parallel_loop3A_456, %parallel_loop3A_455, %parallel_loop3A_447 : vector<16xi1>, vector<16xf32>
        %parallel_loop3A_458 = arith.constant 7 : i32
        %parallel_loop3A_459 = vector.broadcast %parallel_loop3A_458 : i32 to vector<16xi32>
        %parallel_loop3A_460 = arith.select %parallel_loop3A_456, %parallel_loop3A_459, %parallel_loop3A_450 : vector<16xi1>, vector<16xi32>
        %parallel_loop3A_461 = arith.constant 8 : i32
        %parallel_loop3A_462 = arith.index_cast %parallel_loop3A_461 : i32 to index
        %parallel_loop3A_463 = arith.index_cast %parallel_loop3A_379 : i32 to index
        %parallel_loop3A_464 = arith.index_cast %parallel_loop3A_383 : i32 to index
        %parallel_loop3A_465 = tpu.vector_load %arg6[%parallel_loop3A_462, %parallel_loop3A_463, %parallel_loop3A_464] {strides = array<i32>} : memref<10x8x256xf32, #tpu.memory_space<vmem>>, vector<16xf32>,
        %parallel_loop3A_466 = arith.cmpf ogt, %parallel_loop3A_465, %parallel_loop3A_457 : vector<16xf32>
        %parallel_loop3A_467 = arith.select %parallel_loop3A_466, %parallel_loop3A_465, %parallel_loop3A_457 : vector<16xi1>, vector<16xf32>
        %parallel_loop3A_468 = arith.constant 8 : i32
        %parallel_loop3A_469 = vector.broadcast %parallel_loop3A_468 : i32 to vector<16xi32>
        %parallel_loop3A_470 = arith.select %parallel_loop3A_466, %parallel_loop3A_469, %parallel_loop3A_460 : vector<16xi1>, vector<16xi32>
        %parallel_loop3A_471 = arith.constant 9 : i32
        %parallel_loop3A_472 = arith.index_cast %parallel_loop3A_471 : i32 to index
        %parallel_loop3A_473 = arith.index_cast %parallel_loop3A_379 : i32 to index
        %parallel_loop3A_474 = arith.index_cast %parallel_loop3A_383 : i32 to index
        %parallel_loop3A_475 = tpu.vector_load %arg6[%parallel_loop3A_472, %parallel_loop3A_473, %parallel_loop3A_474] {strides = array<i32>} : memref<10x8x256xf32, #tpu.memory_space<vmem>>, vector<16xf32>,
        %parallel_loop3A_476 = arith.cmpf ogt, %parallel_loop3A_475, %parallel_loop3A_467 : vector<16xf32>
        %parallel_loop3A_477 = arith.select %parallel_loop3A_476, %parallel_loop3A_475, %parallel_loop3A_467 : vector<16xi1>, vector<16xf32>
        %parallel_loop3A_478 = arith.constant 9 : i32
        %parallel_loop3A_479 = vector.broadcast %parallel_loop3A_478 : i32 to vector<16xi32>
        %parallel_loop3A_480 = arith.select %parallel_loop3A_476, %parallel_loop3A_479, %parallel_loop3A_470 : vector<16xi1>, vector<16xi32>
        %parallel_loop3A_481 = arith.constant 0 : i32
        %parallel_loop3A_482 = vector.broadcast %parallel_loop3A_481 : i32 to vector<16xi32>
        %parallel_loop3A_483 = arith.addi %parallel_loop3A_480, %parallel_loop3A_482 : vector<16xi32>
        %parallel_loop3A_484 = tpu.vector_load_idx %arg10[%parallel_loop3A_483] : memref<160xf32, #tpu.memory_space<vmem>>[vector<16xi32>], vector<16xf32>,
        %parallel_loop3A_485 = arith.constant 0 : i32
        %parallel_loop3A_486 = arith.index_cast %parallel_loop3A_379 : i32 to index
        %parallel_loop3A_487 = arith.index_cast %parallel_loop3A_485 : i32 to index
        %parallel_loop3A_488 = arith.index_cast %parallel_loop3A_383 : i32 to index
        %parallel_loop3A_489 = tpu.vector_load %arg8[%parallel_loop3A_486, %parallel_loop3A_487, %parallel_loop3A_488] {strides = array<i32>} : memref<8x16x256xf32, #tpu.memory_space<vmem>>, vector<16xf32>,
        tpu.vector_store %arg8[%parallel_loop3A_486, %parallel_loop3A_487, %parallel_loop3A_488], %parallel_loop3A_484 {strides = array<i32>} : memref<8x16x256xf32, #tpu.memory_space<vmem>>, vector<16xf32>,
        %parallel_loop3A_490 = arith.constant 10 : i32
        %parallel_loop3A_491 = vector.broadcast %parallel_loop3A_490 : i32 to vector<16xi32>
        %parallel_loop3A_492 = arith.addi %parallel_loop3A_480, %parallel_loop3A_491 : vector<16xi32>
        %parallel_loop3A_493 = tpu.vector_load_idx %arg10[%parallel_loop3A_492] : memref<160xf32, #tpu.memory_space<vmem>>[vector<16xi32>], vector<16xf32>,
        %parallel_loop3A_494 = arith.constant 1 : i32
        %parallel_loop3A_495 = arith.index_cast %parallel_loop3A_379 : i32 to index
        %parallel_loop3A_496 = arith.index_cast %parallel_loop3A_494 : i32 to index
        %parallel_loop3A_497 = arith.index_cast %parallel_loop3A_383 : i32 to index
        %parallel_loop3A_498 = tpu.vector_load %arg8[%parallel_loop3A_495, %parallel_loop3A_496, %parallel_loop3A_497] {strides = array<i32>} : memref<8x16x256xf32, #tpu.memory_space<vmem>>, vector<16xf32>,
        tpu.vector_store %arg8[%parallel_loop3A_495, %parallel_loop3A_496, %parallel_loop3A_497], %parallel_loop3A_493 {strides = array<i32>} : memref<8x16x256xf32, #tpu.memory_space<vmem>>, vector<16xf32>,
        %parallel_loop3A_499 = arith.constant 20 : i32
        %parallel_loop3A_500 = vector.broadcast %parallel_loop3A_499 : i32 to vector<16xi32>
        %parallel_loop3A_501 = arith.addi %parallel_loop3A_480, %parallel_loop3A_500 : vector<16xi32>
        %parallel_loop3A_502 = tpu.vector_load_idx %arg10[%parallel_loop3A_501] : memref<160xf32, #tpu.memory_space<vmem>>[vector<16xi32>], vector<16xf32>,
        %parallel_loop3A_503 = arith.constant 2 : i32
        %parallel_loop3A_504 = arith.index_cast %parallel_loop3A_379 : i32 to index
        %parallel_loop3A_505 = arith.index_cast %parallel_loop3A_503 : i32 to index
        %parallel_loop3A_506 = arith.index_cast %parallel_loop3A_383 : i32 to index
        %parallel_loop3A_507 = tpu.vector_load %arg8[%parallel_loop3A_504, %parallel_loop3A_505, %parallel_loop3A_506] {strides = array<i32>} : memref<8x16x256xf32, #tpu.memory_space<vmem>>, vector<16xf32>,
        tpu.vector_store %arg8[%parallel_loop3A_504, %parallel_loop3A_505, %parallel_loop3A_506], %parallel_loop3A_502 {strides = array<i32>} : memref<8x16x256xf32, #tpu.memory_space<vmem>>, vector<16xf32>,
        %parallel_loop3A_508 = arith.constant 30 : i32
        %parallel_loop3A_509 = vector.broadcast %parallel_loop3A_508 : i32 to vector<16xi32>
        %parallel_loop3A_510 = arith.addi %parallel_loop3A_480, %parallel_loop3A_509 : vector<16xi32>
        %parallel_loop3A_511 = tpu.vector_load_idx %arg10[%parallel_loop3A_510] : memref<160xf32, #tpu.memory_space<vmem>>[vector<16xi32>], vector<16xf32>,
        %parallel_loop3A_512 = arith.constant 3 : i32
        %parallel_loop3A_513 = arith.index_cast %parallel_loop3A_379 : i32 to index
        %parallel_loop3A_514 = arith.index_cast %parallel_loop3A_512 : i32 to index
        %parallel_loop3A_515 = arith.index_cast %parallel_loop3A_383 : i32 to index
        %parallel_loop3A_516 = tpu.vector_load %arg8[%parallel_loop3A_513, %parallel_loop3A_514, %parallel_loop3A_515] {strides = array<i32>} : memref<8x16x256xf32, #tpu.memory_space<vmem>>, vector<16xf32>,
        tpu.vector_store %arg8[%parallel_loop3A_513, %parallel_loop3A_514, %parallel_loop3A_515], %parallel_loop3A_511 {strides = array<i32>} : memref<8x16x256xf32, #tpu.memory_space<vmem>>, vector<16xf32>,
        %parallel_loop3A_517 = arith.constant 40 : i32
        %parallel_loop3A_518 = vector.broadcast %parallel_loop3A_517 : i32 to vector<16xi32>
        %parallel_loop3A_519 = arith.addi %parallel_loop3A_480, %parallel_loop3A_518 : vector<16xi32>
        %parallel_loop3A_520 = tpu.vector_load_idx %arg10[%parallel_loop3A_519] : memref<160xf32, #tpu.memory_space<vmem>>[vector<16xi32>], vector<16xf32>,
        %parallel_loop3A_521 = arith.constant 4 : i32
        %parallel_loop3A_522 = arith.index_cast %parallel_loop3A_379 : i32 to index
        %parallel_loop3A_523 = arith.index_cast %parallel_loop3A_521 : i32 to index
        %parallel_loop3A_524 = arith.index_cast %parallel_loop3A_383 : i32 to index
        %parallel_loop3A_525 = tpu.vector_load %arg8[%parallel_loop3A_522, %parallel_loop3A_523, %parallel_loop3A_524] {strides = array<i32>} : memref<8x16x256xf32, #tpu.memory_space<vmem>>, vector<16xf32>,
        tpu.vector_store %arg8[%parallel_loop3A_522, %parallel_loop3A_523, %parallel_loop3A_524], %parallel_loop3A_520 {strides = array<i32>} : memref<8x16x256xf32, #tpu.memory_space<vmem>>, vector<16xf32>,
        %parallel_loop3A_526 = arith.constant 50 : i32
        %parallel_loop3A_527 = vector.broadcast %parallel_loop3A_526 : i32 to vector<16xi32>
        %parallel_loop3A_528 = arith.addi %parallel_loop3A_480, %parallel_loop3A_527 : vector<16xi32>
        %parallel_loop3A_529 = tpu.vector_load_idx %arg10[%parallel_loop3A_528] : memref<160xf32, #tpu.memory_space<vmem>>[vector<16xi32>], vector<16xf32>,
        %parallel_loop3A_530 = arith.constant 5 : i32
        %parallel_loop3A_531 = arith.index_cast %parallel_loop3A_379 : i32 to index
        %parallel_loop3A_532 = arith.index_cast %parallel_loop3A_530 : i32 to index
        %parallel_loop3A_533 = arith.index_cast %parallel_loop3A_383 : i32 to index
        %parallel_loop3A_534 = tpu.vector_load %arg8[%parallel_loop3A_531, %parallel_loop3A_532, %parallel_loop3A_533] {strides = array<i32>} : memref<8x16x256xf32, #tpu.memory_space<vmem>>, vector<16xf32>,
        tpu.vector_store %arg8[%parallel_loop3A_531, %parallel_loop3A_532, %parallel_loop3A_533], %parallel_loop3A_529 {strides = array<i32>} : memref<8x16x256xf32, #tpu.memory_space<vmem>>, vector<16xf32>,
        %parallel_loop3A_535 = arith.constant 60 : i32
        %parallel_loop3A_536 = vector.broadcast %parallel_loop3A_535 : i32 to vector<16xi32>
        %parallel_loop3A_537 = arith.addi %parallel_loop3A_480, %parallel_loop3A_536 : vector<16xi32>
        %parallel_loop3A_538 = tpu.vector_load_idx %arg10[%parallel_loop3A_537] : memref<160xf32, #tpu.memory_space<vmem>>[vector<16xi32>], vector<16xf32>,
        %parallel_loop3A_539 = arith.constant 6 : i32
        %parallel_loop3A_540 = arith.index_cast %parallel_loop3A_379 : i32 to index
        %parallel_loop3A_541 = arith.index_cast %parallel_loop3A_539 : i32 to index
        %parallel_loop3A_542 = arith.index_cast %parallel_loop3A_383 : i32 to index
        %parallel_loop3A_543 = tpu.vector_load %arg8[%parallel_loop3A_540, %parallel_loop3A_541, %parallel_loop3A_542] {strides = array<i32>} : memref<8x16x256xf32, #tpu.memory_space<vmem>>, vector<16xf32>,
        tpu.vector_store %arg8[%parallel_loop3A_540, %parallel_loop3A_541, %parallel_loop3A_542], %parallel_loop3A_538 {strides = array<i32>} : memref<8x16x256xf32, #tpu.memory_space<vmem>>, vector<16xf32>,
        %parallel_loop3A_544 = arith.constant 70 : i32
        %parallel_loop3A_545 = vector.broadcast %parallel_loop3A_544 : i32 to vector<16xi32>
        %parallel_loop3A_546 = arith.addi %parallel_loop3A_480, %parallel_loop3A_545 : vector<16xi32>
        %parallel_loop3A_547 = tpu.vector_load_idx %arg10[%parallel_loop3A_546] : memref<160xf32, #tpu.memory_space<vmem>>[vector<16xi32>], vector<16xf32>,
        %parallel_loop3A_548 = arith.constant 7 : i32
        %parallel_loop3A_549 = arith.index_cast %parallel_loop3A_379 : i32 to index
        %parallel_loop3A_550 = arith.index_cast %parallel_loop3A_548 : i32 to index
        %parallel_loop3A_551 = arith.index_cast %parallel_loop3A_383 : i32 to index
        %parallel_loop3A_552 = tpu.vector_load %arg8[%parallel_loop3A_549, %parallel_loop3A_550, %parallel_loop3A_551] {strides = array<i32>} : memref<8x16x256xf32, #tpu.memory_space<vmem>>, vector<16xf32>,
        tpu.vector_store %arg8[%parallel_loop3A_549, %parallel_loop3A_550, %parallel_loop3A_551], %parallel_loop3A_547 {strides = array<i32>} : memref<8x16x256xf32, #tpu.memory_space<vmem>>, vector<16xf32>,
        %parallel_loop3A_553 = arith.constant 80 : i32
        %parallel_loop3A_554 = vector.broadcast %parallel_loop3A_553 : i32 to vector<16xi32>
        %parallel_loop3A_555 = arith.addi %parallel_loop3A_480, %parallel_loop3A_554 : vector<16xi32>
        %parallel_loop3A_556 = tpu.vector_load_idx %arg10[%parallel_loop3A_555] : memref<160xf32, #tpu.memory_space<vmem>>[vector<16xi32>], vector<16xf32>,
        %parallel_loop3A_557 = arith.constant 8 : i32
        %parallel_loop3A_558 = arith.index_cast %parallel_loop3A_379 : i32 to index
        %parallel_loop3A_559 = arith.index_cast %parallel_loop3A_557 : i32 to index
        %parallel_loop3A_560 = arith.index_cast %parallel_loop3A_383 : i32 to index
        %parallel_loop3A_561 = tpu.vector_load %arg8[%parallel_loop3A_558, %parallel_loop3A_559, %parallel_loop3A_560] {strides = array<i32>} : memref<8x16x256xf32, #tpu.memory_space<vmem>>, vector<16xf32>,
        tpu.vector_store %arg8[%parallel_loop3A_558, %parallel_loop3A_559, %parallel_loop3A_560], %parallel_loop3A_556 {strides = array<i32>} : memref<8x16x256xf32, #tpu.memory_space<vmem>>, vector<16xf32>,
        %parallel_loop3A_562 = arith.constant 90 : i32
        %parallel_loop3A_563 = vector.broadcast %parallel_loop3A_562 : i32 to vector<16xi32>
        %parallel_loop3A_564 = arith.addi %parallel_loop3A_480, %parallel_loop3A_563 : vector<16xi32>
        %parallel_loop3A_565 = tpu.vector_load_idx %arg10[%parallel_loop3A_564] : memref<160xf32, #tpu.memory_space<vmem>>[vector<16xi32>], vector<16xf32>,
        %parallel_loop3A_566 = arith.constant 9 : i32
        %parallel_loop3A_567 = arith.index_cast %parallel_loop3A_379 : i32 to index
        %parallel_loop3A_568 = arith.index_cast %parallel_loop3A_566 : i32 to index
        %parallel_loop3A_569 = arith.index_cast %parallel_loop3A_383 : i32 to index
        %parallel_loop3A_570 = tpu.vector_load %arg8[%parallel_loop3A_567, %parallel_loop3A_568, %parallel_loop3A_569] {strides = array<i32>} : memref<8x16x256xf32, #tpu.memory_space<vmem>>, vector<16xf32>,
        tpu.vector_store %arg8[%parallel_loop3A_567, %parallel_loop3A_568, %parallel_loop3A_569], %parallel_loop3A_565 {strides = array<i32>} : memref<8x16x256xf32, #tpu.memory_space<vmem>>, vector<16xf32>,
        %parallel_loop3A_571 = arith.constant 100 : i32
        %parallel_loop3A_572 = vector.broadcast %parallel_loop3A_571 : i32 to vector<16xi32>
        %parallel_loop3A_573 = arith.addi %parallel_loop3A_480, %parallel_loop3A_572 : vector<16xi32>
        %parallel_loop3A_574 = tpu.vector_load_idx %arg10[%parallel_loop3A_573] : memref<160xf32, #tpu.memory_space<vmem>>[vector<16xi32>], vector<16xf32>,
        %parallel_loop3A_575 = arith.constant 10 : i32
        %parallel_loop3A_576 = arith.index_cast %parallel_loop3A_379 : i32 to index
        %parallel_loop3A_577 = arith.index_cast %parallel_loop3A_575 : i32 to index
        %parallel_loop3A_578 = arith.index_cast %parallel_loop3A_383 : i32 to index
        %parallel_loop3A_579 = tpu.vector_load %arg8[%parallel_loop3A_576, %parallel_loop3A_577, %parallel_loop3A_578] {strides = array<i32>} : memref<8x16x256xf32, #tpu.memory_space<vmem>>, vector<16xf32>,
        tpu.vector_store %arg8[%parallel_loop3A_576, %parallel_loop3A_577, %parallel_loop3A_578], %parallel_loop3A_574 {strides = array<i32>} : memref<8x16x256xf32, #tpu.memory_space<vmem>>, vector<16xf32>,
        %parallel_loop3A_580 = arith.constant 110 : i32
        %parallel_loop3A_581 = vector.broadcast %parallel_loop3A_580 : i32 to vector<16xi32>
        %parallel_loop3A_582 = arith.addi %parallel_loop3A_480, %parallel_loop3A_581 : vector<16xi32>
        %parallel_loop3A_583 = tpu.vector_load_idx %arg10[%parallel_loop3A_582] : memref<160xf32, #tpu.memory_space<vmem>>[vector<16xi32>], vector<16xf32>,
        %parallel_loop3A_584 = arith.constant 11 : i32
        %parallel_loop3A_585 = arith.index_cast %parallel_loop3A_379 : i32 to index
        %parallel_loop3A_586 = arith.index_cast %parallel_loop3A_584 : i32 to index
        %parallel_loop3A_587 = arith.index_cast %parallel_loop3A_383 : i32 to index
        %parallel_loop3A_588 = tpu.vector_load %arg8[%parallel_loop3A_585, %parallel_loop3A_586, %parallel_loop3A_587] {strides = array<i32>} : memref<8x16x256xf32, #tpu.memory_space<vmem>>, vector<16xf32>,
        tpu.vector_store %arg8[%parallel_loop3A_585, %parallel_loop3A_586, %parallel_loop3A_587], %parallel_loop3A_583 {strides = array<i32>} : memref<8x16x256xf32, #tpu.memory_space<vmem>>, vector<16xf32>,
        %parallel_loop3A_589 = arith.constant 120 : i32
        %parallel_loop3A_590 = vector.broadcast %parallel_loop3A_589 : i32 to vector<16xi32>
        %parallel_loop3A_591 = arith.addi %parallel_loop3A_480, %parallel_loop3A_590 : vector<16xi32>
        %parallel_loop3A_592 = tpu.vector_load_idx %arg10[%parallel_loop3A_591] : memref<160xf32, #tpu.memory_space<vmem>>[vector<16xi32>], vector<16xf32>,
        %parallel_loop3A_593 = arith.constant 12 : i32
        %parallel_loop3A_594 = arith.index_cast %parallel_loop3A_379 : i32 to index
        %parallel_loop3A_595 = arith.index_cast %parallel_loop3A_593 : i32 to index
        %parallel_loop3A_596 = arith.index_cast %parallel_loop3A_383 : i32 to index
        %parallel_loop3A_597 = tpu.vector_load %arg8[%parallel_loop3A_594, %parallel_loop3A_595, %parallel_loop3A_596] {strides = array<i32>} : memref<8x16x256xf32, #tpu.memory_space<vmem>>, vector<16xf32>,
        tpu.vector_store %arg8[%parallel_loop3A_594, %parallel_loop3A_595, %parallel_loop3A_596], %parallel_loop3A_592 {strides = array<i32>} : memref<8x16x256xf32, #tpu.memory_space<vmem>>, vector<16xf32>,
        %parallel_loop3A_598 = arith.constant 130 : i32
        %parallel_loop3A_599 = vector.broadcast %parallel_loop3A_598 : i32 to vector<16xi32>
        %parallel_loop3A_600 = arith.addi %parallel_loop3A_480, %parallel_loop3A_599 : vector<16xi32>
        %parallel_loop3A_601 = tpu.vector_load_idx %arg10[%parallel_loop3A_600] : memref<160xf32, #tpu.memory_space<vmem>>[vector<16xi32>], vector<16xf32>,
        %parallel_loop3A_602 = arith.constant 13 : i32
        %parallel_loop3A_603 = arith.index_cast %parallel_loop3A_379 : i32 to index
        %parallel_loop3A_604 = arith.index_cast %parallel_loop3A_602 : i32 to index
        %parallel_loop3A_605 = arith.index_cast %parallel_loop3A_383 : i32 to index
        %parallel_loop3A_606 = tpu.vector_load %arg8[%parallel_loop3A_603, %parallel_loop3A_604, %parallel_loop3A_605] {strides = array<i32>} : memref<8x16x256xf32, #tpu.memory_space<vmem>>, vector<16xf32>,
        tpu.vector_store %arg8[%parallel_loop3A_603, %parallel_loop3A_604, %parallel_loop3A_605], %parallel_loop3A_601 {strides = array<i32>} : memref<8x16x256xf32, #tpu.memory_space<vmem>>, vector<16xf32>,
        %parallel_loop3A_607 = arith.constant 140 : i32
        %parallel_loop3A_608 = vector.broadcast %parallel_loop3A_607 : i32 to vector<16xi32>
        %parallel_loop3A_609 = arith.addi %parallel_loop3A_480, %parallel_loop3A_608 : vector<16xi32>
        %parallel_loop3A_610 = tpu.vector_load_idx %arg10[%parallel_loop3A_609] : memref<160xf32, #tpu.memory_space<vmem>>[vector<16xi32>], vector<16xf32>,
        %parallel_loop3A_611 = arith.constant 14 : i32
        %parallel_loop3A_612 = arith.index_cast %parallel_loop3A_379 : i32 to index
        %parallel_loop3A_613 = arith.index_cast %parallel_loop3A_611 : i32 to index
        %parallel_loop3A_614 = arith.index_cast %parallel_loop3A_383 : i32 to index
        %parallel_loop3A_615 = tpu.vector_load %arg8[%parallel_loop3A_612, %parallel_loop3A_613, %parallel_loop3A_614] {strides = array<i32>} : memref<8x16x256xf32, #tpu.memory_space<vmem>>, vector<16xf32>,
        tpu.vector_store %arg8[%parallel_loop3A_612, %parallel_loop3A_613, %parallel_loop3A_614], %parallel_loop3A_610 {strides = array<i32>} : memref<8x16x256xf32, #tpu.memory_space<vmem>>, vector<16xf32>,
        %parallel_loop3A_616 = arith.constant 150 : i32
        %parallel_loop3A_617 = vector.broadcast %parallel_loop3A_616 : i32 to vector<16xi32>
        %parallel_loop3A_618 = arith.addi %parallel_loop3A_480, %parallel_loop3A_617 : vector<16xi32>
        %parallel_loop3A_619 = tpu.vector_load_idx %arg10[%parallel_loop3A_618] : memref<160xf32, #tpu.memory_space<vmem>>[vector<16xi32>], vector<16xf32>,
        %parallel_loop3A_620 = arith.constant 15 : i32
        %parallel_loop3A_621 = arith.index_cast %parallel_loop3A_379 : i32 to index
        %parallel_loop3A_622 = arith.index_cast %parallel_loop3A_620 : i32 to index
        %parallel_loop3A_623 = arith.index_cast %parallel_loop3A_383 : i32 to index
        %parallel_loop3A_624 = tpu.vector_load %arg8[%parallel_loop3A_621, %parallel_loop3A_622, %parallel_loop3A_623] {strides = array<i32>} : memref<8x16x256xf32, #tpu.memory_space<vmem>>, vector<16xf32>,
        tpu.vector_store %arg8[%parallel_loop3A_621, %parallel_loop3A_622, %parallel_loop3A_623], %parallel_loop3A_619 {strides = array<i32>} : memref<8x16x256xf32, #tpu.memory_space<vmem>>, vector<16xf32>,
      } {sc.loop_unroll_factor = 2 : i64, sc.parallel_access}
      %jit3A_204 = arith.constant 25 : i32
      %div3A_205 = arith.divsi %add3A_160, %jit3A_204 : i32
      %sign3A_206 = arith.constant 0 : i32
      %sign3A_207 = arith.cmpi sgt, %add3A_160, %sign3A_206 : i32
      %sign3A_208 = arith.extui %sign3A_207 : i1 to i32
      %sign3A_209 = arith.constant 0 : i32
      %sign3A_210 = arith.cmpi slt, %add3A_160, %sign3A_209 : i32
      %sign3A_211 = arith.extui %sign3A_210 : i1 to i32
      %sign3A_212 = arith.subi %sign3A_208, %sign3A_211 : i32
      %sign3A_213 = arith.constant 0 : i32
      %sign3A_214 = arith.cmpi sgt, %jit3A_204, %sign3A_213 : i32
      %sign3A_215 = arith.extui %sign3A_214 : i1 to i32
      %sign3A_216 = arith.constant 0 : i32
      %sign3A_217 = arith.cmpi slt, %jit3A_204, %sign3A_216 : i32
      %sign3A_218 = arith.extui %sign3A_217 : i1 to i32
      %sign3A_219 = arith.subi %sign3A_215, %sign3A_218 : i32
      %ne3A_220 = arith.cmpi ne, %sign3A_212, %sign3A_219 : i32
      %rem3A_221 = arith.remsi %add3A_160, %jit3A_204 : i32
      %ne3A_222 = arith.constant 0 : i32
      %ne3A_223 = arith.cmpi ne, %rem3A_221, %ne3A_222 : i32
      %and3A_224 = arith.andi %ne3A_220, %ne3A_223 : i1
      %sub3A_225 = arith.constant 1 : i32
      %sub3A_226 = arith.subi %div3A_205, %sub3A_225 : i32
      %select_n3A_227 = arith.select %and3A_224, %sub3A_226, %div3A_205 : i32
      %jit3A_228 = arith.constant 25 : i32
      %eq3A_229 = arith.constant 0 : i32
      %eq3A_230 = arith.cmpi eq, %jit3A_228, %eq3A_229 : i32
      %jit3A_231 = arith.constant 1 : i32
      %select_n3A_232 = arith.select %eq3A_230, %jit3A_231, %jit3A_228 : i32
      %rem3A_233 = arith.remsi %add3A_160, %select_n3A_232 : i32
      %ne3A_234 = arith.constant 0 : i32
      %ne3A_235 = arith.cmpi ne, %rem3A_233, %ne3A_234 : i32
      %lt3A_236 = arith.constant 0 : i32
      %lt3A_237 = arith.cmpi slt, %rem3A_233, %lt3A_236 : i32
      %lt3A_238 = arith.constant 0 : i32
      %lt3A_239 = arith.cmpi slt, %select_n3A_232, %lt3A_238 : i32
      %ne3A_240 = arith.xori %lt3A_237, %lt3A_239 : i1
      %and3A_241 = arith.andi %ne3A_240, %ne3A_235 : i1
      %add3A_242 = arith.addi %rem3A_233, %select_n3A_232 : i32
      %select_n3A_243 = arith.select %and3A_241, %add3A_242, %rem3A_233 : i32
      %mul3A_244 = arith.constant 8 : i32
      %mul3A_245 = arith.muli %select_n3A_243, %mul3A_244 : i32
      %mul3A_246 = arith.constant 256 : i32
      %mul3A_247 = arith.muli %select_n3A_227, %mul3A_246 : i32
      %add3A_248 = arith.addi %mul3A_2, %mul3A_247 : i32
      %dma_start3A_249 = arith.constant 0 : i32
      %dma_start3A_250 = tpu.memref_slice %arg5[%mul3A_245, %dma_start3A_249, %add3A_248] : memref<200x16x16384xf32, #tpu.memory_space<hbm>> -> memref<8x16x256xf32, #tpu.memory_space<hbm>>
      %dma_start3A_251 = arith.constant 0 : i32
      %dma_start3A_252 = tpu.memref_slice %arg5[%mul3A_245, %dma_start3A_251, %add3A_248] : memref<200x16x16384xf32, #tpu.memory_space<hbm>> -> memref<8x16x256xf32, #tpu.memory_space<hbm>>
      tpu.enqueue_dma source(%arg8 : memref<8x16x256xf32, #tpu.memory_space<vmem>>) target(%dma_start3A_252 : memref<8x16x256xf32, #tpu.memory_space<hbm>>) target_semaphore(%arg14 : memref<!tpu.dma_semaphore, #tpu.memory_space<semaphore_mem>>)
      %add3A_253 = arith.constant 2 : i32
      %add3A_254 = arith.addi %add3A_160, %add3A_253 : i32
      %lt3A_255 = arith.constant 50 : i32
      %lt3A_256 = arith.cmpi slt, %add3A_254, %lt3A_255 : i32
      %convert_element_type3A_257 = arith.extui %lt3A_256 : i1 to i32
      %cond3A_258 = arith.constant 0 : i32
      %cond3A_259 = arith.cmpi ne, %convert_element_type3A_257, %cond3A_258 : i32
      scf.if %cond3A_259 {
        %add3A_377 = arith.constant 2 : i32
        %add3A_378 = arith.addi %add3A_160, %add3A_377 : i32
        %jit3A_379 = arith.constant 25 : i32
        %div3A_380 = arith.divsi %add3A_378, %jit3A_379 : i32
        %sign3A_381 = arith.constant 0 : i32
        %sign3A_382 = arith.cmpi sgt, %add3A_378, %sign3A_381 : i32
        %sign3A_383 = arith.extui %sign3A_382 : i1 to i32
        %sign3A_384 = arith.constant 0 : i32
        %sign3A_385 = arith.cmpi slt, %add3A_378, %sign3A_384 : i32
        %sign3A_386 = arith.extui %sign3A_385 : i1 to i32
        %sign3A_387 = arith.subi %sign3A_383, %sign3A_386 : i32
        %sign3A_388 = arith.constant 0 : i32
        %sign3A_389 = arith.cmpi sgt, %jit3A_379, %sign3A_388 : i32
        %sign3A_390 = arith.extui %sign3A_389 : i1 to i32
        %sign3A_391 = arith.constant 0 : i32
        %sign3A_392 = arith.cmpi slt, %jit3A_379, %sign3A_391 : i32
        %sign3A_393 = arith.extui %sign3A_392 : i1 to i32
        %sign3A_394 = arith.subi %sign3A_390, %sign3A_393 : i32
        %ne3A_395 = arith.cmpi ne, %sign3A_387, %sign3A_394 : i32
        %rem3A_396 = arith.remsi %add3A_378, %jit3A_379 : i32
        %ne3A_397 = arith.constant 0 : i32
        %ne3A_398 = arith.cmpi ne, %rem3A_396, %ne3A_397 : i32
        %and3A_399 = arith.andi %ne3A_395, %ne3A_398 : i1
        %sub3A_400 = arith.constant 1 : i32
        %sub3A_401 = arith.subi %div3A_380, %sub3A_400 : i32
        %select_n3A_402 = arith.select %and3A_399, %sub3A_401, %div3A_380 : i32
        %jit3A_403 = arith.constant 25 : i32
        %eq3A_404 = arith.constant 0 : i32
        %eq3A_405 = arith.cmpi eq, %jit3A_403, %eq3A_404 : i32
        %jit3A_406 = arith.constant 1 : i32
        %select_n3A_407 = arith.select %eq3A_405, %jit3A_406, %jit3A_403 : i32
        %rem3A_408 = arith.remsi %add3A_378, %select_n3A_407 : i32
        %ne3A_409 = arith.constant 0 : i32
        %ne3A_410 = arith.cmpi ne, %rem3A_408, %ne3A_409 : i32
        %lt3A_411 = arith.constant 0 : i32
        %lt3A_412 = arith.cmpi slt, %rem3A_408, %lt3A_411 : i32
        %lt3A_413 = arith.constant 0 : i32
        %lt3A_414 = arith.cmpi slt, %select_n3A_407, %lt3A_413 : i32
        %ne3A_415 = arith.xori %lt3A_412, %lt3A_414 : i1
        %and3A_416 = arith.andi %ne3A_415, %ne3A_410 : i1
        %add3A_417 = arith.addi %rem3A_408, %select_n3A_407 : i32
        %select_n3A_418 = arith.select %and3A_416, %add3A_417, %rem3A_408 : i32
        %mul3A_419 = arith.constant 8 : i32
        %mul3A_420 = arith.muli %select_n3A_418, %mul3A_419 : i32
        %mul3A_421 = arith.constant 256 : i32
        %mul3A_422 = arith.muli %select_n3A_402, %mul3A_421 : i32
        %add3A_423 = arith.addi %mul3A_2, %mul3A_422 : i32
        %dma_start3A_424 = arith.constant 0 : i32
        %dma_start3A_425 = tpu.memref_slice %arg2[%dma_start3A_424, %mul3A_420, %add3A_423] : memref<10x200x16384xf32, #tpu.memory_space<hbm>> -> memref<10x8x256xf32, #tpu.memory_space<hbm>>
        %dma_start3A_426 = arith.constant 0 : i32
        %dma_start3A_427 = tpu.memref_slice %arg2[%dma_start3A_426, %mul3A_420, %add3A_423] : memref<10x200x16384xf32, #tpu.memory_space<hbm>> -> memref<10x8x256xf32, #tpu.memory_space<hbm>>
        tpu.enqueue_dma source(%dma_start3A_427 : memref<10x8x256xf32, #tpu.memory_space<hbm>>) target(%arg6 : memref<10x8x256xf32, #tpu.memory_space<vmem>>) target_semaphore(%arg12 : memref<!tpu.dma_semaphore, #tpu.memory_space<semaphore_mem>>)
      } else {
      }
      %mul3A_260 = arith.constant 2 : i32
      %mul3A_261 = arith.muli %scan3A_156, %mul3A_260 : i32
      %add3A_262 = arith.constant 1 : i32
      %add3A_263 = arith.addi %mul3A_261, %add3A_262 : i32
      %jit3A_264 = arith.constant 25 : i32
      %div3A_265 = arith.divsi %add3A_263, %jit3A_264 : i32
      %sign3A_266 = arith.constant 0 : i32
      %sign3A_267 = arith.cmpi sgt, %add3A_263, %sign3A_266 : i32
      %sign3A_268 = arith.extui %sign3A_267 : i1 to i32
      %sign3A_269 = arith.constant 0 : i32
      %sign3A_270 = arith.cmpi slt, %add3A_263, %sign3A_269 : i32
      %sign3A_271 = arith.extui %sign3A_270 : i1 to i32
      %sign3A_272 = arith.subi %sign3A_268, %sign3A_271 : i32
      %sign3A_273 = arith.constant 0 : i32
      %sign3A_274 = arith.cmpi sgt, %jit3A_264, %sign3A_273 : i32
      %sign3A_275 = arith.extui %sign3A_274 : i1 to i32
      %sign3A_276 = arith.constant 0 : i32
      %sign3A_277 = arith.cmpi slt, %jit3A_264, %sign3A_276 : i32
      %sign3A_278 = arith.extui %sign3A_277 : i1 to i32
      %sign3A_279 = arith.subi %sign3A_275, %sign3A_278 : i32
      %ne3A_280 = arith.cmpi ne, %sign3A_272, %sign3A_279 : i32
      %rem3A_281 = arith.remsi %add3A_263, %jit3A_264 : i32
      %ne3A_282 = arith.constant 0 : i32
      %ne3A_283 = arith.cmpi ne, %rem3A_281, %ne3A_282 : i32
      %and3A_284 = arith.andi %ne3A_280, %ne3A_283 : i1
      %sub3A_285 = arith.constant 1 : i32
      %sub3A_286 = arith.subi %div3A_265, %sub3A_285 : i32
      %select_n3A_287 = arith.select %and3A_284, %sub3A_286, %div3A_265 : i32
      %jit3A_288 = arith.constant 25 : i32
      %eq3A_289 = arith.constant 0 : i32
      %eq3A_290 = arith.cmpi eq, %jit3A_288, %eq3A_289 : i32
      %jit3A_291 = arith.constant 1 : i32
      %select_n3A_292 = arith.select %eq3A_290, %jit3A_291, %jit3A_288 : i32
      %rem3A_293 = arith.remsi %add3A_263, %select_n3A_292 : i32
      %ne3A_294 = arith.constant 0 : i32
      %ne3A_295 = arith.cmpi ne, %rem3A_293, %ne3A_294 : i32
      %lt3A_296 = arith.constant 0 : i32
      %lt3A_297 = arith.cmpi slt, %rem3A_293, %lt3A_296 : i32
      %lt3A_298 = arith.constant 0 : i32
      %lt3A_299 = arith.cmpi slt, %select_n3A_292, %lt3A_298 : i32
      %ne3A_300 = arith.xori %lt3A_297, %lt3A_299 : i1
      %and3A_301 = arith.andi %ne3A_300, %ne3A_295 : i1
      %add3A_302 = arith.addi %rem3A_293, %select_n3A_292 : i32
      %select_n3A_303 = arith.select %and3A_301, %add3A_302, %rem3A_293 : i32
      %mul3A_304 = arith.constant 8 : i32
      %mul3A_305 = arith.muli %select_n3A_303, %mul3A_304 : i32
      %mul3A_306 = arith.constant 256 : i32
      %mul3A_307 = arith.muli %select_n3A_287, %mul3A_306 : i32
      %add3A_308 = arith.addi %mul3A_2, %mul3A_307 : i32
      %dma_wait3A_309 = arith.constant 0 : i32
      %dma_wait3A_310 = tpu.memref_slice %arg2[%dma_wait3A_309, %mul3A_305, %add3A_308] : memref<10x200x16384xf32, #tpu.memory_space<hbm>> -> memref<10x8x256xf32, #tpu.memory_space<hbm>>
      %dma_wait3A_311 = arith.constant 0 : i32
      %dma_wait3A_312 = tpu.memref_slice %arg2[%dma_wait3A_311, %mul3A_305, %add3A_308] : memref<10x200x16384xf32, #tpu.memory_space<hbm>> -> memref<10x8x256xf32, #tpu.memory_space<hbm>>
      tpu.wait_dma2 semaphore(%arg13 : memref<!tpu.dma_semaphore, #tpu.memory_space<semaphore_mem>>) src(%dma_wait3A_312 : memref<10x8x256xf32, #tpu.memory_space<hbm>>) dst(%arg7 : memref<10x8x256xf32, #tpu.memory_space<vmem>>)
      %ge3A_313 = arith.constant 2 : i32
      %ge3A_314 = arith.cmpi sge, %add3A_263, %ge3A_313 : i32
      %convert_element_type3A_315 = arith.extui %ge3A_314 : i1 to i32
      %cond3A_316 = arith.constant 0 : i32
      %cond3A_317 = arith.cmpi ne, %convert_element_type3A_315, %cond3A_316 : i32
      scf.if %cond3A_317 {
        %sub3A_377 = arith.constant 2 : i32
        %sub3A_378 = arith.subi %add3A_263, %sub3A_377 : i32
        %jit3A_379 = arith.constant 25 : i32
        %div3A_380 = arith.divsi %sub3A_378, %jit3A_379 : i32
        %sign3A_381 = arith.constant 0 : i32
        %sign3A_382 = arith.cmpi sgt, %sub3A_378, %sign3A_381 : i32
        %sign3A_383 = arith.extui %sign3A_382 : i1 to i32
        %sign3A_384 = arith.constant 0 : i32
        %sign3A_385 = arith.cmpi slt, %sub3A_378, %sign3A_384 : i32
        %sign3A_386 = arith.extui %sign3A_385 : i1 to i32
        %sign3A_387 = arith.subi %sign3A_383, %sign3A_386 : i32
        %sign3A_388 = arith.constant 0 : i32
        %sign3A_389 = arith.cmpi sgt, %jit3A_379, %sign3A_388 : i32
        %sign3A_390 = arith.extui %sign3A_389 : i1 to i32
        %sign3A_391 = arith.constant 0 : i32
        %sign3A_392 = arith.cmpi slt, %jit3A_379, %sign3A_391 : i32
        %sign3A_393 = arith.extui %sign3A_392 : i1 to i32
        %sign3A_394 = arith.subi %sign3A_390, %sign3A_393 : i32
        %ne3A_395 = arith.cmpi ne, %sign3A_387, %sign3A_394 : i32
        %rem3A_396 = arith.remsi %sub3A_378, %jit3A_379 : i32
        %ne3A_397 = arith.constant 0 : i32
        %ne3A_398 = arith.cmpi ne, %rem3A_396, %ne3A_397 : i32
        %and3A_399 = arith.andi %ne3A_395, %ne3A_398 : i1
        %sub3A_400 = arith.constant 1 : i32
        %sub3A_401 = arith.subi %div3A_380, %sub3A_400 : i32
        %select_n3A_402 = arith.select %and3A_399, %sub3A_401, %div3A_380 : i32
        %jit3A_403 = arith.constant 25 : i32
        %eq3A_404 = arith.constant 0 : i32
        %eq3A_405 = arith.cmpi eq, %jit3A_403, %eq3A_404 : i32
        %jit3A_406 = arith.constant 1 : i32
        %select_n3A_407 = arith.select %eq3A_405, %jit3A_406, %jit3A_403 : i32
        %rem3A_408 = arith.remsi %sub3A_378, %select_n3A_407 : i32
        %ne3A_409 = arith.constant 0 : i32
        %ne3A_410 = arith.cmpi ne, %rem3A_408, %ne3A_409 : i32
        %lt3A_411 = arith.constant 0 : i32
        %lt3A_412 = arith.cmpi slt, %rem3A_408, %lt3A_411 : i32
        %lt3A_413 = arith.constant 0 : i32
        %lt3A_414 = arith.cmpi slt, %select_n3A_407, %lt3A_413 : i32
        %ne3A_415 = arith.xori %lt3A_412, %lt3A_414 : i1
        %and3A_416 = arith.andi %ne3A_415, %ne3A_410 : i1
        %add3A_417 = arith.addi %rem3A_408, %select_n3A_407 : i32
        %select_n3A_418 = arith.select %and3A_416, %add3A_417, %rem3A_408 : i32
        %mul3A_419 = arith.constant 8 : i32
        %mul3A_420 = arith.muli %select_n3A_418, %mul3A_419 : i32
        %mul3A_421 = arith.constant 256 : i32
        %mul3A_422 = arith.muli %select_n3A_402, %mul3A_421 : i32
        %add3A_423 = arith.addi %mul3A_2, %mul3A_422 : i32
        %dma_wait3A_424 = arith.constant 0 : i32
        %dma_wait3A_425 = tpu.memref_slice %arg5[%mul3A_420, %dma_wait3A_424, %add3A_423] : memref<200x16x16384xf32, #tpu.memory_space<hbm>> -> memref<8x16x256xf32, #tpu.memory_space<hbm>>
        %dma_wait3A_426 = arith.constant 0 : i32
        %dma_wait3A_427 = tpu.memref_slice %arg5[%mul3A_420, %dma_wait3A_426, %add3A_423] : memref<200x16x16384xf32, #tpu.memory_space<hbm>> -> memref<8x16x256xf32, #tpu.memory_space<hbm>>
        tpu.wait_dma2 semaphore(%arg15 : memref<!tpu.dma_semaphore, #tpu.memory_space<semaphore_mem>>) src(%arg9 : memref<8x16x256xf32, #tpu.memory_space<vmem>>) dst(%dma_wait3A_427 : memref<8x16x256xf32, #tpu.memory_space<hbm>>)
      } else {
      }
      %parallel_loop3A_318 = arith.constant 0 : i32
      %parallel_loop3A_319 = arith.constant 128 : i32
      %parallel_loop3A_320 = arith.constant 1 : i32
      scf.for %parallel_loop3A_377 = %parallel_loop3A_318 to %parallel_loop3A_319 step %parallel_loop3A_320  : i32 {
        %parallel_loop3A_378 = arith.constant 4 : i32
        %parallel_loop3A_379 = arith.shrsi %parallel_loop3A_377, %parallel_loop3A_378 : i32
        %parallel_loop3A_380 = arith.constant 15 : i32
        %parallel_loop3A_381 = arith.andi %parallel_loop3A_377, %parallel_loop3A_380 : i32
        %parallel_loop3A_382 = arith.constant 16 : i32
        %parallel_loop3A_383 = arith.muli %parallel_loop3A_381, %parallel_loop3A_382 : i32
        %parallel_loop3A_384 = arith.constant 0 : i32
        %parallel_loop3A_385 = arith.index_cast %parallel_loop3A_384 : i32 to index
        %parallel_loop3A_386 = arith.index_cast %parallel_loop3A_379 : i32 to index
        %parallel_loop3A_387 = arith.index_cast %parallel_loop3A_383 : i32 to index
        %parallel_loop3A_388 = tpu.vector_load %arg7[%parallel_loop3A_385, %parallel_loop3A_386, %parallel_loop3A_387] {strides = array<i32>} : memref<10x8x256xf32, #tpu.memory_space<vmem>>, vector<16xf32>,
        %parallel_loop3A_389 = arith.constant 0 : i32
        %parallel_loop3A_390 = vector.broadcast %parallel_loop3A_389 : i32 to vector<16xi32>
        %parallel_loop3A_391 = arith.constant 1 : i32
        %parallel_loop3A_392 = arith.index_cast %parallel_loop3A_391 : i32 to index
        %parallel_loop3A_393 = arith.index_cast %parallel_loop3A_379 : i32 to index
        %parallel_loop3A_394 = arith.index_cast %parallel_loop3A_383 : i32 to index
        %parallel_loop3A_395 = tpu.vector_load %arg7[%parallel_loop3A_392, %parallel_loop3A_393, %parallel_loop3A_394] {strides = array<i32>} : memref<10x8x256xf32, #tpu.memory_space<vmem>>, vector<16xf32>,
        %parallel_loop3A_396 = arith.cmpf ogt, %parallel_loop3A_395, %parallel_loop3A_388 : vector<16xf32>
        %parallel_loop3A_397 = arith.select %parallel_loop3A_396, %parallel_loop3A_395, %parallel_loop3A_388 : vector<16xi1>, vector<16xf32>
        %parallel_loop3A_398 = arith.constant 1 : i32
        %parallel_loop3A_399 = vector.broadcast %parallel_loop3A_398 : i32 to vector<16xi32>
        %parallel_loop3A_400 = arith.select %parallel_loop3A_396, %parallel_loop3A_399, %parallel_loop3A_390 : vector<16xi1>, vector<16xi32>
        %parallel_loop3A_401 = arith.constant 2 : i32
        %parallel_loop3A_402 = arith.index_cast %parallel_loop3A_401 : i32 to index
        %parallel_loop3A_403 = arith.index_cast %parallel_loop3A_379 : i32 to index
        %parallel_loop3A_404 = arith.index_cast %parallel_loop3A_383 : i32 to index
        %parallel_loop3A_405 = tpu.vector_load %arg7[%parallel_loop3A_402, %parallel_loop3A_403, %parallel_loop3A_404] {strides = array<i32>} : memref<10x8x256xf32, #tpu.memory_space<vmem>>, vector<16xf32>,
        %parallel_loop3A_406 = arith.cmpf ogt, %parallel_loop3A_405, %parallel_loop3A_397 : vector<16xf32>
        %parallel_loop3A_407 = arith.select %parallel_loop3A_406, %parallel_loop3A_405, %parallel_loop3A_397 : vector<16xi1>, vector<16xf32>
        %parallel_loop3A_408 = arith.constant 2 : i32
        %parallel_loop3A_409 = vector.broadcast %parallel_loop3A_408 : i32 to vector<16xi32>
        %parallel_loop3A_410 = arith.select %parallel_loop3A_406, %parallel_loop3A_409, %parallel_loop3A_400 : vector<16xi1>, vector<16xi32>
        %parallel_loop3A_411 = arith.constant 3 : i32
        %parallel_loop3A_412 = arith.index_cast %parallel_loop3A_411 : i32 to index
        %parallel_loop3A_413 = arith.index_cast %parallel_loop3A_379 : i32 to index
        %parallel_loop3A_414 = arith.index_cast %parallel_loop3A_383 : i32 to index
        %parallel_loop3A_415 = tpu.vector_load %arg7[%parallel_loop3A_412, %parallel_loop3A_413, %parallel_loop3A_414] {strides = array<i32>} : memref<10x8x256xf32, #tpu.memory_space<vmem>>, vector<16xf32>,
        %parallel_loop3A_416 = arith.cmpf ogt, %parallel_loop3A_415, %parallel_loop3A_407 : vector<16xf32>
        %parallel_loop3A_417 = arith.select %parallel_loop3A_416, %parallel_loop3A_415, %parallel_loop3A_407 : vector<16xi1>, vector<16xf32>
        %parallel_loop3A_418 = arith.constant 3 : i32
        %parallel_loop3A_419 = vector.broadcast %parallel_loop3A_418 : i32 to vector<16xi32>
        %parallel_loop3A_420 = arith.select %parallel_loop3A_416, %parallel_loop3A_419, %parallel_loop3A_410 : vector<16xi1>, vector<16xi32>
        %parallel_loop3A_421 = arith.constant 4 : i32
        %parallel_loop3A_422 = arith.index_cast %parallel_loop3A_421 : i32 to index
        %parallel_loop3A_423 = arith.index_cast %parallel_loop3A_379 : i32 to index
        %parallel_loop3A_424 = arith.index_cast %parallel_loop3A_383 : i32 to index
        %parallel_loop3A_425 = tpu.vector_load %arg7[%parallel_loop3A_422, %parallel_loop3A_423, %parallel_loop3A_424] {strides = array<i32>} : memref<10x8x256xf32, #tpu.memory_space<vmem>>, vector<16xf32>,
        %parallel_loop3A_426 = arith.cmpf ogt, %parallel_loop3A_425, %parallel_loop3A_417 : vector<16xf32>
        %parallel_loop3A_427 = arith.select %parallel_loop3A_426, %parallel_loop3A_425, %parallel_loop3A_417 : vector<16xi1>, vector<16xf32>
        %parallel_loop3A_428 = arith.constant 4 : i32
        %parallel_loop3A_429 = vector.broadcast %parallel_loop3A_428 : i32 to vector<16xi32>
        %parallel_loop3A_430 = arith.select %parallel_loop3A_426, %parallel_loop3A_429, %parallel_loop3A_420 : vector<16xi1>, vector<16xi32>
        %parallel_loop3A_431 = arith.constant 5 : i32
        %parallel_loop3A_432 = arith.index_cast %parallel_loop3A_431 : i32 to index
        %parallel_loop3A_433 = arith.index_cast %parallel_loop3A_379 : i32 to index
        %parallel_loop3A_434 = arith.index_cast %parallel_loop3A_383 : i32 to index
        %parallel_loop3A_435 = tpu.vector_load %arg7[%parallel_loop3A_432, %parallel_loop3A_433, %parallel_loop3A_434] {strides = array<i32>} : memref<10x8x256xf32, #tpu.memory_space<vmem>>, vector<16xf32>,
        %parallel_loop3A_436 = arith.cmpf ogt, %parallel_loop3A_435, %parallel_loop3A_427 : vector<16xf32>
        %parallel_loop3A_437 = arith.select %parallel_loop3A_436, %parallel_loop3A_435, %parallel_loop3A_427 : vector<16xi1>, vector<16xf32>
        %parallel_loop3A_438 = arith.constant 5 : i32
        %parallel_loop3A_439 = vector.broadcast %parallel_loop3A_438 : i32 to vector<16xi32>
        %parallel_loop3A_440 = arith.select %parallel_loop3A_436, %parallel_loop3A_439, %parallel_loop3A_430 : vector<16xi1>, vector<16xi32>
        %parallel_loop3A_441 = arith.constant 6 : i32
        %parallel_loop3A_442 = arith.index_cast %parallel_loop3A_441 : i32 to index
        %parallel_loop3A_443 = arith.index_cast %parallel_loop3A_379 : i32 to index
        %parallel_loop3A_444 = arith.index_cast %parallel_loop3A_383 : i32 to index
        %parallel_loop3A_445 = tpu.vector_load %arg7[%parallel_loop3A_442, %parallel_loop3A_443, %parallel_loop3A_444] {strides = array<i32>} : memref<10x8x256xf32, #tpu.memory_space<vmem>>, vector<16xf32>,
        %parallel_loop3A_446 = arith.cmpf ogt, %parallel_loop3A_445, %parallel_loop3A_437 : vector<16xf32>
        %parallel_loop3A_447 = arith.select %parallel_loop3A_446, %parallel_loop3A_445, %parallel_loop3A_437 : vector<16xi1>, vector<16xf32>
        %parallel_loop3A_448 = arith.constant 6 : i32
        %parallel_loop3A_449 = vector.broadcast %parallel_loop3A_448 : i32 to vector<16xi32>
        %parallel_loop3A_450 = arith.select %parallel_loop3A_446, %parallel_loop3A_449, %parallel_loop3A_440 : vector<16xi1>, vector<16xi32>
        %parallel_loop3A_451 = arith.constant 7 : i32
        %parallel_loop3A_452 = arith.index_cast %parallel_loop3A_451 : i32 to index
        %parallel_loop3A_453 = arith.index_cast %parallel_loop3A_379 : i32 to index
        %parallel_loop3A_454 = arith.index_cast %parallel_loop3A_383 : i32 to index
        %parallel_loop3A_455 = tpu.vector_load %arg7[%parallel_loop3A_452, %parallel_loop3A_453, %parallel_loop3A_454] {strides = array<i32>} : memref<10x8x256xf32, #tpu.memory_space<vmem>>, vector<16xf32>,
        %parallel_loop3A_456 = arith.cmpf ogt, %parallel_loop3A_455, %parallel_loop3A_447 : vector<16xf32>
        %parallel_loop3A_457 = arith.select %parallel_loop3A_456, %parallel_loop3A_455, %parallel_loop3A_447 : vector<16xi1>, vector<16xf32>
        %parallel_loop3A_458 = arith.constant 7 : i32
        %parallel_loop3A_459 = vector.broadcast %parallel_loop3A_458 : i32 to vector<16xi32>
        %parallel_loop3A_460 = arith.select %parallel_loop3A_456, %parallel_loop3A_459, %parallel_loop3A_450 : vector<16xi1>, vector<16xi32>
        %parallel_loop3A_461 = arith.constant 8 : i32
        %parallel_loop3A_462 = arith.index_cast %parallel_loop3A_461 : i32 to index
        %parallel_loop3A_463 = arith.index_cast %parallel_loop3A_379 : i32 to index
        %parallel_loop3A_464 = arith.index_cast %parallel_loop3A_383 : i32 to index
        %parallel_loop3A_465 = tpu.vector_load %arg7[%parallel_loop3A_462, %parallel_loop3A_463, %parallel_loop3A_464] {strides = array<i32>} : memref<10x8x256xf32, #tpu.memory_space<vmem>>, vector<16xf32>,
        %parallel_loop3A_466 = arith.cmpf ogt, %parallel_loop3A_465, %parallel_loop3A_457 : vector<16xf32>
        %parallel_loop3A_467 = arith.select %parallel_loop3A_466, %parallel_loop3A_465, %parallel_loop3A_457 : vector<16xi1>, vector<16xf32>
        %parallel_loop3A_468 = arith.constant 8 : i32
        %parallel_loop3A_469 = vector.broadcast %parallel_loop3A_468 : i32 to vector<16xi32>
        %parallel_loop3A_470 = arith.select %parallel_loop3A_466, %parallel_loop3A_469, %parallel_loop3A_460 : vector<16xi1>, vector<16xi32>
        %parallel_loop3A_471 = arith.constant 9 : i32
        %parallel_loop3A_472 = arith.index_cast %parallel_loop3A_471 : i32 to index
        %parallel_loop3A_473 = arith.index_cast %parallel_loop3A_379 : i32 to index
        %parallel_loop3A_474 = arith.index_cast %parallel_loop3A_383 : i32 to index
        %parallel_loop3A_475 = tpu.vector_load %arg7[%parallel_loop3A_472, %parallel_loop3A_473, %parallel_loop3A_474] {strides = array<i32>} : memref<10x8x256xf32, #tpu.memory_space<vmem>>, vector<16xf32>,
        %parallel_loop3A_476 = arith.cmpf ogt, %parallel_loop3A_475, %parallel_loop3A_467 : vector<16xf32>
        %parallel_loop3A_477 = arith.select %parallel_loop3A_476, %parallel_loop3A_475, %parallel_loop3A_467 : vector<16xi1>, vector<16xf32>
        %parallel_loop3A_478 = arith.constant 9 : i32
        %parallel_loop3A_479 = vector.broadcast %parallel_loop3A_478 : i32 to vector<16xi32>
        %parallel_loop3A_480 = arith.select %parallel_loop3A_476, %parallel_loop3A_479, %parallel_loop3A_470 : vector<16xi1>, vector<16xi32>
        %parallel_loop3A_481 = arith.constant 0 : i32
        %parallel_loop3A_482 = vector.broadcast %parallel_loop3A_481 : i32 to vector<16xi32>
        %parallel_loop3A_483 = arith.addi %parallel_loop3A_480, %parallel_loop3A_482 : vector<16xi32>
        %parallel_loop3A_484 = tpu.vector_load_idx %arg10[%parallel_loop3A_483] : memref<160xf32, #tpu.memory_space<vmem>>[vector<16xi32>], vector<16xf32>,
        %parallel_loop3A_485 = arith.constant 0 : i32
        %parallel_loop3A_486 = arith.index_cast %parallel_loop3A_379 : i32 to index
        %parallel_loop3A_487 = arith.index_cast %parallel_loop3A_485 : i32 to index
        %parallel_loop3A_488 = arith.index_cast %parallel_loop3A_383 : i32 to index
        %parallel_loop3A_489 = tpu.vector_load %arg9[%parallel_loop3A_486, %parallel_loop3A_487, %parallel_loop3A_488] {strides = array<i32>} : memref<8x16x256xf32, #tpu.memory_space<vmem>>, vector<16xf32>,
        tpu.vector_store %arg9[%parallel_loop3A_486, %parallel_loop3A_487, %parallel_loop3A_488], %parallel_loop3A_484 {strides = array<i32>} : memref<8x16x256xf32, #tpu.memory_space<vmem>>, vector<16xf32>,
        %parallel_loop3A_490 = arith.constant 10 : i32
        %parallel_loop3A_491 = vector.broadcast %parallel_loop3A_490 : i32 to vector<16xi32>
        %parallel_loop3A_492 = arith.addi %parallel_loop3A_480, %parallel_loop3A_491 : vector<16xi32>
        %parallel_loop3A_493 = tpu.vector_load_idx %arg10[%parallel_loop3A_492] : memref<160xf32, #tpu.memory_space<vmem>>[vector<16xi32>], vector<16xf32>,
        %parallel_loop3A_494 = arith.constant 1 : i32
        %parallel_loop3A_495 = arith.index_cast %parallel_loop3A_379 : i32 to index
        %parallel_loop3A_496 = arith.index_cast %parallel_loop3A_494 : i32 to index
        %parallel_loop3A_497 = arith.index_cast %parallel_loop3A_383 : i32 to index
        %parallel_loop3A_498 = tpu.vector_load %arg9[%parallel_loop3A_495, %parallel_loop3A_496, %parallel_loop3A_497] {strides = array<i32>} : memref<8x16x256xf32, #tpu.memory_space<vmem>>, vector<16xf32>,
        tpu.vector_store %arg9[%parallel_loop3A_495, %parallel_loop3A_496, %parallel_loop3A_497], %parallel_loop3A_493 {strides = array<i32>} : memref<8x16x256xf32, #tpu.memory_space<vmem>>, vector<16xf32>,
        %parallel_loop3A_499 = arith.constant 20 : i32
        %parallel_loop3A_500 = vector.broadcast %parallel_loop3A_499 : i32 to vector<16xi32>
        %parallel_loop3A_501 = arith.addi %parallel_loop3A_480, %parallel_loop3A_500 : vector<16xi32>
        %parallel_loop3A_502 = tpu.vector_load_idx %arg10[%parallel_loop3A_501] : memref<160xf32, #tpu.memory_space<vmem>>[vector<16xi32>], vector<16xf32>,
        %parallel_loop3A_503 = arith.constant 2 : i32
        %parallel_loop3A_504 = arith.index_cast %parallel_loop3A_379 : i32 to index
        %parallel_loop3A_505 = arith.index_cast %parallel_loop3A_503 : i32 to index
        %parallel_loop3A_506 = arith.index_cast %parallel_loop3A_383 : i32 to index
        %parallel_loop3A_507 = tpu.vector_load %arg9[%parallel_loop3A_504, %parallel_loop3A_505, %parallel_loop3A_506] {strides = array<i32>} : memref<8x16x256xf32, #tpu.memory_space<vmem>>, vector<16xf32>,
        tpu.vector_store %arg9[%parallel_loop3A_504, %parallel_loop3A_505, %parallel_loop3A_506], %parallel_loop3A_502 {strides = array<i32>} : memref<8x16x256xf32, #tpu.memory_space<vmem>>, vector<16xf32>,
        %parallel_loop3A_508 = arith.constant 30 : i32
        %parallel_loop3A_509 = vector.broadcast %parallel_loop3A_508 : i32 to vector<16xi32>
        %parallel_loop3A_510 = arith.addi %parallel_loop3A_480, %parallel_loop3A_509 : vector<16xi32>
        %parallel_loop3A_511 = tpu.vector_load_idx %arg10[%parallel_loop3A_510] : memref<160xf32, #tpu.memory_space<vmem>>[vector<16xi32>], vector<16xf32>,
        %parallel_loop3A_512 = arith.constant 3 : i32
        %parallel_loop3A_513 = arith.index_cast %parallel_loop3A_379 : i32 to index
        %parallel_loop3A_514 = arith.index_cast %parallel_loop3A_512 : i32 to index
        %parallel_loop3A_515 = arith.index_cast %parallel_loop3A_383 : i32 to index
        %parallel_loop3A_516 = tpu.vector_load %arg9[%parallel_loop3A_513, %parallel_loop3A_514, %parallel_loop3A_515] {strides = array<i32>} : memref<8x16x256xf32, #tpu.memory_space<vmem>>, vector<16xf32>,
        tpu.vector_store %arg9[%parallel_loop3A_513, %parallel_loop3A_514, %parallel_loop3A_515], %parallel_loop3A_511 {strides = array<i32>} : memref<8x16x256xf32, #tpu.memory_space<vmem>>, vector<16xf32>,
        %parallel_loop3A_517 = arith.constant 40 : i32
        %parallel_loop3A_518 = vector.broadcast %parallel_loop3A_517 : i32 to vector<16xi32>
        %parallel_loop3A_519 = arith.addi %parallel_loop3A_480, %parallel_loop3A_518 : vector<16xi32>
        %parallel_loop3A_520 = tpu.vector_load_idx %arg10[%parallel_loop3A_519] : memref<160xf32, #tpu.memory_space<vmem>>[vector<16xi32>], vector<16xf32>,
        %parallel_loop3A_521 = arith.constant 4 : i32
        %parallel_loop3A_522 = arith.index_cast %parallel_loop3A_379 : i32 to index
        %parallel_loop3A_523 = arith.index_cast %parallel_loop3A_521 : i32 to index
        %parallel_loop3A_524 = arith.index_cast %parallel_loop3A_383 : i32 to index
        %parallel_loop3A_525 = tpu.vector_load %arg9[%parallel_loop3A_522, %parallel_loop3A_523, %parallel_loop3A_524] {strides = array<i32>} : memref<8x16x256xf32, #tpu.memory_space<vmem>>, vector<16xf32>,
        tpu.vector_store %arg9[%parallel_loop3A_522, %parallel_loop3A_523, %parallel_loop3A_524], %parallel_loop3A_520 {strides = array<i32>} : memref<8x16x256xf32, #tpu.memory_space<vmem>>, vector<16xf32>,
        %parallel_loop3A_526 = arith.constant 50 : i32
        %parallel_loop3A_527 = vector.broadcast %parallel_loop3A_526 : i32 to vector<16xi32>
        %parallel_loop3A_528 = arith.addi %parallel_loop3A_480, %parallel_loop3A_527 : vector<16xi32>
        %parallel_loop3A_529 = tpu.vector_load_idx %arg10[%parallel_loop3A_528] : memref<160xf32, #tpu.memory_space<vmem>>[vector<16xi32>], vector<16xf32>,
        %parallel_loop3A_530 = arith.constant 5 : i32
        %parallel_loop3A_531 = arith.index_cast %parallel_loop3A_379 : i32 to index
        %parallel_loop3A_532 = arith.index_cast %parallel_loop3A_530 : i32 to index
        %parallel_loop3A_533 = arith.index_cast %parallel_loop3A_383 : i32 to index
        %parallel_loop3A_534 = tpu.vector_load %arg9[%parallel_loop3A_531, %parallel_loop3A_532, %parallel_loop3A_533] {strides = array<i32>} : memref<8x16x256xf32, #tpu.memory_space<vmem>>, vector<16xf32>,
        tpu.vector_store %arg9[%parallel_loop3A_531, %parallel_loop3A_532, %parallel_loop3A_533], %parallel_loop3A_529 {strides = array<i32>} : memref<8x16x256xf32, #tpu.memory_space<vmem>>, vector<16xf32>,
        %parallel_loop3A_535 = arith.constant 60 : i32
        %parallel_loop3A_536 = vector.broadcast %parallel_loop3A_535 : i32 to vector<16xi32>
        %parallel_loop3A_537 = arith.addi %parallel_loop3A_480, %parallel_loop3A_536 : vector<16xi32>
        %parallel_loop3A_538 = tpu.vector_load_idx %arg10[%parallel_loop3A_537] : memref<160xf32, #tpu.memory_space<vmem>>[vector<16xi32>], vector<16xf32>,
        %parallel_loop3A_539 = arith.constant 6 : i32
        %parallel_loop3A_540 = arith.index_cast %parallel_loop3A_379 : i32 to index
        %parallel_loop3A_541 = arith.index_cast %parallel_loop3A_539 : i32 to index
        %parallel_loop3A_542 = arith.index_cast %parallel_loop3A_383 : i32 to index
        %parallel_loop3A_543 = tpu.vector_load %arg9[%parallel_loop3A_540, %parallel_loop3A_541, %parallel_loop3A_542] {strides = array<i32>} : memref<8x16x256xf32, #tpu.memory_space<vmem>>, vector<16xf32>,
        tpu.vector_store %arg9[%parallel_loop3A_540, %parallel_loop3A_541, %parallel_loop3A_542], %parallel_loop3A_538 {strides = array<i32>} : memref<8x16x256xf32, #tpu.memory_space<vmem>>, vector<16xf32>,
        %parallel_loop3A_544 = arith.constant 70 : i32
        %parallel_loop3A_545 = vector.broadcast %parallel_loop3A_544 : i32 to vector<16xi32>
        %parallel_loop3A_546 = arith.addi %parallel_loop3A_480, %parallel_loop3A_545 : vector<16xi32>
        %parallel_loop3A_547 = tpu.vector_load_idx %arg10[%parallel_loop3A_546] : memref<160xf32, #tpu.memory_space<vmem>>[vector<16xi32>], vector<16xf32>,
        %parallel_loop3A_548 = arith.constant 7 : i32
        %parallel_loop3A_549 = arith.index_cast %parallel_loop3A_379 : i32 to index
        %parallel_loop3A_550 = arith.index_cast %parallel_loop3A_548 : i32 to index
        %parallel_loop3A_551 = arith.index_cast %parallel_loop3A_383 : i32 to index
        %parallel_loop3A_552 = tpu.vector_load %arg9[%parallel_loop3A_549, %parallel_loop3A_550, %parallel_loop3A_551] {strides = array<i32>} : memref<8x16x256xf32, #tpu.memory_space<vmem>>, vector<16xf32>,
        tpu.vector_store %arg9[%parallel_loop3A_549, %parallel_loop3A_550, %parallel_loop3A_551], %parallel_loop3A_547 {strides = array<i32>} : memref<8x16x256xf32, #tpu.memory_space<vmem>>, vector<16xf32>,
        %parallel_loop3A_553 = arith.constant 80 : i32
        %parallel_loop3A_554 = vector.broadcast %parallel_loop3A_553 : i32 to vector<16xi32>
        %parallel_loop3A_555 = arith.addi %parallel_loop3A_480, %parallel_loop3A_554 : vector<16xi32>
        %parallel_loop3A_556 = tpu.vector_load_idx %arg10[%parallel_loop3A_555] : memref<160xf32, #tpu.memory_space<vmem>>[vector<16xi32>], vector<16xf32>,
        %parallel_loop3A_557 = arith.constant 8 : i32
        %parallel_loop3A_558 = arith.index_cast %parallel_loop3A_379 : i32 to index
        %parallel_loop3A_559 = arith.index_cast %parallel_loop3A_557 : i32 to index
        %parallel_loop3A_560 = arith.index_cast %parallel_loop3A_383 : i32 to index
        %parallel_loop3A_561 = tpu.vector_load %arg9[%parallel_loop3A_558, %parallel_loop3A_559, %parallel_loop3A_560] {strides = array<i32>} : memref<8x16x256xf32, #tpu.memory_space<vmem>>, vector<16xf32>,
        tpu.vector_store %arg9[%parallel_loop3A_558, %parallel_loop3A_559, %parallel_loop3A_560], %parallel_loop3A_556 {strides = array<i32>} : memref<8x16x256xf32, #tpu.memory_space<vmem>>, vector<16xf32>,
        %parallel_loop3A_562 = arith.constant 90 : i32
        %parallel_loop3A_563 = vector.broadcast %parallel_loop3A_562 : i32 to vector<16xi32>
        %parallel_loop3A_564 = arith.addi %parallel_loop3A_480, %parallel_loop3A_563 : vector<16xi32>
        %parallel_loop3A_565 = tpu.vector_load_idx %arg10[%parallel_loop3A_564] : memref<160xf32, #tpu.memory_space<vmem>>[vector<16xi32>], vector<16xf32>,
        %parallel_loop3A_566 = arith.constant 9 : i32
        %parallel_loop3A_567 = arith.index_cast %parallel_loop3A_379 : i32 to index
        %parallel_loop3A_568 = arith.index_cast %parallel_loop3A_566 : i32 to index
        %parallel_loop3A_569 = arith.index_cast %parallel_loop3A_383 : i32 to index
        %parallel_loop3A_570 = tpu.vector_load %arg9[%parallel_loop3A_567, %parallel_loop3A_568, %parallel_loop3A_569] {strides = array<i32>} : memref<8x16x256xf32, #tpu.memory_space<vmem>>, vector<16xf32>,
        tpu.vector_store %arg9[%parallel_loop3A_567, %parallel_loop3A_568, %parallel_loop3A_569], %parallel_loop3A_565 {strides = array<i32>} : memref<8x16x256xf32, #tpu.memory_space<vmem>>, vector<16xf32>,
        %parallel_loop3A_571 = arith.constant 100 : i32
        %parallel_loop3A_572 = vector.broadcast %parallel_loop3A_571 : i32 to vector<16xi32>
        %parallel_loop3A_573 = arith.addi %parallel_loop3A_480, %parallel_loop3A_572 : vector<16xi32>
        %parallel_loop3A_574 = tpu.vector_load_idx %arg10[%parallel_loop3A_573] : memref<160xf32, #tpu.memory_space<vmem>>[vector<16xi32>], vector<16xf32>,
        %parallel_loop3A_575 = arith.constant 10 : i32
        %parallel_loop3A_576 = arith.index_cast %parallel_loop3A_379 : i32 to index
        %parallel_loop3A_577 = arith.index_cast %parallel_loop3A_575 : i32 to index
        %parallel_loop3A_578 = arith.index_cast %parallel_loop3A_383 : i32 to index
        %parallel_loop3A_579 = tpu.vector_load %arg9[%parallel_loop3A_576, %parallel_loop3A_577, %parallel_loop3A_578] {strides = array<i32>} : memref<8x16x256xf32, #tpu.memory_space<vmem>>, vector<16xf32>,
        tpu.vector_store %arg9[%parallel_loop3A_576, %parallel_loop3A_577, %parallel_loop3A_578], %parallel_loop3A_574 {strides = array<i32>} : memref<8x16x256xf32, #tpu.memory_space<vmem>>, vector<16xf32>,
        %parallel_loop3A_580 = arith.constant 110 : i32
        %parallel_loop3A_581 = vector.broadcast %parallel_loop3A_580 : i32 to vector<16xi32>
        %parallel_loop3A_582 = arith.addi %parallel_loop3A_480, %parallel_loop3A_581 : vector<16xi32>
        %parallel_loop3A_583 = tpu.vector_load_idx %arg10[%parallel_loop3A_582] : memref<160xf32, #tpu.memory_space<vmem>>[vector<16xi32>], vector<16xf32>,
        %parallel_loop3A_584 = arith.constant 11 : i32
        %parallel_loop3A_585 = arith.index_cast %parallel_loop3A_379 : i32 to index
        %parallel_loop3A_586 = arith.index_cast %parallel_loop3A_584 : i32 to index
        %parallel_loop3A_587 = arith.index_cast %parallel_loop3A_383 : i32 to index
        %parallel_loop3A_588 = tpu.vector_load %arg9[%parallel_loop3A_585, %parallel_loop3A_586, %parallel_loop3A_587] {strides = array<i32>} : memref<8x16x256xf32, #tpu.memory_space<vmem>>, vector<16xf32>,
        tpu.vector_store %arg9[%parallel_loop3A_585, %parallel_loop3A_586, %parallel_loop3A_587], %parallel_loop3A_583 {strides = array<i32>} : memref<8x16x256xf32, #tpu.memory_space<vmem>>, vector<16xf32>,
        %parallel_loop3A_589 = arith.constant 120 : i32
        %parallel_loop3A_590 = vector.broadcast %parallel_loop3A_589 : i32 to vector<16xi32>
        %parallel_loop3A_591 = arith.addi %parallel_loop3A_480, %parallel_loop3A_590 : vector<16xi32>
        %parallel_loop3A_592 = tpu.vector_load_idx %arg10[%parallel_loop3A_591] : memref<160xf32, #tpu.memory_space<vmem>>[vector<16xi32>], vector<16xf32>,
        %parallel_loop3A_593 = arith.constant 12 : i32
        %parallel_loop3A_594 = arith.index_cast %parallel_loop3A_379 : i32 to index
        %parallel_loop3A_595 = arith.index_cast %parallel_loop3A_593 : i32 to index
        %parallel_loop3A_596 = arith.index_cast %parallel_loop3A_383 : i32 to index
        %parallel_loop3A_597 = tpu.vector_load %arg9[%parallel_loop3A_594, %parallel_loop3A_595, %parallel_loop3A_596] {strides = array<i32>} : memref<8x16x256xf32, #tpu.memory_space<vmem>>, vector<16xf32>,
        tpu.vector_store %arg9[%parallel_loop3A_594, %parallel_loop3A_595, %parallel_loop3A_596], %parallel_loop3A_592 {strides = array<i32>} : memref<8x16x256xf32, #tpu.memory_space<vmem>>, vector<16xf32>,
        %parallel_loop3A_598 = arith.constant 130 : i32
        %parallel_loop3A_599 = vector.broadcast %parallel_loop3A_598 : i32 to vector<16xi32>
        %parallel_loop3A_600 = arith.addi %parallel_loop3A_480, %parallel_loop3A_599 : vector<16xi32>
        %parallel_loop3A_601 = tpu.vector_load_idx %arg10[%parallel_loop3A_600] : memref<160xf32, #tpu.memory_space<vmem>>[vector<16xi32>], vector<16xf32>,
        %parallel_loop3A_602 = arith.constant 13 : i32
        %parallel_loop3A_603 = arith.index_cast %parallel_loop3A_379 : i32 to index
        %parallel_loop3A_604 = arith.index_cast %parallel_loop3A_602 : i32 to index
        %parallel_loop3A_605 = arith.index_cast %parallel_loop3A_383 : i32 to index
        %parallel_loop3A_606 = tpu.vector_load %arg9[%parallel_loop3A_603, %parallel_loop3A_604, %parallel_loop3A_605] {strides = array<i32>} : memref<8x16x256xf32, #tpu.memory_space<vmem>>, vector<16xf32>,
        tpu.vector_store %arg9[%parallel_loop3A_603, %parallel_loop3A_604, %parallel_loop3A_605], %parallel_loop3A_601 {strides = array<i32>} : memref<8x16x256xf32, #tpu.memory_space<vmem>>, vector<16xf32>,
        %parallel_loop3A_607 = arith.constant 140 : i32
        %parallel_loop3A_608 = vector.broadcast %parallel_loop3A_607 : i32 to vector<16xi32>
        %parallel_loop3A_609 = arith.addi %parallel_loop3A_480, %parallel_loop3A_608 : vector<16xi32>
        %parallel_loop3A_610 = tpu.vector_load_idx %arg10[%parallel_loop3A_609] : memref<160xf32, #tpu.memory_space<vmem>>[vector<16xi32>], vector<16xf32>,
        %parallel_loop3A_611 = arith.constant 14 : i32
        %parallel_loop3A_612 = arith.index_cast %parallel_loop3A_379 : i32 to index
        %parallel_loop3A_613 = arith.index_cast %parallel_loop3A_611 : i32 to index
        %parallel_loop3A_614 = arith.index_cast %parallel_loop3A_383 : i32 to index
        %parallel_loop3A_615 = tpu.vector_load %arg9[%parallel_loop3A_612, %parallel_loop3A_613, %parallel_loop3A_614] {strides = array<i32>} : memref<8x16x256xf32, #tpu.memory_space<vmem>>, vector<16xf32>,
        tpu.vector_store %arg9[%parallel_loop3A_612, %parallel_loop3A_613, %parallel_loop3A_614], %parallel_loop3A_610 {strides = array<i32>} : memref<8x16x256xf32, #tpu.memory_space<vmem>>, vector<16xf32>,
        %parallel_loop3A_616 = arith.constant 150 : i32
        %parallel_loop3A_617 = vector.broadcast %parallel_loop3A_616 : i32 to vector<16xi32>
        %parallel_loop3A_618 = arith.addi %parallel_loop3A_480, %parallel_loop3A_617 : vector<16xi32>
        %parallel_loop3A_619 = tpu.vector_load_idx %arg10[%parallel_loop3A_618] : memref<160xf32, #tpu.memory_space<vmem>>[vector<16xi32>], vector<16xf32>,
        %parallel_loop3A_620 = arith.constant 15 : i32
        %parallel_loop3A_621 = arith.index_cast %parallel_loop3A_379 : i32 to index
        %parallel_loop3A_622 = arith.index_cast %parallel_loop3A_620 : i32 to index
        %parallel_loop3A_623 = arith.index_cast %parallel_loop3A_383 : i32 to index
        %parallel_loop3A_624 = tpu.vector_load %arg9[%parallel_loop3A_621, %parallel_loop3A_622, %parallel_loop3A_623] {strides = array<i32>} : memref<8x16x256xf32, #tpu.memory_space<vmem>>, vector<16xf32>,
        tpu.vector_store %arg9[%parallel_loop3A_621, %parallel_loop3A_622, %parallel_loop3A_623], %parallel_loop3A_619 {strides = array<i32>} : memref<8x16x256xf32, #tpu.memory_space<vmem>>, vector<16xf32>,
      } {sc.loop_unroll_factor = 2 : i64, sc.parallel_access}
      %jit3A_321 = arith.constant 25 : i32
      %div3A_322 = arith.divsi %add3A_263, %jit3A_321 : i32
      %sign3A_323 = arith.constant 0 : i32
      %sign3A_324 = arith.cmpi sgt, %add3A_263, %sign3A_323 : i32
      %sign3A_325 = arith.extui %sign3A_324 : i1 to i32
      %sign3A_326 = arith.constant 0 : i32
      %sign3A_327 = arith.cmpi slt, %add3A_263, %sign3A_326 : i32
      %sign3A_328 = arith.extui %sign3A_327 : i1 to i32
      %sign3A_329 = arith.subi %sign3A_325, %sign3A_328 : i32
      %sign3A_330 = arith.constant 0 : i32
      %sign3A_331 = arith.cmpi sgt, %jit3A_321, %sign3A_330 : i32
      %sign3A_332 = arith.extui %sign3A_331 : i1 to i32
      %sign3A_333 = arith.constant 0 : i32
      %sign3A_334 = arith.cmpi slt, %jit3A_321, %sign3A_333 : i32
      %sign3A_335 = arith.extui %sign3A_334 : i1 to i32
      %sign3A_336 = arith.subi %sign3A_332, %sign3A_335 : i32
      %ne3A_337 = arith.cmpi ne, %sign3A_329, %sign3A_336 : i32
      %rem3A_338 = arith.remsi %add3A_263, %jit3A_321 : i32
      %ne3A_339 = arith.constant 0 : i32
      %ne3A_340 = arith.cmpi ne, %rem3A_338, %ne3A_339 : i32
      %and3A_341 = arith.andi %ne3A_337, %ne3A_340 : i1
      %sub3A_342 = arith.constant 1 : i32
      %sub3A_343 = arith.subi %div3A_322, %sub3A_342 : i32
      %select_n3A_344 = arith.select %and3A_341, %sub3A_343, %div3A_322 : i32
      %jit3A_345 = arith.constant 25 : i32
      %eq3A_346 = arith.constant 0 : i32
      %eq3A_347 = arith.cmpi eq, %jit3A_345, %eq3A_346 : i32
      %jit3A_348 = arith.constant 1 : i32
      %select_n3A_349 = arith.select %eq3A_347, %jit3A_348, %jit3A_345 : i32
      %rem3A_350 = arith.remsi %add3A_263, %select_n3A_349 : i32
      %ne3A_351 = arith.constant 0 : i32
      %ne3A_352 = arith.cmpi ne, %rem3A_350, %ne3A_351 : i32
      %lt3A_353 = arith.constant 0 : i32
      %lt3A_354 = arith.cmpi slt, %rem3A_350, %lt3A_353 : i32
      %lt3A_355 = arith.constant 0 : i32
      %lt3A_356 = arith.cmpi slt, %select_n3A_349, %lt3A_355 : i32
      %ne3A_357 = arith.xori %lt3A_354, %lt3A_356 : i1
      %and3A_358 = arith.andi %ne3A_357, %ne3A_352 : i1
      %add3A_359 = arith.addi %rem3A_350, %select_n3A_349 : i32
      %select_n3A_360 = arith.select %and3A_358, %add3A_359, %rem3A_350 : i32
      %mul3A_361 = arith.constant 8 : i32
      %mul3A_362 = arith.muli %select_n3A_360, %mul3A_361 : i32
      %mul3A_363 = arith.constant 256 : i32
      %mul3A_364 = arith.muli %select_n3A_344, %mul3A_363 : i32
      %add3A_365 = arith.addi %mul3A_2, %mul3A_364 : i32
      %dma_start3A_366 = arith.constant 0 : i32
      %dma_start3A_367 = tpu.memref_slice %arg5[%mul3A_362, %dma_start3A_366, %add3A_365] : memref<200x16x16384xf32, #tpu.memory_space<hbm>> -> memref<8x16x256xf32, #tpu.memory_space<hbm>>
      %dma_start3A_368 = arith.constant 0 : i32
      %dma_start3A_369 = tpu.memref_slice %arg5[%mul3A_362, %dma_start3A_368, %add3A_365] : memref<200x16x16384xf32, #tpu.memory_space<hbm>> -> memref<8x16x256xf32, #tpu.memory_space<hbm>>
      tpu.enqueue_dma source(%arg9 : memref<8x16x256xf32, #tpu.memory_space<vmem>>) target(%dma_start3A_369 : memref<8x16x256xf32, #tpu.memory_space<hbm>>) target_semaphore(%arg15 : memref<!tpu.dma_semaphore, #tpu.memory_space<semaphore_mem>>)
      %add3A_370 = arith.constant 2 : i32
      %add3A_371 = arith.addi %add3A_263, %add3A_370 : i32
      %lt3A_372 = arith.constant 50 : i32
      %lt3A_373 = arith.cmpi slt, %add3A_371, %lt3A_372 : i32
      %convert_element_type3A_374 = arith.extui %lt3A_373 : i1 to i32
      %cond3A_375 = arith.constant 0 : i32
      %cond3A_376 = arith.cmpi ne, %convert_element_type3A_374, %cond3A_375 : i32
      scf.if %cond3A_376 {
        %add3A_377 = arith.constant 2 : i32
        %add3A_378 = arith.addi %add3A_263, %add3A_377 : i32
        %jit3A_379 = arith.constant 25 : i32
        %div3A_380 = arith.divsi %add3A_378, %jit3A_379 : i32
        %sign3A_381 = arith.constant 0 : i32
        %sign3A_382 = arith.cmpi sgt, %add3A_378, %sign3A_381 : i32
        %sign3A_383 = arith.extui %sign3A_382 : i1 to i32
        %sign3A_384 = arith.constant 0 : i32
        %sign3A_385 = arith.cmpi slt, %add3A_378, %sign3A_384 : i32
        %sign3A_386 = arith.extui %sign3A_385 : i1 to i32
        %sign3A_387 = arith.subi %sign3A_383, %sign3A_386 : i32
        %sign3A_388 = arith.constant 0 : i32
        %sign3A_389 = arith.cmpi sgt, %jit3A_379, %sign3A_388 : i32
        %sign3A_390 = arith.extui %sign3A_389 : i1 to i32
        %sign3A_391 = arith.constant 0 : i32
        %sign3A_392 = arith.cmpi slt, %jit3A_379, %sign3A_391 : i32
        %sign3A_393 = arith.extui %sign3A_392 : i1 to i32
        %sign3A_394 = arith.subi %sign3A_390, %sign3A_393 : i32
        %ne3A_395 = arith.cmpi ne, %sign3A_387, %sign3A_394 : i32
        %rem3A_396 = arith.remsi %add3A_378, %jit3A_379 : i32
        %ne3A_397 = arith.constant 0 : i32
        %ne3A_398 = arith.cmpi ne, %rem3A_396, %ne3A_397 : i32
        %and3A_399 = arith.andi %ne3A_395, %ne3A_398 : i1
        %sub3A_400 = arith.constant 1 : i32
        %sub3A_401 = arith.subi %div3A_380, %sub3A_400 : i32
        %select_n3A_402 = arith.select %and3A_399, %sub3A_401, %div3A_380 : i32
        %jit3A_403 = arith.constant 25 : i32
        %eq3A_404 = arith.constant 0 : i32
        %eq3A_405 = arith.cmpi eq, %jit3A_403, %eq3A_404 : i32
        %jit3A_406 = arith.constant 1 : i32
        %select_n3A_407 = arith.select %eq3A_405, %jit3A_406, %jit3A_403 : i32
        %rem3A_408 = arith.remsi %add3A_378, %select_n3A_407 : i32
        %ne3A_409 = arith.constant 0 : i32
        %ne3A_410 = arith.cmpi ne, %rem3A_408, %ne3A_409 : i32
        %lt3A_411 = arith.constant 0 : i32
        %lt3A_412 = arith.cmpi slt, %rem3A_408, %lt3A_411 : i32
        %lt3A_413 = arith.constant 0 : i32
        %lt3A_414 = arith.cmpi slt, %select_n3A_407, %lt3A_413 : i32
        %ne3A_415 = arith.xori %lt3A_412, %lt3A_414 : i1
        %and3A_416 = arith.andi %ne3A_415, %ne3A_410 : i1
        %add3A_417 = arith.addi %rem3A_408, %select_n3A_407 : i32
        %select_n3A_418 = arith.select %and3A_416, %add3A_417, %rem3A_408 : i32
        %mul3A_419 = arith.constant 8 : i32
        %mul3A_420 = arith.muli %select_n3A_418, %mul3A_419 : i32
        %mul3A_421 = arith.constant 256 : i32
        %mul3A_422 = arith.muli %select_n3A_402, %mul3A_421 : i32
        %add3A_423 = arith.addi %mul3A_2, %mul3A_422 : i32
        %dma_start3A_424 = arith.constant 0 : i32
        %dma_start3A_425 = tpu.memref_slice %arg2[%dma_start3A_424, %mul3A_420, %add3A_423] : memref<10x200x16384xf32, #tpu.memory_space<hbm>> -> memref<10x8x256xf32, #tpu.memory_space<hbm>>
        %dma_start3A_426 = arith.constant 0 : i32
        %dma_start3A_427 = tpu.memref_slice %arg2[%dma_start3A_426, %mul3A_420, %add3A_423] : memref<10x200x16384xf32, #tpu.memory_space<hbm>> -> memref<10x8x256xf32, #tpu.memory_space<hbm>>
        tpu.enqueue_dma source(%dma_start3A_427 : memref<10x8x256xf32, #tpu.memory_space<hbm>>) target(%arg7 : memref<10x8x256xf32, #tpu.memory_space<vmem>>) target_semaphore(%arg13 : memref<!tpu.dma_semaphore, #tpu.memory_space<semaphore_mem>>)
      } else {
      }
    }
    %scan3A_140 = arith.constant 25 : i32
    %add3A_141 = arith.constant 256 : i32
    %add3A_142 = arith.addi %mul3A_2, %add3A_141 : i32
    %dma_wait3A = arith.constant 184 : i32
    %dma_wait3A_143 = arith.constant 0 : i32
    %dma_wait3A_144 = tpu.memref_slice %arg5[%dma_wait3A, %dma_wait3A_143, %add3A_142] : memref<200x16x16384xf32, #tpu.memory_space<hbm>> -> memref<8x16x256xf32, #tpu.memory_space<hbm>>
    %dma_wait3A_145 = arith.constant 184 : i32
    %dma_wait3A_146 = arith.constant 0 : i32
    %dma_wait3A_147 = tpu.memref_slice %arg5[%dma_wait3A_145, %dma_wait3A_146, %add3A_142] : memref<200x16x16384xf32, #tpu.memory_space<hbm>> -> memref<8x16x256xf32, #tpu.memory_space<hbm>>
    tpu.wait_dma2 semaphore(%arg14 : memref<!tpu.dma_semaphore, #tpu.memory_space<semaphore_mem>>) src(%arg8 : memref<8x16x256xf32, #tpu.memory_space<vmem>>) dst(%dma_wait3A_147 : memref<8x16x256xf32, #tpu.memory_space<hbm>>)
    %add3A_148 = arith.constant 256 : i32
    %add3A_149 = arith.addi %mul3A_2, %add3A_148 : i32
    %dma_wait3A_150 = arith.constant 192 : i32
    %dma_wait3A_151 = arith.constant 0 : i32
    %dma_wait3A_152 = tpu.memref_slice %arg5[%dma_wait3A_150, %dma_wait3A_151, %add3A_149] : memref<200x16x16384xf32, #tpu.memory_space<hbm>> -> memref<8x16x256xf32, #tpu.memory_space<hbm>>
    %dma_wait3A_153 = arith.constant 192 : i32
    %dma_wait3A_154 = arith.constant 0 : i32
    %dma_wait3A_155 = tpu.memref_slice %arg5[%dma_wait3A_153, %dma_wait3A_154, %add3A_149] : memref<200x16x16384xf32, #tpu.memory_space<hbm>> -> memref<8x16x256xf32, #tpu.memory_space<hbm>>
    tpu.wait_dma2 semaphore(%arg15 : memref<!tpu.dma_semaphore, #tpu.memory_space<semaphore_mem>>) src(%arg9 : memref<8x16x256xf32, #tpu.memory_space<vmem>>) dst(%dma_wait3A_155 : memref<8x16x256xf32, #tpu.memory_space<hbm>>)
    return
  }
}

</mosaic_0001>

<sc_bundles>
// kernel: kernel.3.cloned.1.call-start
scs
__scs_entry_jumppad:
0x0: {  	(pc) =	sbr.rel $0x88, $3  }
0x1: {  	(tag) =	ssettag $0x0;
	lr =	simm.s32 $0x1  }
0x2: {  	[smem:$0x3F9E] =	sst lr;
	_ =	strace $0xD0000000  }
0x3: {  	_ = 	snop  }
0x4: {  	_ = 	snop  }
0x5: {  	_ = 	snop  }
0x6: {  	_ = 	snop  }
0x7: {  	_ = 	snop  }
__scs_overlays_trampoline_lowered:
0x8: {  	[smem:$0x3FAD] =	sst s0  }
0x9: {  	[smem:$0x3FAE] =	sst s1  }
0xa: {  	[smem:$0x3FAF] =	sst s2  }
0xb: {  	[smem:$0x3FB0] =	sst s3  }
0xc: {  	[smem:$0x3FB1] =	sst s4  }
0xd: {  	[smem:$0x3FB2] =	sst s5  }
0xe: {  	[smem:$0x3FB3] =	sst s6  }
0xf: {  	[smem:$0x3FB4] =	sst s7  }
0x10: {  	[smem:$0x3FB5] =	sst s8  }
0x11: {  	[smem:$0x3FB6] =	sst s9;
	s0 =	simm.s32 @!p0 $0x0  }
0x12: {  	s1 =	sld [smem:$0x3F9C];
	s0 =	simm.s32 @p0 $0x1  }
0x13: {  	[smem:$0x3FB7] =	sst s0;
	s0 =	simm.s32 @!p1 $0x0  }
0x14: {  	s2 =	sld [smem:$0x3F9B];
	s0 =	simm.s32 @p1 $0x1  }
0x15: {  	[smem:$0x3FB8] =	sst s0;
	s0 =	simm.s32 @!p2 $0x0  }
0x16: {  	s3 =	sld [smem:$0x3FDB];
	s0 =	simm.s32 @p2 $0x1  }
0x17: {  	s4 =	simm.s32 $0x1BF5;
	[smem:$0x3FBA] =	sst s0  }
0x18: {  	s0 =	sld [smem:$0x3F9D];
	_ =	swait.ge [sflag:s4], $0x0  }
0x19: {  	s7 =	sld [smem:$0x3F9E]  }
0x1a: {  	s8 =	sadd.s32 $0xFFFFE003, lr  }
0x1b: {  	s9 =	sadd.s32 $0xFFFFFEF7, lr;
	s5 =	simm.s32 $0xFFFFFFFF;
	p2 =	slt.u32 s8, $0xFFFFF086  }
0x1c: {  	p1 =	slt.u32 s9, $0xF7A;
	s5 =	simm.s32 @!p2 $0x0  }
0x1d: {  	s5 =	simm.s32 @p1 $0x1;
	p0 =	seq.s32 s7, s2  }
0x1e: {  	s7 =	smul.u32 @!p0 $0xF7A, s2;
	p2 =	seq.s32 @!p0 s5, $0x0  }
0x1f: {  	s9 =	smul.u32 $0xF7A, s1;
	s8 =	simm.s32 @!p0 $0x1BF5;
	p2 =	por !p2, p0  }
0x20: {  	[sflag:s8] =	ssyncset.s32 @!p0 $0xFFFFF086;
	s6 =	sadd.s32 @!p0 s3, s7;
	s7 =	simm.s32 @!p0 $0x108  }
0x21: {  	s3 =	sadd.s32 s3, s9;
	s6 =	sadd.s32 @!p0 $0x88, s6;
	s7 =	simm.s32 @p2 $0x1082  }
0x22: {  	[simem:s7], [sflag:s8] =	dma.local @!p0 [hbm:s6], $0xF7A  }
0x23: {  	s9 =	sor.u32 $0xD0000000, s2;
	s6 =	simm.s32 $0x108;
	_ =	swait.ge @!p0 [sflag:s8], $0x0  }
0x24: {  	s3 =	sadd.s32 $0x88, s3;
	s6 =	simm.s32 @!p1 $0x1082;
	[sflag:s4] =	ssyncset.s32 $0xFFFFF086  }
0x25: {  	[simem:s6], [sflag:s4] =	dma.local [hbm:s3], $0xF7A  }
0x26: {  	[smem:$0x3F9E] =	sst s1;
	(tag) =	ssettag s2;
	_ =	strace s9  }
0x27: {  	s1 =	sld [smem:$0x3FAE]  }
0x28: {  	s2 =	sld [smem:$0x3FAF]  }
0x29: {  	s4 =	sld [smem:$0x3FB1]  }
0x2a: {  	p0 =	seq.s32 s5, $0x0;
	s5 =	sld [smem:$0x3FB2]  }
0x2b: {  	s6 =	sld [smem:$0x3FB3]  }
0x2c: {  	s7 =	sld [smem:$0x3FB4]  }
0x2d: {  	s3 =	simm.s32 $0x108;
	s8 =	sld [smem:$0x3FB5]  }
0x2e: {  	s3 =	simm.s32 @!p0 $0x1082;
	s9 =	sld [smem:$0x3FB6]  }
0x2f: {  	lr =	sadd.s32 s0, s3;
	s0 =	sld [smem:$0x3FAD]  }
0x30: {  	s3 =	sld [smem:$0x3FB0]  }
0x31: {  	[smem:$0x3FB9] =	sst s10  }
0x32: {  	s10 =	sld [smem:$0x3FB7];
	_ =	sdelay $0x3  }
0x33: {  	p0 =	seq.s32 s10, $0x1;
	s10 =	sld [smem:$0x3FB9];
	_ =	sdelay $0x3  }
0x34: {  	[smem:$0x3FB9] =	sst s10  }
0x35: {  	s10 =	sld [smem:$0x3FB8];
	_ =	sdelay $0x3  }
0x36: {  	p1 =	seq.s32 s10, $0x1;
	s10 =	sld [smem:$0x3FB9];
	_ =	sdelay $0x3  }
0x37: {  	[smem:$0x3FB9] =	sst s10  }
0x38: {  	s10 =	sld [smem:$0x3FBA]  }
0x39: {  	_ = 	snop;
	(pc) =	sbr.ind lr, $3  }
0x3a: {  	_ = 	snop  }
0x3b: {  	_ = 	snop  }
0x3c: {  	p2 =	seq.s32 s10, $0x1;
	s10 =	sld [smem:$0x3FB9]  }
0x3d: {  	_ =	shalt  }
0x3e: {  	_ =	shalt  }
0x3f: {  	_ =	shalt  }
0x40: {  	_ =	shalt  }
0x41: {  	_ =	shalt  }
0x42: {  	_ =	shalt  }
0x43: {  	_ =	shalt  }
0x44: {  	_ =	shalt  }
0x45: {  	_ =	shalt  }
0x46: {  	_ =	shalt  }
0x47: {  	_ =	shalt  }
0x48: {  	_ =	shalt  }
0x49: {  	_ =	shalt  }
0x4a: {  	_ =	shalt  }
0x4b: {  	_ =	shalt  }
0x4c: {  	_ =	shalt  }
0x4d: {  	_ =	shalt  }
0x4e: {  	_ =	shalt  }
0x4f: {  	_ =	shalt  }
0x50: {  	_ =	shalt  }
0x51: {  	_ =	shalt  }
0x52: {  	_ =	shalt  }
0x53: {  	_ =	shalt  }
0x54: {  	_ =	shalt  }
0x55: {  	_ =	shalt  }
0x56: {  	_ =	shalt  }
0x57: {  	_ =	shalt  }
0x58: {  	_ =	shalt  }
0x59: {  	_ =	shalt  }
0x5a: {  	_ =	shalt  }
0x5b: {  	_ =	shalt  }
0x5c: {  	_ =	shalt  }
0x5d: {  	_ =	shalt  }
0x5e: {  	_ =	shalt  }
0x5f: {  	_ =	shalt  }
0x60: {  	_ =	shalt  }
0x61: {  	_ =	shalt  }
0x62: {  	_ =	shalt  }
0x63: {  	_ =	shalt  }
0x64: {  	_ =	shalt  }
0x65: {  	_ =	shalt  }
0x66: {  	_ =	shalt  }
0x67: {  	_ =	shalt  }
0x68: {  	_ =	shalt  }
0x69: {  	_ =	shalt  }
0x6a: {  	_ =	shalt  }
0x6b: {  	_ =	shalt  }
0x6c: {  	_ =	shalt  }
0x6d: {  	_ =	shalt  }
0x6e: {  	_ =	shalt  }
0x6f: {  	_ =	shalt  }
0x70: {  	_ =	shalt  }
0x71: {  	_ =	shalt  }
0x72: {  	_ =	shalt  }
0x73: {  	_ =	shalt  }
0x74: {  	_ =	shalt  }
0x75: {  	_ =	shalt  }
0x76: {  	_ =	shalt  }
0x77: {  	_ =	shalt  }
0x78: {  	_ =	shalt  }
0x79: {  	_ =	shalt  }
0x7a: {  	_ =	shalt  }
0x7b: {  	_ =	shalt  }
0x7c: {  	_ =	shalt  }
0x7d: {  	_ =	shalt  }
0x7e: {  	_ =	shalt  }
0x7f: {  	_ =	shalt  }
0x80: {  	_ =	shalt  }
0x81: {  	_ =	shalt  }
0x82: {  	_ =	shalt  }
0x83: {  	_ =	shalt  }
0x84: {  	_ =	shalt  }
0x85: {  	_ =	shalt  }
0x86: {  	_ =	shalt  }
0x87: {  	_ =	shalt  }
.Lfunc_end0:
.L_simem_size_0:
called_computation_lowered:
.L_overlay_start_0:
0x88: {  	s2 =	sld [smem:$0x3FD9]  }
0x89: {  	s3 =	sld [smem:$0x3FFE];
	_ =	sdelay $0x1  }
0x8a: {  	s1 =	srdreg.scid  }
0x8b: {  	s0 =	sand.u32 $0x1, s1  }
0x8c: {  	s17 =	sshll.u32 s0, $0xA;
	s2 =	sadd.s32 s3, s2  }
0x8d: {  	s2 =	sadd.s32 s2, s17  }
0x8e: {  	[smem:$0x3FC5] =	sst s2  }
0x8f: {  	_ = 	snop  }
0x90: {  	s2 =	sld [smem:$0x3FC9]  }
0x91: {  	s18 =	sld [smem:$0x3FD0];
	(tm) =	ssettm $0x1  }
0x92: {  	s4 =	sld [smem:$0x3FFB];
	_ =	sdelay $0x3  }
0x93: {  	_ =	strace s4  }
0x94: {  	s4 =	sld [smem:$0x3FFC];
	_ =	sdelay $0x3  }
0x95: {  	_ =	strace s4  }
0x96: {  	s4 =	sld [smem:$0x3FFD];
	_ =	sdelay $0x3  }
0x97: {  	_ =	strace s4  }
0x98: {  	_ =	strace $0x8FFFFFFF  }
0x99: {  	s19 =	sld [smem:$0x3FDB];
	_ =	sdelay $0x1  }
0x9a: {  	s5 =	simm.s32 $_scs_section_size  }
0x9b: {  	s6 =	simm.s32 $_size__tile_overlayer_lowered;
	s7 =	simm.s32 $_tile_overlayer_lowered  }
0x9c: {  	s22 =	simm.s32 $0x1BFF;
	s21 =	sshll.u32 s7, $0x1;
	s4 =	sadd.s32 s5, s19  }
0x9d: {  	s8 =	simm.s32 $0x0;
	s20 =	sshll.u32 s6, $0x1;
	s6 =	sadd.s32 s21, s4  }
0x9e: {  	[timem:s8], [sflag:s22] =	dma.local [hbm:s6], s20  }
0x9f: {  	_ =	swait.ge [sflag:s22], s20  }
0xa0: {  	s5 =	ssub.s32 $0x0, s20;
	[sflag:s22] =	ssyncset.done $0x0  }
0xa1: {  	[sflag:s22] =	ssyncadd.s32 s5;
	_ =	sdelay $0x1  }
0xa2: {  	s23 =	simm.s32 $0x1B8B  }
0xa3: {  	_ =	swait.ge [sflag:s23], $0x1  }
0xa4: {  	[sflag:s23] =	ssyncset.done $0x0  }
0xa5: {  	s25 =	simm.s32 $0x1B8E;
	s24 =	sld [smem:$0x3FFE];
	[sflag:s23] =	ssyncadd.s32 $0xFFFFFFFF  }
0xa6: {  	s26 =	simm.s32 $execute0_lowered;
	[smem:$0x3FD2] =	sst s25  }
0xa7: {  	s6 =	sshll.u32 s26, $0x1;
	_ =	strace $0x80000046;
	[dreg:$0x1] =	wrdreg $0xFFFFFFFF  }
0xa8: {  	s28 =	simm.s32 $_size_execute0_lowered;
	s4 =	sadd.s32 s4, s6;
	[dreg:$0x0] =	wrdreg $0x0  }
0xa9: {  	s6 =	sshll.u32 s28, $0x1;
	[dreg:$0x2] =	wrdreg s4  }
0xaa: {  	[dreg:$0x3] =	wrdreg s6  }
0xab: {  	[dreg:$0x4] =	wrdreg $0xC0  }
0xac: {  	_ =	task [dreg:s8], $0x5FFFF  }
0xad: {  	[dreg:$0x1] =	wrdreg $0xFFFFFFFF  }
0xae: {  	[dreg:$0x0] =	wrdreg $0x60  }
0xaf: {  	[dreg:$0x2] =	wrdreg s2  }
0xb0: {  	[dreg:$0x3] =	wrdreg s24  }
0xb1: {  	[dreg:$0x4] =	wrdreg s18  }
0xb2: {  	[dreg:$0x5] =	wrdreg $0x9  }
0xb3: {  	_ =	task.clear_ibuf [dreg:s8], $0x6FFFF;
	_ =	strace $0x90000046  }
0xb4: {  	s29 =	simm.s32 $0x9;
	_ =	strace $0x80000048  }
0xb5: {  	_ =	swait.ge [sflag:s29], $0x1  }
0xb6: {  	[sflag:s29] =	ssyncadd.s32 $0xFFFFFFFF  }
0xb7: {  	_ =	strace $0x90000048  }
0xb8: {  	_ =	sfence  }
0xb9: {  	s30 =	sld [smem:$0x0];
	_ =	sdelay $0x2  }
0xba: {  	s31 =	sshll.u32 s1, $0xD;
	s1 =	sshrl.u32 s1, $0x2  }
0xbb: {  	s3 =	sand.u32 $0x4000, s31;
	s1 =	sadd.s32 s1, s30  }
0xbc: {  	s0 =	sor.u32 s3, s0;
	s1 =	sshll.u32 s1, $0x11  }
0xbd: {  	s0 =	sor.u32 s1, s0  }
0xbe: {  	s0 =	sadd.s32 $0x8F2B, s0  }
0xbf: {  	[sflag:s0] =	ssyncadd.remote.s32 $0x1  }
0xc0: {  	_ =	sfence.sel $0xFFFF  }
0xc1: {  	[dreg:$0x0] =	wrdreg $0xFFFFFFFF;
	(pc) =	sbr.abs _section_cstart, $3  }
0xc2: {  	[dreg:$0x1] =	wrdreg $0xFFFFFFFF  }
0xc3: {  	_ =	task.clear_ibuf [dreg:s8], $0x2FFFF;
	_ =	strace $0x9FFFFFFF  }
0xc4: {  	(tm) =	ssettm $0x7FFFFFFF  }
0xc5: {  	_ =	shalt  }
tec
execute0_lowered:
.L_overlay_start_1:
0x0: {  	(tag) =	ssettag $0x1  }
0x1: {  	s0 =	rddreg [dreg:$0x0]  }
0x2: {  	s1 =	rddreg [dreg:$0x1]  }
0x3: {  	s2 =	rddreg [dreg:$0x2];
	s4 =	simm.s32 $0x0;
	s3 =	srdreg.scid  }
0x4: {  	s26 =	stileid.u32;
	[smem:$0x7FF] =	sst s4  }
0x5: {  	s3 =	sand.u32 $0x1, s3;
	s4 =	sshll.u32 s26, $0xA;
	s6 =	sadd.s32 $0x400, s1  }
0x6: {  	s1 =	sadd.s32 $0x600, s1;
	_ =	strace $0x80000047;
	s5 =	sshll.u32 s3, $0x9  }
0x7: {  	[dreg:$0x4] =	wrdreg s6;
	s3 =	ssub.s32 $0x2, s3;
	s4 =	sor.u32 s5, s4  }
.Ltmp0:
0x8: {  	[dreg:$0x5] =	wrdreg s1;
	s5 =	sadd.s32 s0, s4;
	(pc) =	sbr.rel .LBB2_1-.Ltmp0, $4  }
0x9: {  	s28 =	sshrl.u32 s3, $0x1;
	s31 =	sadd.s32 s2, s4;
	[dreg:$0x6] =	wrdreg s5  }
0xa: {  	s29 =	ssub.s32 s3, s28;
	s30 =	sadd.s32 $0x4000, s5;
	[dreg:$0x8] =	wrdreg s31  }
0xb: {  	s9 =	simm.s32 $0x1A000;
	s0 =	smax.u32 s29, $0x1;
	[dreg:$0x7] =	wrdreg s30  }
0xc: {  	v0 =	vimm.s32 $0x0;
	s4 =	simm.s32 $0x800;
	s2 =	simm.s32 $0x0;
	[dreg:$0x9] =	wrdreg s0  }
.LBB2_8:
0xd: {  	s0 =	simm.s32 $0x3  }
0xe: {  	_ =	swait.ge [sflag:s0], $0x8000  }
0xf: {  	[sflag:s0] =	ssyncset.done $0x0  }
0x10: {  	s1 =	simm.s32 $0x4;
	[sflag:s0] =	ssyncadd.s32 $0xFFFF8000  }
0x11: {  	_ =	swait.ge [sflag:s1], $0x8000  }
0x12: {  	s2 =	rddreg [dreg:$0xa]  }
0x13: {  	s31 =	rddreg [dreg:$0x9];
	s2 =	sadd.s32 $0x1, s2  }
0x14: {  	p0 =	sne.s32 s2, s31  }
.Ltmp1:
0x15: {  	_ = 	snop;
	(pc) =	sbr.rel @!p0 .LBB2_9-.Ltmp1, $3  }
0x16: {  	_ =	sdelay $0x1  }
0x17: {  	[sflag:s1] =	ssyncset.done $0x0  }
0x18: {  	[sflag:s1] =	ssyncadd.s32 $0xFFFF8000  }
.LBB2_1:
0x19: {  	[dreg:$0xa] =	wrdreg s2  }
0x1a: {  	s0 =	simm.s32 $0x0;
	s1 =	rddreg [dreg:$0x4];
	s25 =	simm.s32 $0x5  }
0x1b: {  	[tilespmem:s9], [sflag:$0x5] =	stream.linear.gather [hbm4b:s1+s0], $0x100, $0x38;
	[tilespmem:$0x1A180] =	vst v63  }
0x1c: {  	_ =	swait.ge [sflag:s25], $0x100  }
0x1d: {  	[sflag:s25] =	ssyncset.done $0x0  }
0x1e: {  	s3 =	simm.s32 $0x1A100;
	s26 =	rddreg [dreg:$0x5];
	[sflag:s25] =	ssyncadd.s32 $0xFFFFFF00  }
0x1f: {  	[tilespmem:s3], [sflag:$0x5] =	stream.linear.gather [hbm4b:s26+s0], $0x80, $0x38;
	[tilespmem:$0x1A180] =	vst v63  }
0x20: {  	_ =	swait.ge [sflag:s25], $0x80  }
0x21: {  	[sflag:s25] =	ssyncset.done $0x0  }
0x22: {  	[sflag:s25] =	ssyncadd.s32 $0xFFFFFF80  }
0x23: {  	v1 =	vld [tilespmem:$0x1A000]  }
0x24: {  	v2 =	vld [tilespmem:$0x1A100]  }
0x25: {  	v3 =	vld [tilespmem:$0x1A010]  }
0x26: {  	v4 =	vld [tilespmem:$0x1A020]  }
0x27: {  	v5 =	vld [tilespmem:$0x1A030]  }
0x28: {  	v7 =	vld [tilespmem:$0x1A040]  }
0x29: {  	v9 =	vld [tilespmem:$0x1A050]  }
0x2a: {  	v10 =	vld [tilespmem:$0x1A060]  }
0x2b: {  	v6 =	vmin.f32 v1, $0.0e+00  }
0x2c: {  	v51 =	vld [tilespmem:$0x1A070];
	v1 =	vmax.f32 v1, $0.0e+00;
	v8 =	vmin.f32 v3, $0.0e+00;
	v49 =	vmin.f32 v4, $0.0e+00  }
0x2d: {  	v12 =	vld [tilespmem:$0x1A080];
	v3 =	vmax.f32 v3, $0.0e+00;
	v11 =	vmin.f32 v5, $0.0e+00;
	v4 =	vmax.f32 v4, $0.0e+00  }
0x2e: {  	v5 =	vmax.f32 v5, $0.0e+00;
	v52 =	vmin.f32 v7, $0.0e+00;
	v6 =	vmul.f32 v6, v2  }
0x2f: {  	v54 =	vmin.f32 v9, $0.0e+00;
	v56 =	vmin.f32 v10, $0.0e+00;
	v48 =	vmul.f32 v8, v2  }
0x30: {  	v13 =	vld [tilespmem:$0x1A090];
	v58 =	vmax.f32 v10, $0.0e+00;
	v8 =	vmul.f32 v49, v2;
	v1 =	vadd.f32 v6, v1  }
0x31: {  	v59 =	vmin.f32 v51, $0.0e+00;
	v50 =	vmul.f32 v11, v2;
	v3 =	vadd.f32 v48, v3  }
0x32: {  	v61 =	vmin.f32 v12, $0.0e+00;
	v53 =	vmul.f32 v52, v2;
	v4 =	vadd.f32 v8, v4;
	[tilespmem:$0x1A000] =	vst v1  }
0x33: {  	v55 =	vmul.f32 v54, v2;
	v5 =	vadd.f32 v50, v5;
	v1 =	vmax.f32 v7, $0.0e+00;
	[tilespmem:$0x1A010] =	vst v3  }
0x34: {  	v57 =	vmul.f32 v56, v2;
	v3 =	vmax.f32 v9, $0.0e+00;
	[tilespmem:$0x1A020] =	vst v4;
	v1 =	vadd.f32 v53, v1  }
0x35: {  	v62 =	vmin.f32 v13, $0.0e+00;
	v60 =	vmul.f32 v59, v2;
	[tilespmem:$0x1A030] =	vst v5;
	v3 =	vadd.f32 v55, v3  }
0x36: {  	v6 =	vmul.f32 v61, v2;
	v4 =	vadd.f32 v57, v58;
	[tilespmem:$0x1A040] =	vst v1;
	v1 =	vmax.f32 v51, $0.0e+00  }
0x37: {  	v2 =	vmul.f32 v62, v2;
	[tilespmem:$0x1A050] =	vst v3;
	v3 =	vmax.f32 v12, $0.0e+00;
	v1 =	vadd.f32 v60, v1  }
0x38: {  	v63 =	vmax.f32 v13, $0.0e+00;
	[tilespmem:$0x1A060] =	vst v4;
	v3 =	vadd.f32 v6, v3  }
0x39: {  	[tilespmem:$0x1A070] =	vst v1;
	v1 =	vadd.f32 v2, v63  }
0x3a: {  	[tilespmem:$0x1A080] =	vst v3  }
0x3b: {  	s29 =	simm.s32 $0x320000;
	s28 =	rddreg [dreg:$0x6];
	[tilespmem:$0x1A090] =	vst v1  }
0x3c: {  	[tilespmem:s0], [sflag:$0x1] =	stream.strided.gather [hbm4b:s28+s4], $0x5000, s29, s4, $0x38;
	[tilespmem:$0x1A180] =	vst v63  }
0x3d: {  	s31 =	simm.s32 $0x5000;
	s1 =	simm.s32 $0x0;
	s30 =	rddreg [dreg:$0x7]  }
0x3e: {  	[tilespmem:s31], [sflag:$0x2] =	stream.strided.gather [hbm4b:s30+s4], $0x5000, s29, s4, $0x38;
	[tilespmem:$0x1A180] =	vst v63  }
.LBB2_2:
0x3f: {  	[dreg:$0xb] =	wrdreg s1;
	s0 =	simm.s32 $0x1  }
0x40: {  	p1 =	seq.s32 s1, $0x0;
	_ =	swait.ge [sflag:s0], $0x5000  }
0x41: {  	s21 =	simm.s32 $0x0;
	s22 =	simm.s32 $0x0;
	[sflag:s0] =	ssyncset.done $0x0  }
0x42: {  	s2 =	simm.s32 @!p1 $0x3;
	s11 =	sand.u32 $0x60, s21;
	[sflag:s0] =	ssyncadd.s32 $0xFFFFB000  }
0x43: {  	s1 =	sand.u32 $0xFFFFFF80, s22;
	s0 =	sand.u32 $0x400, s21;
	_ =	swait.ge @!p1 [sflag:s2], $0x8000  }
0x44: {  	s21 =	sor.u32 $0x10, s11;
	s1 =	sadd.s32 s1, s0;
	[sflag:s2] =	ssyncset.done @!p1 $0x0  }
0x45: {  	s23 =	sadd.s32 $0x800, s1;
	s3 =	sor.u32 s21, s1;
	[sflag:s2] =	ssyncadd.s32 @!p1 $0xFFFF8000  }
0x46: {  	s24 =	sor.u32 s21, s23;
	v1 =	vld [tilespmem:s3+$0x0]  }
0x47: {  	s13 =	sadd.s32 $0x1000, s1;
	v2 =	vld [tilespmem:s24+$0x0]  }
0x48: {  	s25 =	sor.u32 s21, s13  }
0x49: {  	s12 =	sadd.s32 $0x1800, s1;
	v3 =	vld [tilespmem:s25+$0x0]  }
0x4a: {  	s26 =	sor.u32 s21, s12  }
0x4b: {  	s10 =	sadd.s32 $0x2000, s1;
	v4 =	vld [tilespmem:s26+$0x0]  }
0x4c: {  	s4 =	sor.u32 s21, s10;
	vm0 =	vgt.f32 v2, v1  }
0x4d: {  	s8 =	sadd.s32 $0x2800, s1;
	v1 =	vsel vm0, v2, v1;
	v2 =	vld [tilespmem:s4+$0x0]  }
0x4e: {  	s5 =	sor.u32 s21, s8;
	vm1 =	vgt.f32 v3, v1  }
0x4f: {  	s7 =	sadd.s32 $0x3000, s1;
	v1 =	vsel vm1, v3, v1;
	v3 =	vld [tilespmem:s5+$0x0]  }
0x50: {  	s6 =	sor.u32 s21, s7;
	vm2 =	vgt.f32 v4, v1  }
0x51: {  	v5 =	vld [tilespmem:s6+$0x0];
	s5 =	sadd.s32 $0x3800, s1;
	v1 =	vsel vm2, v4, v1  }
0x52: {  	s14 =	sor.u32 s21, s5;
	vm3 =	vgt.f32 v2, v1  }
0x53: {  	s6 =	sadd.s32 $0x4000, s1;
	v1 =	vsel vm3, v2, v1;
	v2 =	vld [tilespmem:s14+$0x0]  }
0x54: {  	s15 =	sor.u32 s21, s6;
	vm4 =	vgt.f32 v3, v1  }
0x55: {  	s3 =	sadd.s32 $0x4800, s1;
	v6 =	vsel vm0, $0x1, v0;
	v4 =	vld [tilespmem:s15+$0x0];
	v1 =	vsel vm4, v3, v1  }
0x56: {  	s4 =	sor.u32 s21, s3;
	v3 =	vsel vm1, $0x2, v6;
	vm7 =	vgt.f32 v5, v1  }
0x57: {  	v3 =	vsel vm2, $0x3, v3;
	v1 =	vsel vm7, v5, v1;
	v5 =	vld [tilespmem:s4+$0x0]  }
0x58: {  	v3 =	vsel vm3, $0x4, v3;
	vm8 =	vgt.f32 v2, v1  }
0x59: {  	v3 =	vsel vm4, $0x5, v3;
	v1 =	vsel vm8, v2, v1  }
0x5a: {  	v2 =	vsel vm7, $0x6, v3;
	vm9 =	vgt.f32 v4, v1  }
0x5b: {  	v2 =	vsel vm8, $0x7, v2;
	v1 =	vsel vm9, v4, v1  }
0x5c: {  	v2 =	vsel vm9, $0x8, v2;
	vm10 =	vgt.f32 v5, v1  }
0x5d: {  	v2 =	vsel vm10, $0x9, v2;
	_ =	sdelay $0x4  }
0x5e: {  	s16 =	simm.s32 $0x0;
	v1 =	vld.idx.msk [tilespmem:v2+s9+$0x0], $0xffff  }
0x5f: {  	s4 =	sand.u32 $0x3FFFF000, s16;
	v3 =	vadd.s32 $0xA, v2  }
0x60: {  	s13 =	sor.u32 s11, s13;
	s14 =	sor.u32 s0, s4  }
0x61: {  	s12 =	sor.u32 s11, s12;
	v8 =	vld [tilespmem:s13+$0x0];
	s25 =	sadd.s32 $0xA000, s14  }
0x62: {  	s17 =	simm.s32 $0x100;
	s10 =	sor.u32 s11, s10;
	v7 =	vld [tilespmem:s12+$0x0];
	s4 =	sor.u32 s21, s25  }
0x63: {  	s18 =	simm.s32 $0x20;
	s2 =	sand.u32 $0x400, s17;
	v11 =	vld [tilespmem:s10+$0x0];
	s16 =	simm.s32 $0x10;
	[tilespmem:s4+$0x0] =	vst v1  }
0x64: {  	s15 =	sor.u32 s11, s23;
	s0 =	sand.u32 $0x60, s18;
	s16 =	sand.u32 $0xFFFFFF80, s16;
	v1 =	vld.idx.msk [tilespmem:v3+s9+$0x0], $0xffff  }
0x65: {  	s17 =	sor.u32 s11, s1;
	s1 =	sor.u32 $0x10, s0;
	v5 =	vld [tilespmem:s15+$0x0];
	s15 =	sadd.s32 s16, s2;
	v3 =	vadd.s32 $0x14, v2  }
0x66: {  	v6 =	vld [tilespmem:s17+$0x0];
	s16 =	sor.u32 s1, s15;
	s17 =	sadd.s32 $0x1000, s15  }
0x67: {  	s18 =	sadd.s32 $0x800, s15;
	v4 =	vld [tilespmem:s16+$0x0];
	s20 =	sor.u32 s1, s17  }
0x68: {  	s19 =	sor.u32 s1, s18;
	v10 =	vld [tilespmem:s20+$0x0]  }
0x69: {  	[tilespmem:s4+$0x80] =	vst v1;
	v1 =	vld [tilespmem:s19+$0x0]  }
0x6a: {  	s13 =	sadd.s32 $0x3800, s15;
	s17 =	sor.u32 s0, s17;
	v3 =	vld.idx.msk [tilespmem:v3+s9+$0x0], $0xffff  }
0x6b: {  	v9 =	vadd.s32 $0x1E, v2;
	s16 =	sadd.s32 $0x3000, s15;
	s10 =	sor.u32 s1, s13;
	s13 =	sor.u32 s0, s13;
	v37 =	vld [tilespmem:s17+$0x0]  }
0x6c: {  	s26 =	sor.u32 s1, s16;
	v33 =	vld [tilespmem:s13+$0x0];
	s19 =	sadd.s32 $0x1800, s15  }
0x6d: {  	s20 =	sadd.s32 $0x2000, s15;
	v13 =	vld [tilespmem:s26+$0x0];
	s22 =	sor.u32 s1, s19  }
0x6e: {  	s23 =	sor.u32 s1, s20;
	v12 =	vld [tilespmem:s22+$0x0]  }
0x6f: {  	s12 =	sadd.s32 $0x4000, s15;
	vm11 =	vgt.f32 v1, v4;
	[tilespmem:s4+$0x100] =	vst v3;
	v3 =	vld [tilespmem:s23+$0x0]  }
0x70: {  	v1 =	vsel vm11, v1, v4;
	s23 =	sor.u32 s1, s12;
	v4 =	vld.idx.msk [tilespmem:v9+s9+$0x0], $0xffff  }
0x71: {  	s22 =	sadd.s32 $0x2800, s15;
	s12 =	sor.u32 s0, s12;
	v15 =	vld [tilespmem:s23+$0x0]  }
0x72: {  	s24 =	sor.u32 s1, s22;
	vm12 =	vgt.f32 v10, v1;
	v35 =	vld [tilespmem:s12+$0x0]  }
0x73: {  	v9 =	vadd.s32 $0x28, v2;
	v1 =	vsel vm12, v10, v1;
	v10 =	vld [tilespmem:s24+$0x0];
	s24 =	sor.u32 s11, s7  }
0x74: {  	s7 =	sadd.s32 $0x4800, s15;
	s15 =	sor.u32 s0, s15;
	vm13 =	vgt.f32 v12, v1;
	v16 =	vld [tilespmem:s24+$0x0]  }
0x75: {  	s8 =	sor.u32 s11, s8;
	v39 =	vld [tilespmem:s15+$0x0];
	v1 =	vsel vm13, v12, v1  }
0x76: {  	v12 =	vld [tilespmem:s8+$0x0];
	vm14 =	vgt.f32 v3, v1  }
0x77: {  	[tilespmem:s4+$0x180] =	vst v4;
	v1 =	vsel vm14, v3, v1;
	v3 =	vld [tilespmem:s10+$0x0]  }
0x78: {  	s26 =	sor.u32 s1, s7;
	v4 =	vld.idx.msk [tilespmem:v9+s9+$0x0], $0xffff;
	vm15 =	vgt.f32 v10, v1  }
0x79: {  	v14 =	vsel vm11, $0x1, v0;
	s7 =	sor.u32 s0, s7;
	v17 =	vld [tilespmem:s26+$0x0];
	v1 =	vsel vm15, v10, v1  }
0x7a: {  	v40 =	vld [tilespmem:s7+$0x0];
	s10 =	sor.u32 s0, s18;
	s18 =	sor.u32 s0, s19;
	v10 =	vsel vm12, $0x2, v14;
	vm7 =	vgt.f32 v13, v1  }
0x7b: {  	s19 =	sor.u32 s0, s20;
	v9 =	vadd.s32 $0x32, v2;
	v20 =	vld [tilespmem:s18+$0x0];
	v10 =	vsel vm13, $0x3, v10;
	v1 =	vsel vm7, v13, v1  }
0x7c: {  	s20 =	sor.u32 s0, s22;
	v23 =	vld [tilespmem:s19+$0x0];
	v14 =	vsel vm14, $0x4, v10;
	vm8 =	vgt.f32 v3, v1  }
0x7d: {  	v28 =	vld [tilespmem:s20+$0x0];
	s20 =	sor.u32 s0, s16;
	[tilespmem:s4+$0x200] =	vst v4;
	v4 =	vsel vm15, $0x5, v14;
	v1 =	vsel vm8, v3, v1  }
0x7e: {  	s5 =	sor.u32 s11, s5;
	v29 =	vld [tilespmem:s20+$0x0];
	v4 =	vsel vm7, $0x6, v4;
	vm9 =	vgt.f32 v15, v1  }
0x7f: {  	s3 =	sor.u32 s11, s3;
	v13 =	vld [tilespmem:s5+$0x0];
	v4 =	vsel vm8, $0x7, v4;
	v1 =	vsel vm9, v15, v1  }
0x80: {  	s23 =	simm.s32 $0x200;
	s26 =	simm.s32 $0x40;
	s22 =	simm.s32 $0x20;
	v3 =	vld.idx.msk [tilespmem:v9+s9+$0x0], $0xffff;
	v4 =	vsel vm9, $0x8, v4;
	vm10 =	vgt.f32 v17, v1  }
0x81: {  	s24 =	sand.u32 $0x60, s26;
	s15 =	sand.u32 $0xFFFFFF80, s22;
	v15 =	vld [tilespmem:s10+$0x0];
	s10 =	sand.u32 $0x400, s23;
	v4 =	vsel vm10, $0x9, v4  }
0x82: {  	s6 =	sor.u32 s11, s6;
	v14 =	vld [tilespmem:s3+$0x0];
	s3 =	sor.u32 $0x10, s24;
	v9 =	vadd.s32 $0x3C, v2;
	s5 =	sadd.s32 s15, s10  }
0x83: {  	v10 =	vld [tilespmem:s6+$0x0];
	s6 =	sadd.s32 $0x800, s5;
	s18 =	sor.u32 s3, s5  }
0x84: {  	v17 =	vld [tilespmem:s18+$0x0];
	s19 =	sor.u32 s3, s6  }
0x85: {  	v18 =	vld [tilespmem:s19+$0x0]  }
0x86: {  	s17 =	simm.s32 $0x200;
	s16 =	sadd.s32 $0x1800, s5;
	[tilespmem:s4+$0x280] =	vst v3;
	v3 =	vld.idx.msk [tilespmem:v4+s9+$0x0], $0xffff  }
0x87: {  	s8 =	sand.u32 $0x3FFFF000, s17;
	s26 =	sor.u32 s3, s16;
	v1 =	vld.idx.msk [tilespmem:v9+s9+$0x0], $0xffff;
	v9 =	vadd.s32 $0xA, v4  }
0x88: {  	s17 =	sor.u32 s2, s8;
	s2 =	sadd.s32 $0x1000, s5;
	s6 =	sor.u32 s24, s6;
	v21 =	vld [tilespmem:s26+$0x0]  }
0x89: {  	s22 =	sadd.s32 $0xA000, s17;
	s23 =	sor.u32 s3, s2;
	s2 =	sor.u32 s24, s2;
	v38 =	vld [tilespmem:s6+$0x0]  }
0x8a: {  	v22 =	vadd.s32 $0x46, v2;
	s8 =	sor.u32 s1, s22;
	v36 =	vld [tilespmem:s2+$0x0]  }
0x8b: {  	s18 =	sadd.s32 $0x2000, s5;
	[tilespmem:s8+$0x0] =	vst v3;
	v3 =	vld [tilespmem:s23+$0x0]  }
0x8c: {  	s15 =	sadd.s32 $0x2800, s5;
	s19 =	sor.u32 s3, s18;
	v9 =	vld.idx.msk [tilespmem:v9+s9+$0x0], $0xffff  }
0x8d: {  	v19 =	vadd.s32 $0x14, v4;
	s6 =	sor.u32 s24, s15;
	v24 =	vld [tilespmem:s19+$0x0]  }
0x8e: {  	s12 =	sadd.s32 $0x3800, s5;
	v32 =	vld [tilespmem:s6+$0x0];
	vm11 =	vgt.f32 v18, v17;
	[tilespmem:s4+$0x300] =	vst v1  }
0x8f: {  	s20 =	sor.u32 s3, s15;
	s15 =	sor.u32 s24, s12;
	v17 =	vsel vm11, v18, v17;
	v18 =	vld.idx.msk [tilespmem:v22+s9+$0x0], $0xffff  }
0x90: {  	v57 =	vadd.s32 $0x50, v2;
	v30 =	vld [tilespmem:s15+$0x0]  }
0x91: {  	s13 =	sadd.s32 $0x3000, s5;
	vm12 =	vgt.f32 v3, v17;
	[tilespmem:s8+$0x80] =	vst v9;
	v9 =	vld [tilespmem:s20+$0x0]  }
0x92: {  	s23 =	sor.u32 s3, s13;
	s13 =	sor.u32 s24, s13;
	v3 =	vsel vm12, v3, v17;
	v17 =	vld.idx.msk [tilespmem:v19+s9+$0x0], $0xffff  }
0x93: {  	v1 =	vadd.s32 $0x1E, v4;
	v31 =	vld [tilespmem:s13+$0x0];
	vm13 =	vgt.f32 v21, v3  }
0x94: {  	[tilespmem:s4+$0x380] =	vst v18;
	v19 =	vld [tilespmem:s23+$0x0];
	v3 =	vsel vm13, v21, v3  }
0x95: {  	s26 =	sor.u32 s3, s12;
	v62 =	vld.idx.msk [tilespmem:v57+s9+$0x0], $0xffff;
	s20 =	sadd.s32 $0x4000, s5;
	vm14 =	vgt.f32 v24, v3  }
0x96: {  	s23 =	sor.u32 s3, s20;
	v21 =	vld [tilespmem:s26+$0x0];
	v3 =	vsel vm14, v24, v3  }
0x97: {  	s7 =	sadd.s32 $0x4800, s5;
	v22 =	vsel vm11, $0x1, v0;
	vm15 =	vgt.f32 v9, v3;
	[tilespmem:s8+$0x100] =	vst v17;
	v17 =	vld [tilespmem:s23+$0x0]  }
0x98: {  	s5 =	sor.u32 s24, s5;
	s26 =	sor.u32 s3, s7;
	v3 =	vsel vm15, v9, v3;
	v42 =	vld.idx.msk [tilespmem:v1+s9+$0x0], $0xffff;
	v1 =	vsel vm12, $0x2, v22  }
0x99: {  	s7 =	sor.u32 s24, s7;
	v9 =	vld [tilespmem:s26+$0x0];
	s23 =	sor.u32 s24, s16;
	s26 =	sor.u32 s24, s18;
	vm7 =	vgt.f32 v19, v3;
	v1 =	vsel vm13, $0x3, v1  }
0x9a: {  	v41 =	vld [tilespmem:s5+$0x0];
	s16 =	sor.u32 s24, s20;
	s18 =	simm.s32 $0x30;
	s20 =	simm.s32 $0x300;
	v3 =	vsel vm7, v19, v3;
	v1 =	vsel vm14, $0x4, v1  }
0x9b: {  	v26 =	vld [tilespmem:s7+$0x0];
	s19 =	sand.u32 $0x400, s20;
	s2 =	sand.u32 $0xFFFFFF80, s18;
	vm8 =	vgt.f32 v21, v3;
	v1 =	vsel vm15, $0x5, v1  }
0x9c: {  	s5 =	sadd.s32 s2, s19;
	v3 =	vsel vm8, v21, v3;
	v19 =	vsel vm7, $0x6, v1;
	v1 =	vld [tilespmem:s23+$0x0];
	s23 =	simm.s32 $0x60  }
0x9d: {  	v34 =	vld [tilespmem:s26+$0x0];
	s26 =	sadd.s32 $0x800, s5;
	vm9 =	vgt.f32 v17, v3;
	s6 =	sand.u32 $0x60, s23  }
0x9e: {  	v27 =	vld [tilespmem:s16+$0x0];
	v3 =	vsel vm9, v17, v3;
	s7 =	sor.u32 s6, s26  }
0x9f: {  	vm10 =	vgt.f32 v9, v3;
	s2 =	sor.u32 $0x10, s6;
	s20 =	sor.u32 s6, s5;
	v3 =	vld [tilespmem:s7+$0x0]  }
0xa0: {  	s13 =	sor.u32 s2, s5;
	v22 =	vld [tilespmem:s20+$0x0]  }
0xa1: {  	vm11 =	vgt.f32 v5, v6;
	s12 =	sadd.s32 $0x1000, s5;
	s15 =	sor.u32 s2, s26;
	v51 =	vld [tilespmem:s13+$0x0]  }
0xa2: {  	v5 =	vsel vm11, v5, v6;
	s16 =	sor.u32 s2, s12;
	v52 =	vld [tilespmem:s15+$0x0]  }
0xa3: {  	vm12 =	vgt.f32 v8, v5;
	s7 =	sadd.s32 $0x3000, s5;
	s12 =	sor.u32 s6, s12;
	v50 =	vld [tilespmem:s16+$0x0]  }
0xa4: {  	v5 =	vsel vm12, v8, v5;
	s20 =	sor.u32 s2, s7;
	v24 =	vld [tilespmem:s12+$0x0]  }
0xa5: {  	vm13 =	vgt.f32 v7, v5;
	s13 =	sadd.s32 $0x1800, s5;
	s7 =	sor.u32 s6, s7;
	v46 =	vld [tilespmem:s20+$0x0]  }
0xa6: {  	v6 =	vsel vm13, v7, v5;
	v19 =	vsel vm8, $0x7, v19;
	s16 =	sadd.s32 $0x2000, s5;
	s18 =	sor.u32 s2, s13;
	v5 =	vld [tilespmem:s7+$0x0]  }
0xa7: {  	v17 =	vsel vm9, $0x8, v19;
	s15 =	sadd.s32 $0x2800, s5;
	s23 =	sor.u32 s2, s16;
	v49 =	vld [tilespmem:s18+$0x0]  }
0xa8: {  	v9 =	vsel vm10, $0x9, v17;
	s26 =	sor.u32 s2, s15;
	v48 =	vld [tilespmem:s23+$0x0]  }
0xa9: {  	vm14 =	vgt.f32 v11, v6;
	s13 =	sor.u32 s6, s13;
	v47 =	vld [tilespmem:s26+$0x0]  }
0xaa: {  	v6 =	vsel vm14, v11, v6;
	s12 =	sadd.s32 $0x4000, s5;
	s16 =	sor.u32 s6, s16;
	v25 =	vld [tilespmem:s13+$0x0]  }
0xab: {  	vm15 =	vgt.f32 v12, v6;
	s26 =	sor.u32 s2, s12;
	v21 =	vld [tilespmem:s16+$0x0]  }
0xac: {  	v8 =	vsel vm11, $0x1, v0;
	v17 =	vsel vm15, v12, v6;
	s18 =	sadd.s32 $0x3800, s5;
	v43 =	vld [tilespmem:s26+$0x0]  }
0xad: {  	v8 =	vsel vm12, $0x2, v8;
	vm7 =	vgt.f32 v16, v17;
	s5 =	sadd.s32 $0x4800, s5;
	s23 =	sor.u32 s2, s18;
	v53 =	vld.idx.msk [tilespmem:v9+s9+$0x0], $0xffff  }
0xae: {  	s29 =	simm.s32 $0x400;
	v8 =	vsel vm13, $0x3, v8;
	v17 =	vsel vm7, v16, v17;
	s13 =	simm.s32 $0x40;
	s20 =	sor.u32 s2, s5;
	v45 =	vld [tilespmem:s23+$0x0]  }
0xaf: {  	s30 =	simm.s32 $0x80;
	v55 =	vadd.s32 $0x28, v4;
	v54 =	vsel vm14, $0x4, v8;
	vm8 =	vgt.f32 v13, v17;
	s26 =	sor.u32 s6, s18;
	s7 =	sand.u32 $0xFFFFFF80, s13;
	v44 =	vld [tilespmem:s20+$0x0]  }
0xb0: {  	v54 =	vsel vm15, $0x5, v54;
	s5 =	sor.u32 s6, s5;
	v56 =	vsel vm8, v13, v17;
	v11 =	vld [tilespmem:s26+$0x0];
	s26 =	sand.u32 $0x60, s30;
	s20 =	sand.u32 $0x400, s29  }
0xb1: {  	v54 =	vsel vm7, $0x6, v54;
	s23 =	sor.u32 s6, s15;
	v6 =	vld [tilespmem:s5+$0x0];
	vm9 =	vgt.f32 v10, v56;
	s7 =	sadd.s32 s7, s20;
	s28 =	sor.u32 $0x10, s26  }
0xb2: {  	v54 =	vsel vm8, $0x7, v54;
	v19 =	vld [tilespmem:s23+$0x0];
	v56 =	vsel vm9, v10, v56;
	s16 =	sor.u32 s28, s7  }
0xb3: {  	[tilespmem:s8+$0x180] =	vst v42;
	v54 =	vsel vm9, $0x8, v54;
	s15 =	sadd.s32 $0x800, s7;
	vm10 =	vgt.f32 v14, v56;
	v12 =	vld [tilespmem:s16+$0x0]  }
0xb4: {  	s23 =	sor.u32 s26, s15;
	v42 =	vsel vm10, $0x9, v54;
	v54 =	vld.idx.msk [tilespmem:v55+s9+$0x0], $0xffff  }
0xb5: {  	vm11 =	vgt.f32 v15, v39;
	s18 =	sor.u32 s28, s15;
	s15 =	simm.s32 $0x400;
	v8 =	vld [tilespmem:s23+$0x0];
	s23 =	sadd.s32 $0x1800, s7  }
0xb6: {  	v39 =	vsel vm11, v15, v39;
	v58 =	vadd.s32 $0xA, v9;
	v16 =	vld [tilespmem:s18+$0x0];
	s18 =	sand.u32 $0x3FFFF000, s15;
	s16 =	sor.u32 s28, s23  }
0xb7: {  	vm12 =	vgt.f32 v37, v39;
	s15 =	sor.u32 s10, s18;
	v13 =	vld [tilespmem:s16+$0x0];
	s16 =	sor.u32 s26, s7  }
0xb8: {  	v37 =	vsel vm12, v37, v39;
	s12 =	sor.u32 s6, s12;
	s5 =	sadd.s32 $0x1000, s7;
	v10 =	vld [tilespmem:s16+$0x0];
	s16 =	sadd.s32 $0xA000, s15  }
0xb9: {  	vm13 =	vgt.f32 v20, v37;
	v7 =	vld [tilespmem:s12+$0x0];
	v56 =	vadd.s32 $0x32, v4;
	s13 =	sor.u32 s28, s5;
	s10 =	sor.u32 s3, s16  }
0xba: {  	v63 =	vadd.s32 $0x5A, v2;
	v37 =	vsel vm13, v20, v37;
	v17 =	vld [tilespmem:s13+$0x0];
	[tilespmem:s10+$0x0] =	vst v53  }
0xbb: {  	vm14 =	vgt.f32 v23, v37;
	s5 =	sor.u32 s26, s5;
	v60 =	vld.idx.msk [tilespmem:v58+s9+$0x0], $0xffff  }
0xbc: {  	s14 =	sadd.s32 $0xA800, s14;
	v61 =	vadd.s32 $0x14, v9;
	v37 =	vsel vm14, v23, v37;
	v20 =	vld [tilespmem:s5+$0x0]  }
0xbd: {  	s21 =	sor.u32 s21, s14;
	vm15 =	vgt.f32 v28, v37;
	v59 =	vld.idx.msk [tilespmem:v42+s9+$0x0], $0xffff;
	[tilespmem:s8+$0x200] =	vst v54  }
0xbe: {  	[tilespmem:s21+$0x0] =	vst v62;
	v28 =	vsel vm15, v28, v37;
	s13 =	sadd.s32 $0x2000, s7;
	v62 =	vadd.s32 $0xA, v42;
	v54 =	vld.idx.msk [tilespmem:v56+s9+$0x0], $0xffff  }
0xbf: {  	vm5 =	vgt.f32 v29, v28;
	s18 =	sor.u32 s28, s13;
	v53 =	vld.idx.msk [tilespmem:v63+s9+$0x0], $0xffff;
	v63 =	vadd.s32 $0x3C, v4  }
0xc0: {  	v29 =	vsel vm5, v29, v28;
	v14 =	vld [tilespmem:s18+$0x0];
	[tilespmem:s10+$0x80] =	vst v60;
	v60 =	vadd.s32 $0x64, v2  }
0xc1: {  	s25 =	sor.u32 s11, s25;
	vm7 =	vgt.f32 v33, v29;
	s23 =	sor.u32 s26, s23;
	v57 =	vld.idx.msk [tilespmem:v61+s9+$0x0], $0xffff  }
0xc2: {  	v33 =	vsel vm7, v33, v29;
	v29 =	vld [tilespmem:s23+$0x0];
	[tilespmem:s25+$0x0] =	vst v59;
	v61 =	vadd.s32 $0x1E, v9  }
0xc3: {  	v39 =	vld.idx.msk [tilespmem:v62+s9+$0x0], $0xffff;
	[tilespmem:s8+$0x280] =	vst v54  }
0xc4: {  	vm8 =	vgt.f32 v35, v33;
	v37 =	vadd.s32 $0x14, v42;
	[tilespmem:s4+$0x880] =	vst v53;
	v53 =	vld.idx.msk [tilespmem:v63+s9+$0x0], $0xffff  }
0xc5: {  	v33 =	vsel vm8, v35, v33;
	s13 =	sor.u32 s26, s13;
	v63 =	vadd.s32 $0x46, v4;
	v55 =	vld.idx.msk [tilespmem:v60+s9+$0x0], $0xffff  }
0xc6: {  	s31 =	sadd.s32 $0x2800, s7;
	vm10 =	vgt.f32 v40, v33;
	v33 =	vld [tilespmem:s13+$0x0];
	v60 =	vadd.s32 $0x6E, v2;
	[tilespmem:s10+$0x100] =	vst v57  }
0xc7: {  	s18 =	sor.u32 s28, s31;
	v62 =	vsel vm11, $0x1, v0;
	v58 =	vld.idx.msk [tilespmem:v61+s9+$0x0], $0xffff  }
0xc8: {  	v18 =	vld [tilespmem:s18+$0x0];
	v59 =	vadd.s32 $0x28, v9;
	v54 =	vsel vm12, $0x2, v62;
	[tilespmem:s25+$0x80] =	vst v39  }
0xc9: {  	vm9 =	vgt.f32 v52, v51;
	v54 =	vsel vm13, $0x3, v54;
	[tilespmem:s8+$0x300] =	vst v53;
	v37 =	vld.idx.msk [tilespmem:v37+s9+$0x0], $0xffff  }
0xca: {  	s12 =	sadd.s32 $0x3000, s7;
	v51 =	vsel vm9, v52, v51;
	v53 =	vadd.s32 $0x1E, v42;
	v61 =	vsel vm14, $0x4, v54;
	v54 =	vld.idx.msk [tilespmem:v63+s9+$0x0], $0xffff;
	[tilespmem:s4+$0x900] =	vst v55  }
0xcb: {  	s18 =	sor.u32 s28, s12;
	vm11 =	vgt.f32 v50, v51;
	v62 =	vsel vm15, $0x5, v61;
	v55 =	vld.idx.msk [tilespmem:v60+s9+$0x0], $0xffff;
	v60 =	vadd.s32 $0x50, v4  }
0xcc: {  	v15 =	vld [tilespmem:s18+$0x0];
	s18 =	sadd.s32 $0x3800, s7;
	v50 =	vsel vm11, v50, v51;
	v61 =	vadd.s32 $0x78, v2;
	v35 =	vsel vm5, $0x6, v62;
	[tilespmem:s10+$0x180] =	vst v58  }
0xcd: {  	s21 =	sor.u32 s28, s18;
	vm12 =	vgt.f32 v49, v50;
	v63 =	vsel vm7, $0x7, v35;
	v62 =	vld.idx.msk [tilespmem:v59+s9+$0x0], $0xffff  }
0xce: {  	v23 =	vld [tilespmem:s21+$0x0];
	v57 =	vadd.s32 $0x32, v9;
	[tilespmem:s25+$0x100] =	vst v37;
	v39 =	vsel vm8, $0x8, v63;
	v63 =	vsel vm12, v49, v50  }
0xcf: {  	vm0 =	vgt.f32 v38, v41;
	v39 =	vsel vm10, $0x9, v39;
	[tilespmem:s8+$0x380] =	vst v54;
	vm13 =	vgt.f32 v48, v63;
	v59 =	vld.idx.msk [tilespmem:v53+s9+$0x0], $0xffff  }
0xd0: {  	v38 =	vsel vm0, v38, v41;
	s5 =	sadd.s32 $0x4000, s7;
	v58 =	vadd.s32 $0x28, v42;
	v37 =	vsel vm13, v48, v63;
	[tilespmem:s4+$0x980] =	vst v55;
	v60 =	vld.idx.msk [tilespmem:v60+s9+$0x0], $0xffff  }
0xd1: {  	vm1 =	vgt.f32 v36, v38;
	s21 =	sor.u32 s28, s5;
	vm14 =	vgt.f32 v47, v37;
	v40 =	vld.idx.msk [tilespmem:v61+s9+$0x0], $0xffff;
	v61 =	vadd.s32 $0x5A, v4  }
0xd2: {  	v38 =	vsel vm1, v36, v38;
	v28 =	vld [tilespmem:s21+$0x0];
	v37 =	vsel vm14, v47, v37;
	[tilespmem:s10+$0x200] =	vst v62  }
0xd3: {  	s13 =	sadd.s32 $0xA800, s17;
	v56 =	vadd.s32 $0x32, v42;
	v51 =	vadd.s32 $0x82, v2;
	vm15 =	vgt.f32 v46, v37;
	v52 =	vld.idx.msk [tilespmem:v57+s9+$0x0], $0xffff  }
0xd4: {  	s1 =	sor.u32 s1, s13;
	v55 =	vadd.s32 $0x3C, v9;
	v54 =	vld.idx.msk [tilespmem:v39+s9+$0x0], $0xffff;
	v37 =	vsel vm15, v46, v37;
	v62 =	vsel vm9, $0x1, v0;
	[tilespmem:s25+$0x180] =	vst v59  }
0xd5: {  	s7 =	sadd.s32 $0x4800, s7;
	v47 =	vadd.s32 $0xA, v39;
	vm8 =	vgt.f32 v45, v37;
	v48 =	vsel vm11, $0x2, v62;
	v57 =	vld.idx.msk [tilespmem:v58+s9+$0x0], $0xffff;
	[tilespmem:s1+$0x0] =	vst v60  }
0xd6: {  	s23 =	sor.u32 s28, s7;
	vm9 =	vgt.f32 v1, v38;
	v58 =	vadd.s32 $0x14, v39;
	v48 =	vsel vm12, $0x3, v48;
	v59 =	vld.idx.msk [tilespmem:v61+s9+$0x0], $0xffff  }
0xd7: {  	v35 =	vld [tilespmem:s23+$0x0];
	v37 =	vsel vm8, v45, v37;
	v62 =	vadd.s32 $0x64, v4;
	v63 =	vsel vm13, $0x4, v48;
	[tilespmem:s4+$0xA00] =	vst v40  }
0xd8: {  	s23 =	sor.u32 s26, s31;
	s31 =	sor.u32 s0, s22;
	v38 =	vsel vm9, v1, v38;
	vm10 =	vgt.f32 v43, v37;
	v41 =	vsel vm14, $0x5, v63;
	s22 =	rddreg [dreg:$0xb];
	v60 =	vld.idx.msk [tilespmem:v51+s9+$0x0], $0xffff;
	[tilespmem:s10+$0x280] =	vst v52  }
0xd9: {  	vm12 =	vgt.f32 v34, v38;
	v61 =	vadd.s32 $0x8C, v2;
	[tilespmem:s31+$0x0] =	vst v54;
	v41 =	vsel vm15, $0x6, v41;
	v52 =	vld.idx.msk [tilespmem:v55+s9+$0x0], $0xffff  }
0xda: {  	v43 =	vsel vm10, v43, v37;
	v63 =	vadd.s32 $0x46, v9;
	v47 =	vld.idx.msk [tilespmem:v47+s9+$0x0], $0xffff;
	v41 =	vsel vm8, $0x7, v41  }
0xdb: {  	v36 =	vld [tilespmem:s23+$0x0];
	v34 =	vsel vm12, v34, v38;
	vm11 =	vgt.f32 v44, v43;
	v1 =	vsel vm10, $0x8, v41;
	[tilespmem:s8+$0x880] =	vst v59  }
0xdc: {  	vm13 =	vgt.f32 v32, v34;
	[tilespmem:s25+$0x200] =	vst v57;
	v1 =	vsel vm11, $0x9, v1;
	v50 =	vld.idx.msk [tilespmem:v62+s9+$0x0], $0xffff  }
0xdd: {  	v32 =	vsel vm13, v32, v34;
	v43 =	vld.idx.msk [tilespmem:v56+s9+$0x0], $0xffff;
	v55 =	vadd.s32 $0x6E, v4;
	v56 =	vsel vm0, $0x1, v0;
	[tilespmem:s4+$0xA80] =	vst v60  }
0xde: {  	vm14 =	vgt.f32 v31, v32;
	v45 =	vsel vm1, $0x2, v56;
	v54 =	vld.idx.msk [tilespmem:v61+s9+$0x0], $0xffff;
	[tilespmem:s10+$0x300] =	vst v52  }
0xdf: {  	v32 =	vsel vm14, v31, v32;
	v45 =	vsel vm9, $0x3, v45;
	[tilespmem:s31+$0x80] =	vst v47;
	v57 =	vld.idx.msk [tilespmem:v63+s9+$0x0], $0xffff  }
0xe0: {  	vm15 =	vgt.f32 v30, v32;
	v45 =	vsel vm12, $0x4, v45;
	v40 =	vld.idx.msk [tilespmem:v58+s9+$0x0], $0xffff;
	v58 =	vadd.s32 $0x50, v9  }
0xe1: {  	s21 =	simm.s32 $0x600;
	v32 =	vsel vm15, v30, v32;
	v60 =	vsel vm13, $0x5, v45;
	v59 =	vld.idx.msk [tilespmem:v1+s9+$0x0], $0xffff;
	[tilespmem:s8+$0x900] =	vst v50  }
0xe2: {  	s17 =	sor.u32 s26, s12;
	s1 =	sand.u32 $0x3FFFF000, s21;
	vm4 =	vgt.f32 v27, v32;
	v61 =	vadd.s32 $0xA, v1;
	v38 =	vsel vm14, $0x6, v60;
	v44 =	vld.idx.msk [tilespmem:v55+s9+$0x0], $0xffff  }
0xe3: {  	s18 =	sor.u32 s26, s18;
	v37 =	vld [tilespmem:s17+$0x0];
	s19 =	sor.u32 s19, s1;
	v27 =	vsel vm4, v27, v32;
	v63 =	vadd.s32 $0x1E, v39;
	v55 =	vsel vm15, $0x7, v38  }
0xe4: {  	s23 =	sadd.s32 $0xA000, s19;
	v31 =	vld [tilespmem:s18+$0x0];
	v62 =	vadd.s32 $0x78, v4;
	vm5 =	vgt.f32 v26, v27;
	v34 =	vsel vm4, $0x8, v55;
	[tilespmem:s10+$0x380] =	vst v57  }
0xe5: {  	s5 =	sor.u32 s26, s5;
	s1 =	sor.u32 s2, s23;
	[tilespmem:s31+$0x100] =	vst v40;
	v27 =	vsel vm5, $0x9, v34;
	v56 =	vld.idx.msk [tilespmem:v58+s9+$0x0], $0xffff  }
0xe6: {  	v30 =	vld [tilespmem:s5+$0x0];
	v57 =	vadd.s32 $0x5A, v9;
	[tilespmem:s1+$0x0] =	vst v59  }
0xe7: {  	vm6 =	vgt.f32 v3, v22;
	v58 =	vadd.s32 $0x3C, v42;
	[tilespmem:s8+$0x980] =	vst v44;
	v44 =	vld.idx.msk [tilespmem:v61+s9+$0x0], $0xffff  }
0xe8: {  	v22 =	vsel vm6, v3, v22;
	s12 =	sadd.s32 $0xA800, s15;
	v59 =	vadd.s32 $0x14, v1;
	v60 =	vld.idx.msk [tilespmem:v63+s9+$0x0], $0xffff  }
0xe9: {  	s3 =	sor.u32 s3, s12;
	vm7 =	vgt.f32 v24, v22;
	[tilespmem:s25+$0x280] =	vst v43;
	v40 =	vld.idx.msk [tilespmem:v62+s9+$0x0], $0xffff;
	v62 =	vadd.s32 $0x28, v39  }
0xea: {  	v22 =	vsel vm7, v24, v22;
	v61 =	vadd.s32 $0x82, v4;
	v63 =	vld.idx.msk [tilespmem:v27+s9+$0x0], $0xffff;
	[tilespmem:s3+$0x0] =	vst v56  }
0xeb: {  	v3 =	vadd.s32 $0x8C, v42;
	vm8 =	vgt.f32 v25, v22;
	[tilespmem:s4+$0xB00] =	vst v54;
	v24 =	vadd.s32 $0xA, v27;
	v46 =	vld.idx.msk [tilespmem:v57+s9+$0x0], $0xffff  }
0xec: {  	v53 =	vadd.s32 $0x5A, v42;
	v22 =	vsel vm8, v25, v22;
	v58 =	vld.idx.msk [tilespmem:v58+s9+$0x0], $0xffff;
	v57 =	vadd.s32 $0x64, v9;
	[tilespmem:s1+$0x80] =	vst v44  }
0xed: {  	v2 =	vadd.s32 $0x96, v2;
	v41 =	vadd.s32 $0x64, v42;
	vm9 =	vgt.f32 v21, v22;
	[tilespmem:s31+$0x180] =	vst v60;
	v59 =	vld.idx.msk [tilespmem:v59+s9+$0x0], $0xffff  }
0xee: {  	vm0 =	vgt.f32 v8, v10;
	v21 =	vsel vm9, v21, v22;
	v47 =	vadd.s32 $0x46, v42;
	s3 =	sor.u32 s24, s16;
	[tilespmem:s8+$0xA00] =	vst v40;
	v49 =	vld.idx.msk [tilespmem:v62+s9+$0x0], $0xffff  }
0xef: {  	v25 =	vadd.s32 $0x1E, v1;
	vm10 =	vgt.f32 v19, v21;
	vm13 =	vgt.f32 v16, v12;
	v61 =	vld.idx.msk [tilespmem:v61+s9+$0x0], $0xffff;
	[tilespmem:s3+$0x0] =	vst v63  }
0xf0: {  	v52 =	vadd.s32 $0x50, v42;
	v60 =	vsel vm6, $0x1, v0;
	v44 =	vadd.s32 $0x32, v39;
	v24 =	vld.idx.msk [tilespmem:v24+s9+$0x0], $0xffff;
	[tilespmem:s10+$0x880] =	vst v46  }
0xf1: {  	v55 =	vsel vm10, v19, v21;
	v45 =	vsel vm7, $0x2, v60;
	v60 =	vadd.s32 $0x14, v27;
	[tilespmem:s25+$0x300] =	vst v58;
	v54 =	vld.idx.msk [tilespmem:v57+s9+$0x0], $0xffff  }
0xf2: {  	v51 =	vld.idx.msk [tilespmem:v2+s9+$0x0], $0xffff;
	vm11 =	vgt.f32 v5, v55;
	v63 =	vsel vm8, $0x3, v45;
	v45 =	vadd.s32 $0x6E, v9;
	[tilespmem:s1+$0x100] =	vst v59  }
0xf3: {  	v12 =	vsel vm13, v16, v12;
	v55 =	vsel vm11, v5, v55;
	v62 =	vadd.s32 $0x8C, v4;
	v47 =	vld.idx.msk [tilespmem:v47+s9+$0x0], $0xffff;
	[tilespmem:s31+$0x200] =	vst v49  }
0xf4: {  	v50 =	vadd.s32 $0x3C, v39;
	vm12 =	vgt.f32 v11, v55;
	[tilespmem:s8+$0xA80] =	vst v61;
	v61 =	vsel vm9, $0x4, v63;
	v25 =	vld.idx.msk [tilespmem:v25+s9+$0x0], $0xffff  }
0xf5: {  	v11 =	vsel vm12, v11, v55;
	v57 =	vadd.s32 $0x28, v1;
	v44 =	vld.idx.msk [tilespmem:v44+s9+$0x0], $0xffff;
	v63 =	vsel vm10, $0x5, v61;
	[tilespmem:s3+$0x80] =	vst v24  }
0xf6: {  	vm15 =	vgt.f32 v17, v12;
	vm14 =	vgt.f32 v7, v11;
	v46 =	vsel vm11, $0x6, v63;
	v58 =	vld.idx.msk [tilespmem:v60+s9+$0x0], $0xffff;
	[tilespmem:s10+$0x900] =	vst v54  }
0xf7: {  	[tilespmem:s4+$0xB80] =	vst v51;
	v7 =	vsel vm14, v7, v11;
	v24 =	vadd.s32 $0x1E, v27;
	v46 =	vsel vm12, $0x7, v46;
	v45 =	vld.idx.msk [tilespmem:v45+s9+$0x0], $0xffff  }
0xf8: {  	vm8 =	vgt.f32 v6, v7;
	v59 =	vadd.s32 $0x78, v9;
	v62 =	vld.idx.msk [tilespmem:v62+s9+$0x0], $0xffff;
	[tilespmem:s25+$0x380] =	vst v47;
	v11 =	vsel vm14, $0x8, v46  }
0xf9: {  	v8 =	vsel vm0, v8, v10;
	v12 =	vsel vm15, v17, v12;
	[tilespmem:s1+$0x180] =	vst v25;
	v25 =	vld.idx.msk [tilespmem:v52+s9+$0x0], $0xffff;
	v17 =	vsel vm8, $0x9, v11  }
0xfa: {  	v22 =	vadd.s32 $0x50, v39;
	v32 =	vadd.s32 $0x82, v42;
	v43 =	vadd.s32 $0x46, v39;
	[tilespmem:s31+$0x280] =	vst v44;
	v16 =	vld.idx.msk [tilespmem:v57+s9+$0x0], $0xffff  }
0xfb: {  	v38 =	vadd.s32 $0x6E, v42;
	v2 =	vadd.s32 $0x96, v42;
	v60 =	vadd.s32 $0x32, v1;
	v61 =	vld.idx.msk [tilespmem:v50+s9+$0x0], $0xffff;
	[tilespmem:s3+$0x100] =	vst v58  }
0xfc: {  	v21 =	vadd.s32 $0x5A, v39;
	v19 =	vadd.s32 $0x64, v39;
	vm9 =	vgt.f32 v13, v12;
	v24 =	vld.idx.msk [tilespmem:v24+s9+$0x0], $0xffff;
	[tilespmem:s10+$0x980] =	vst v45  }
0xfd: {  	s15 =	sor.u32 s11, s14;
	v34 =	vadd.s32 $0x78, v42;
	v5 =	vadd.s32 $0x78, v39;
	v12 =	vsel vm9, v13, v12;
	[tilespmem:s8+$0xB00] =	vst v62;
	v11 =	vld.idx.msk [tilespmem:v59+s9+$0x0], $0xffff  }
0xfe: {  	v55 =	vadd.s32 $0x3C, v1;
	v13 =	vadd.s32 $0x28, v27;
	vm10 =	vgt.f32 v14, v12;
	[tilespmem:s15+$0x0] =	vst v25;
	v54 =	vld.idx.msk [tilespmem:v17+s9+$0x0], $0xffff  }
0xff: {  	v56 =	vadd.s32 $0x50, v27;
	v12 =	vsel vm10, v14, v12;
	v25 =	vadd.s32 $0x82, v9;
	v63 =	vld.idx.msk [tilespmem:v53+s9+$0x0], $0xffff;
	[tilespmem:s1+$0x200] =	vst v16  }
0x100: {  	v40 =	vadd.s32 $0x6E, v39;
	v4 =	vadd.s32 $0x96, v4;
	vm11 =	vgt.f32 v18, v12;
	[tilespmem:s31+$0x300] =	vst v61;
	v14 =	vld.idx.msk [tilespmem:v60+s9+$0x0], $0xffff  }
0x101: {  	s7 =	sor.u32 s26, s7;
	v7 =	vadd.s32 $0x82, v39;
	v12 =	vsel vm11, v18, v12;
	v52 =	vadd.s32 $0xA, v17;
	v18 =	vld.idx.msk [tilespmem:v43+s9+$0x0], $0xffff;
	[tilespmem:s3+$0x180] =	vst v24  }
0x102: {  	v26 =	vld [tilespmem:s7+$0x0];
	s4 =	sor.u32 s6, s23;
	v6 =	vadd.s32 $0x8C, v39;
	vm12 =	vgt.f32 v15, v12;
	v53 =	vsel vm13, $0x1, v0;
	[tilespmem:s10+$0xA00] =	vst v11  }
0x103: {  	v62 =	vadd.s32 $0x32, v27;
	v12 =	vsel vm12, v15, v12;
	v10 =	vsel vm15, $0x2, v53;
	v13 =	vld.idx.msk [tilespmem:v13+s9+$0x0], $0xffff;
	[tilespmem:s4+$0x0] =	vst v54  }
0x104: {  	v15 =	vadd.s32 $0x8C, v9;
	vm14 =	vgt.f32 v23, v12;
	v10 =	vsel vm9, $0x3, v10;
	v11 =	vld.idx.msk [tilespmem:v25+s9+$0x0], $0xffff;
	[tilespmem:s25+$0x880] =	vst v63  }
0x105: {  	v12 =	vsel vm14, v23, v12;
	vm13 =	vgt.f32 v20, v8;
	v10 =	vsel vm10, $0x4, v10;
	v24 =	vld.idx.msk [tilespmem:v41+s9+$0x0], $0xffff;
	[tilespmem:s1+$0x280] =	vst v14  }
0x106: {  	v16 =	vadd.s32 $0x14, v17;
	v8 =	vsel vm13, v20, v8;
	v10 =	vsel vm11, $0x5, v10;
	[tilespmem:s31+$0x380] =	vst v18;
	v18 =	vld.idx.msk [tilespmem:v52+s9+$0x0], $0xffff  }
0x107: {  	vm15 =	vgt.f32 v28, v12;
	v20 =	vadd.s32 $0x46, v1;
	v10 =	vsel vm12, $0x6, v10;
	v14 =	vld.idx.msk [tilespmem:v55+s9+$0x0], $0xffff  }
0x108: {  	v42 =	vld.idx.msk [tilespmem:v4+s9+$0x0], $0xffff;
	vm8 =	vgt.f32 v29, v8;
	v12 =	vsel vm15, v28, v12;
	v10 =	vsel vm14, $0x7, v10;
	[tilespmem:s3+$0x200] =	vst v13  }
0x109: {  	vm9 =	vgt.f32 v35, v12;
	v22 =	vld.idx.msk [tilespmem:v22+s9+$0x0], $0xffff;
	[tilespmem:s10+$0xA80] =	vst v11;
	v11 =	vsel vm8, v29, v8;
	v8 =	vsel vm15, $0x8, v10  }
0x10a: {  	v46 =	vadd.s32 $0x64, v1;
	v57 =	vadd.s32 $0x1E, v17;
	v13 =	vld.idx.msk [tilespmem:v15+s9+$0x0], $0xffff;
	v8 =	vsel vm9, $0x9, v8;
	[tilespmem:s25+$0x900] =	vst v24  }
0x10b: {  	v4 =	vadd.s32 $0x96, v39;
	v9 =	vadd.s32 $0x96, v9;
	vm10 =	vgt.f32 v33, v11;
	v24 =	vld.idx.msk [tilespmem:v62+s9+$0x0], $0xffff;
	[tilespmem:s4+$0x80] =	vst v18  }
0x10c: {  	v23 =	vadd.s32 $0x46, v27;
	v10 =	vadd.s32 $0x3C, v27;
	v11 =	vsel vm10, v33, v11;
	[tilespmem:s1+$0x300] =	vst v14;
	v16 =	vld.idx.msk [tilespmem:v16+s9+$0x0], $0xffff  }
0x10d: {  	s0 =	sor.u32 s0, s13;
	[tilespmem:s8+$0xB80] =	vst v42;
	v60 =	vadd.s32 $0x28, v17;
	v28 =	vadd.s32 $0x50, v1;
	vm11 =	vgt.f32 v36, v11;
	v18 =	vld.idx.msk [tilespmem:v20+s9+$0x0], $0xffff  }
0x10e: {  	v12 =	vsel vm0, $0x1, v0;
	v15 =	vadd.s32 $0x5A, v27;
	v25 =	vld.idx.msk [tilespmem:v38+s9+$0x0], $0xffff;
	[tilespmem:s0+$0x0] =	vst v22;
	v11 =	vsel vm11, v36, v11  }
0x10f: {  	v14 =	vadd.s32 $0x64, v27;
	v20 =	vsel vm13, $0x2, v12;
	vm12 =	vgt.f32 v37, v11;
	v29 =	vld.idx.msk [tilespmem:v8+s9+$0x0], $0xffff;
	[tilespmem:s10+$0xB00] =	vst v13  }
0x110: {  	s16 =	simm.s32 $0x800;
	v49 =	vadd.s32 $0x1E, v8;
	v20 =	vsel vm8, $0x3, v20;
	v11 =	vsel vm12, v37, v11;
	[tilespmem:s3+$0x280] =	vst v24;
	v58 =	vld.idx.msk [tilespmem:v9+s9+$0x0], $0xffff  }
0x111: {  	s18 =	sand.u32 $0x3FFFF000, s16;
	v13 =	vsel vm10, $0x4, v20;
	v20 =	vadd.s32 $0xA, v8;
	vm13 =	vgt.f32 v31, v11;
	v22 =	vld.idx.msk [tilespmem:v10+s9+$0x0], $0xffff;
	[tilespmem:s4+$0x100] =	vst v16  }
0x112: {  	s8 =	sor.u32 s20, s18;
	v12 =	vadd.s32 $0x6E, v27;
	v9 =	vsel vm11, $0x5, v13;
	v10 =	vsel vm13, v31, v11;
	[tilespmem:s1+$0x380] =	vst v18;
	v18 =	vld.idx.msk [tilespmem:v21+s9+$0x0], $0xffff  }
0x113: {  	s20 =	sadd.s32 $0xA000, s8;
	v24 =	vadd.s32 $0x5A, v17;
	v9 =	vsel vm12, $0x6, v9;
	v33 =	vld.idx.msk [tilespmem:v57+s9+$0x0], $0xffff;
	vm14 =	vgt.f32 v30, v10  }
0x114: {  	s0 =	sor.u32 s28, s20;
	v13 =	vadd.s32 $0x78, v27;
	[tilespmem:s25+$0x980] =	vst v25;
	v9 =	vsel vm13, $0x7, v9;
	v25 =	vld.idx.msk [tilespmem:v28+s9+$0x0], $0xffff;
	v10 =	vsel vm14, v30, v10  }
0x115: {  	v31 =	vadd.s32 $0x5A, v1;
	v28 =	vld.idx.msk [tilespmem:v34+s9+$0x0], $0xffff;
	v21 =	vsel vm14, $0x8, v9;
	vm15 =	vgt.f32 v26, v10;
	[tilespmem:s0+$0x0] =	vst v29  }
0x116: {  	v16 =	vadd.s32 $0x8C, v17;
	v11 =	vadd.s32 $0x82, v27;
	v59 =	vsel vm15, $0x9, v21;
	v61 =	vld.idx.msk [tilespmem:v20+s9+$0x0], $0xffff;
	[tilespmem:s3+$0x300] =	vst v22  }
0x117: {  	s21 =	sadd.s32 $0xA800, s19;
	v9 =	vadd.s32 $0x96, v27;
	v30 =	vadd.s32 $0x32, v17;
	v10 =	vadd.s32 $0x8C, v27;
	v62 =	vld.idx.msk [tilespmem:v23+s9+$0x0], $0xffff;
	[tilespmem:s31+$0x880] =	vst v18  }
0x118: {  	s2 =	sor.u32 s2, s21;
	v29 =	vadd.s32 $0x3C, v17;
	v27 =	vadd.s32 $0x46, v17;
	v22 =	vadd.s32 $0x14, v8;
	[tilespmem:s4+$0x180] =	vst v33;
	v19 =	vld.idx.msk [tilespmem:v19+s9+$0x0], $0xffff  }
0x119: {  	v26 =	vadd.s32 $0x50, v17;
	v21 =	vadd.s32 $0x6E, v17;
	v20 =	vadd.s32 $0x78, v17;
	[tilespmem:s2+$0x0] =	vst v25;
	v45 =	vld.idx.msk [tilespmem:v60+s9+$0x0], $0xffff  }
0x11a: {  	[tilespmem:s10+$0xB80] =	vst v58;
	v23 =	vadd.s32 $0x64, v17;
	v18 =	vadd.s32 $0x82, v17;
	v17 =	vadd.s32 $0x96, v17;
	v63 =	vld.idx.msk [tilespmem:v31+s9+$0x0], $0xffff  }
0x11b: {  	v42 =	vadd.s32 $0xA, v59;
	v38 =	vadd.s32 $0x14, v59;
	v35 =	vadd.s32 $0x1E, v59;
	[tilespmem:s25+$0xA00] =	vst v28;
	v47 =	vld.idx.msk [tilespmem:v59+s9+$0x0], $0xffff  }
0x11c: {  	v34 =	vadd.s32 $0x28, v59;
	v41 =	vadd.s32 $0x32, v59;
	v37 =	vadd.s32 $0x3C, v59;
	v43 =	vld.idx.msk [tilespmem:v32+s9+$0x0], $0xffff;
	[tilespmem:s0+$0x80] =	vst v61  }
0x11d: {  	s11 =	simm.s32 $0x8;
	p0 =	slt.u32 s22, $0xD;
	s10 =	sshll.u32 s22, $0x13;
	v33 =	vadd.s32 $0x46, v59;
	v36 =	vadd.s32 $0x5A, v59;
	v39 =	vadd.s32 $0x8C, v59;
	v48 =	vld.idx.msk [tilespmem:v22+s9+$0x0], $0xffff;
	[tilespmem:s3+$0x380] =	vst v62  }
0x11e: {  	s23 =	sshll.u32 s22, $0x1;
	s16 =	sor.u32 s6, s21;
	s2 =	sadd.s32 $0xFF9C0000, s10;
	v28 =	vadd.s32 $0x64, v59;
	v25 =	vadd.s32 $0x6E, v59;
	v31 =	vadd.s32 $0x50, v59;
	v44 =	vld.idx.msk [tilespmem:v56+s9+$0x0], $0xffff;
	[tilespmem:s31+$0x900] =	vst v19  }
0x11f: {  	s6 =	sor.u32 s26, s20;
	s2 =	smov.u32 @p0 s10;
	s10 =	sor.u32 s24, s12;
	v32 =	vadd.s32 $0x78, v59;
	v22 =	vadd.s32 $0x82, v59;
	v19 =	vadd.s32 $0x96, v59;
	[tilespmem:s1+$0x880] =	vst v63;
	v40 =	vld.idx.msk [tilespmem:v40+s9+$0x0], $0xffff  }
.LBB2_3:
0x120: {  	s11 =	sadd.s32 $0x2, s11;
	[tilespmem:s6+$0x0] =	vst v47;
	v46 =	vld.idx.msk [tilespmem:v46+s9+$0x0], $0xffff  }
0x121: {  	s29 =	sadd.s32 $0x100, s29;
	s30 =	sadd.s32 $0x20, s30;
	s5 =	sshll.u32 s11, $0x3;
	v42 =	vld.idx.msk [tilespmem:v42+s9+$0x0], $0xffff;
	[tilespmem:s4+$0x200] =	vst v45  }
0x122: {  	v47 =	vadd.s32 $0x6E, v1;
	s13 =	sand.u32 $0x60, s30;
	s15 =	sand.u32 $0x400, s29;
	s5 =	sand.u32 $0xFFFFFF80, s5;
	[tilespmem:s0+$0x100] =	vst v48;
	v45 =	vld.idx.msk [tilespmem:v30+s9+$0x0], $0xffff;
	v30 =	vmov v41  }
0x123: {  	p0 =	slt.u32 s11, $0x7E;
	s14 =	sor.u32 $0x10, s13;
	s5 =	sadd.s32 s5, s15;
	v41 =	vld.idx.msk [tilespmem:v49+s9+$0x0], $0xffff;
	[tilespmem:s25+$0xA80] =	vst v43  }
0x124: {  	s7 =	sor.u32 s13, s5;
	s12 =	sadd.s32 $0x800, s5;
	s17 =	sor.u32 s14, s5;
	[tilespmem:s10+$0x0] =	vst v44;
	v43 =	vld.idx.msk [tilespmem:v3+s9+$0x0], $0xffff;
	v3 =	vmovc v6;
	v6 =	vmov v10;
	v10 =	vmov v16;
	v16 =	vmov v39  }
0x125: {  	v44 =	vadd.s32 $0x28, v8;
	s10 =	smov.u32 s16;
	s18 =	sor.u32 s13, s12;
	v39 =	vld [tilespmem:s17+$0x0];
	s12 =	sor.u32 s14, s12;
	[tilespmem:s31+$0x980] =	vst v40  }
0x126: {  	v40 =	vld [tilespmem:s12+$0x0];
	[tilespmem:s1+$0x900] =	vst v46  }
0x127: {  	s12 =	sadd.s32 $0x1000, s5;
	[tilespmem:s6+$0x80] =	vst v42;
	v42 =	vld.idx.msk [tilespmem:v47+s9+$0x0], $0xffff  }
0x128: {  	v46 =	vld [tilespmem:s18+$0x0];
	s18 =	sor.u32 s13, s12;
	s12 =	sor.u32 s14, s12;
	[tilespmem:s4+$0x280] =	vst v45  }
0x129: {  	s16 =	sadd.s32 $0x1800, s5;
	v45 =	vld [tilespmem:s12+$0x0];
	[tilespmem:s0+$0x180] =	vst v41;
	v41 =	vadd.s32 $0x78, v1  }
0x12a: {  	s17 =	sor.u32 s13, s16;
	s12 =	sor.u32 s14, s16;
	v44 =	vld.idx.msk [tilespmem:v44+s9+$0x0], $0xffff;
	[tilespmem:s25+$0xB00] =	vst v43  }
0x12b: {  	s16 =	sadd.s32 $0x2000, s5;
	v43 =	vld [tilespmem:s12+$0x0]  }
0x12c: {  	v48 =	vadd.s32 $0x32, v8;
	vm0 =	vgt.f32 v40, v39;
	s12 =	sor.u32 s14, s16;
	v47 =	vld [tilespmem:s7+$0x0];
	s7 =	sor.u32 s13, s16  }
0x12d: {  	s16 =	sadd.s32 $0x2800, s5;
	v39 =	vsel vm0, v40, v39;
	v40 =	vld [tilespmem:s12+$0x0];
	[tilespmem:s1+$0x980] =	vst v42  }
0x12e: {  	s19 =	sadd.s32 $0x3000, s5;
	s12 =	sor.u32 s13, s16;
	s20 =	sor.u32 s14, s16;
	vm1 =	vgt.f32 v45, v39;
	v41 =	vld.idx.msk [tilespmem:v41+s9+$0x0], $0xffff  }
0x12f: {  	s16 =	sor.u32 s13, s19;
	s19 =	sor.u32 s14, s19;
	v39 =	vsel vm1, v45, v39;
	v42 =	vld [tilespmem:s20+$0x0]  }
0x130: {  	vm2 =	vgt.f32 v43, v39;
	v45 =	vld [tilespmem:s19+$0x0];
	[tilespmem:s0+$0x200] =	vst v44;
	v44 =	vadd.s32 $0x82, v1  }
0x131: {  	s19 =	sadd.s32 $0x3800, s5;
	vm3 =	vgt.f32 v46, v47;
	v39 =	vsel vm2, v43, v39;
	v43 =	vld.idx.msk [tilespmem:v48+s9+$0x0], $0xffff  }
0x132: {  	s20 =	sadd.s32 $0x4000, s5;
	v46 =	vsel vm3, v46, v47;
	v47 =	vsel vm3, $0x1, v0;
	v48 =	vld [tilespmem:s18+$0x0];
	s18 =	sor.u32 s13, s19;
	vm3 =	vgt.f32 v40, v39;
	s19 =	sor.u32 s14, s19  }
0x133: {  	v49 =	vadd.s32 $0x3C, v8;
	s21 =	sor.u32 s13, s20;
	v39 =	vsel vm3, v40, v39;
	v40 =	vld [tilespmem:s19+$0x0];
	s19 =	sor.u32 s14, s20  }
0x134: {  	vm4 =	vgt.f32 v42, v39;
	v50 =	vld [tilespmem:s19+$0x0];
	[tilespmem:s1+$0xA00] =	vst v41  }
0x135: {  	s5 =	sadd.s32 $0x4800, s5;
	v41 =	vsel vm0, $0x1, v0;
	v39 =	vsel vm4, v42, v39;
	v42 =	vld.idx.msk [tilespmem:v44+s9+$0x0], $0xffff  }
0x136: {  	v41 =	vsel vm1, $0x2, v41;
	v44 =	vld [tilespmem:s17+$0x0];
	s17 =	sor.u32 s13, s5;
	vm0 =	vgt.f32 v45, v39;
	s5 =	sor.u32 s14, s5  }
0x137: {  	v41 =	vsel vm2, $0x3, v41;
	v39 =	vsel vm0, v45, v39;
	v45 =	vld [tilespmem:s5+$0x0];
	[tilespmem:s0+$0x280] =	vst v43;
	v43 =	vadd.s32 $0x8C, v1  }
0x138: {  	vm1 =	vgt.f32 v48, v46;
	v41 =	vsel vm3, $0x4, v41;
	vm2 =	vgt.f32 v40, v39;
	v49 =	vld.idx.msk [tilespmem:v49+s9+$0x0], $0xffff  }
0x139: {  	v46 =	vsel vm1, v48, v46;
	v41 =	vsel vm4, $0x5, v41;
	v48 =	vld [tilespmem:s7+$0x0];
	v39 =	vsel vm2, v40, v39  }
0x13a: {  	v51 =	vadd.s32 $0x46, v8;
	v41 =	vsel vm0, $0x6, v41;
	v40 =	vld [tilespmem:s12+$0x0];
	vm0 =	vgt.f32 v50, v39  }
0x13b: {  	v41 =	vsel vm2, $0x7, v41;
	vm3 =	vgt.f32 v44, v46;
	v52 =	vld [tilespmem:s16+$0x0];
	v39 =	vsel vm0, v50, v39;
	[tilespmem:s1+$0xA80] =	vst v42  }
0x13c: {  	v41 =	vsel vm0, $0x8, v41;
	v42 =	vsel vm3, v44, v46;
	vm0 =	vgt.f32 v45, v39;
	v39 =	vld.idx.msk [tilespmem:v43+s9+$0x0], $0xffff  }
0x13d: {  	v43 =	vsel vm1, $0x2, v47;
	v44 =	vld [tilespmem:s18+$0x0];
	v41 =	vsel vm0, $0x9, v41  }
0x13e: {  	v46 =	vadd.s32 $0x96, v1;
	v1 =	vmovc v8;
	v43 =	vsel vm3, $0x3, v43;
	vm0 =	vgt.f32 v48, v42;
	v45 =	vld [tilespmem:s21+$0x0];
	[tilespmem:s0+$0x300] =	vst v49;
	v8 =	vmovc v41  }
0x13f: {  	v42 =	vsel vm0, v48, v42;
	v43 =	vsel vm0, $0x4, v43;
	v47 =	vld.idx.msk [tilespmem:v51+s9+$0x0], $0xffff  }
0x140: {  	vm0 =	vgt.f32 v40, v42;
	v48 =	vld [tilespmem:s17+$0x0]  }
0x141: {  	v40 =	vsel vm0, v40, v42;
	v42 =	vsel vm0, $0x5, v43;
	v38 =	vld.idx.msk [tilespmem:v38+s9+$0x0], $0xffff;
	v43 =	vadd.s32 $0x50, v1  }
0x142: {  	vm0 =	vgt.f32 v52, v40;
	v41 =	vld.idx.msk [tilespmem:v41+s9+$0x0], $0xffff;
	[tilespmem:s1+$0xB00] =	vst v39  }
0x143: {  	s5 =	sshll.u32 s11, $0x8;
	v39 =	vsel vm0, v52, v40;
	v40 =	vsel vm0, $0x6, v42;
	v42 =	vld.idx.msk [tilespmem:v46+s9+$0x0], $0xffff  }
0x144: {  	s5 =	sand.u32 $0x3FFFF000, s5;
	v46 =	vadd.s32 $0xA, v8;
	vm0 =	vgt.f32 v44, v39;
	v49 =	vld.idx.msk [tilespmem:v29+s9+$0x0], $0xffff;
	v29 =	vmov v37  }
0x145: {  	s7 =	sor.u32 s15, s5;
	v37 =	vsel vm0, v44, v39;
	v39 =	vsel vm0, $0x7, v40;
	[tilespmem:s0+$0x380] =	vst v47;
	v40 =	vld.idx.msk [tilespmem:v15+s9+$0x0], $0xffff;
	v15 =	vmovc v24;
	v24 =	vmov v36  }
0x146: {  	s12 =	sadd.s32 $0xA000, s7;
	vm0 =	vgt.f32 v45, v37;
	v36 =	vld.idx.msk [tilespmem:v43+s9+$0x0], $0xffff  }
0x147: {  	s5 =	sor.u32 s13, s12;
	s12 =	sor.u32 s14, s12;
	v37 =	vsel vm0, v45, v37;
	v39 =	vsel vm0, $0x8, v39;
	[tilespmem:s6+$0x100] =	vst v38;
	v43 =	vld.idx.msk [tilespmem:v5+s9+$0x0], $0xffff;
	v5 =	vmovc v13;
	v13 =	vmov v20  }
0x148: {  	v45 =	vadd.s32 $0x5A, v1;
	v20 =	vmov v32;
	vm0 =	vgt.f32 v48, v37;
	[tilespmem:s12+$0x0] =	vst v41;
	v44 =	vld.idx.msk [tilespmem:v35+s9+$0x0], $0xffff  }
0x149: {  	v48 =	vsel vm0, $0x9, v39;
	v46 =	vld.idx.msk [tilespmem:v46+s9+$0x0], $0xffff;
	[tilespmem:s1+$0xB80] =	vst v42;
	s1 =	smov.u32 s0;
	s0 =	smov.u32 s12  }
0x14a: {  	s12 =	sadd.s32 $0xA800, s8;
	s8 =	smov.u32 s7;
	v42 =	vadd.s32 $0xA, v48;
	v38 =	vadd.s32 $0x14, v48;
	v35 =	vadd.s32 $0x1E, v48;
	[tilespmem:s4+$0x300] =	vst v49;
	v49 =	vld.idx.msk [tilespmem:v2+s9+$0x0], $0xffff;
	v2 =	vmovc v4;
	v4 =	vmovc v9  }
0x14b: {  	v51 =	vadd.s32 $0x14, v8;
	v50 =	vadd.s32 $0x28, v48;
	v41 =	vadd.s32 $0x32, v48;
	s16 =	sor.u32 s26, s12;
	s7 =	sor.u32 s28, s12;
	v9 =	vmovc v17;
	s26 =	smov.u32 s13;
	v52 =	vld.idx.msk [tilespmem:v27+s9+$0x0], $0xffff;
	[tilespmem:s3+$0x880] =	vst v40;
	v27 =	vmovc v33  }
0x14c: {  	v37 =	vadd.s32 $0x3C, v48;
	s28 =	smov.u32 s14;
	v33 =	vadd.s32 $0x46, v48;
	v40 =	vadd.s32 $0x50, v48;
	[tilespmem:s7+$0x0] =	vst v36;
	v53 =	vld.idx.msk [tilespmem:v14+s9+$0x0], $0xffff;
	v14 =	vmovc v23;
	v23 =	vmovc v28  }
0x14d: {  	v54 =	vadd.s32 $0x6E, v48;
	v17 =	vmovc v19;
	v36 =	vadd.s32 $0x5A, v48;
	v28 =	vadd.s32 $0x64, v48;
	v55 =	vld.idx.msk [tilespmem:v45+s9+$0x0], $0xffff;
	[tilespmem:s31+$0xA00] =	vst v43  }
0x14e: {  	v32 =	vadd.s32 $0x78, v48;
	v56 =	vadd.s32 $0x82, v48;
	v39 =	vadd.s32 $0x8C, v48;
	v47 =	vld.idx.msk [tilespmem:v48+s9+$0x0], $0xffff;
	[tilespmem:s6+$0x180] =	vst v44  }
.Ltmp2:
0x14f: {  	v19 =	vadd.s32 $0x96, v48;
	[tilespmem:s0+$0x80] =	vst v46;
	v45 =	vld.idx.msk [tilespmem:v34+s9+$0x0], $0xffff;
	v46 =	vadd.s32 $0x64, v1;
	v34 =	vmov v50;
	(pc) =	sbr.rel @p0 .LBB2_3-.Ltmp2, $4  }
0x150: {  	v48 =	vld.idx.msk [tilespmem:v51+s9+$0x0], $0xffff;
	[tilespmem:s25+$0xB80] =	vst v49;
	s25 =	smov.u32 s31;
	s31 =	smov.u32 s3;
	s3 =	smov.u32 s4  }
0x151: {  	s4 =	smov.u32 s6;
	s6 =	smov.u32 s5;
	[tilespmem:s3+$0x380] =	vst v52;
	v43 =	vld.idx.msk [tilespmem:v7+s9+$0x0], $0xffff;
	v7 =	vmovc v11;
	v11 =	vmov v18;
	v18 =	vmov v22;
	v22 =	vmov v56  }
0x152: {  	v49 =	vadd.s32 $0x1E, v8;
	v44 =	vld.idx.msk [tilespmem:v26+s9+$0x0], $0xffff;
	[tilespmem:s31+$0x900] =	vst v53;
	v26 =	vmov v31;
	v31 =	vmov v40  }
0x153: {  	[tilespmem:s1+$0x880] =	vst v55;
	v40 =	vld.idx.msk [tilespmem:v12+s9+$0x0], $0xffff;
	v12 =	vmov v21;
	v21 =	vmov v25;
	v25 =	vmov v54  }
0x154: {  	_ =	sdelay $0x2  }
0x155: {  	[tilespmem:s6+$0x0] =	vst v47  }
0x156: {  	v42 =	vld.idx.msk [tilespmem:v42+s9+$0x0], $0xffff;
	_ =	sdelay $0x4  }
0x157: {  	[tilespmem:s6+$0x80] =	vst v42  }
0x158: {  	v38 =	vld.idx.msk [tilespmem:v38+s9+$0x0], $0xffff;
	_ =	sdelay $0x1  }
0x159: {  	[tilespmem:s0+$0x100] =	vst v48  }
0x15a: {  	v49 =	vld.idx.msk [tilespmem:v49+s9+$0x0], $0xffff  }
0x15b: {  	v50 =	vadd.s32 $0x28, v8  }
0x15c: {  	[tilespmem:s6+$0x100] =	vst v38  }
0x15d: {  	v35 =	vld.idx.msk [tilespmem:v35+s9+$0x0], $0xffff;
	_ =	sdelay $0x1  }
0x15e: {  	[tilespmem:s0+$0x180] =	vst v49  }
0x15f: {  	v51 =	vld.idx.msk [tilespmem:v50+s9+$0x0], $0xffff  }
0x160: {  	v52 =	vadd.s32 $0x32, v8  }
0x161: {  	[tilespmem:s6+$0x180] =	vst v35  }
0x162: {  	v34 =	vld.idx.msk [tilespmem:v34+s9+$0x0], $0xffff;
	_ =	sdelay $0x1  }
0x163: {  	[tilespmem:s0+$0x200] =	vst v51  }
0x164: {  	v53 =	vld.idx.msk [tilespmem:v52+s9+$0x0], $0xffff  }
0x165: {  	v54 =	vadd.s32 $0x3C, v8;
	[tilespmem:s4+$0x200] =	vst v45  }
0x166: {  	v30 =	vld.idx.msk [tilespmem:v30+s9+$0x0], $0xffff;
	[tilespmem:s6+$0x200] =	vst v34  }
0x167: {  	v34 =	vld.idx.msk [tilespmem:v41+s9+$0x0], $0xffff;
	_ =	sdelay $0x1  }
0x168: {  	[tilespmem:s0+$0x280] =	vst v53  }
0x169: {  	v35 =	vld.idx.msk [tilespmem:v54+s9+$0x0], $0xffff  }
0x16a: {  	v55 =	vadd.s32 $0x46, v8;
	[tilespmem:s4+$0x280] =	vst v30  }
0x16b: {  	v29 =	vld.idx.msk [tilespmem:v29+s9+$0x0], $0xffff;
	[tilespmem:s6+$0x280] =	vst v34  }
0x16c: {  	v30 =	vld.idx.msk [tilespmem:v37+s9+$0x0], $0xffff;
	_ =	sdelay $0x1  }
0x16d: {  	[tilespmem:s0+$0x300] =	vst v35  }
0x16e: {  	v56 =	vld.idx.msk [tilespmem:v55+s9+$0x0], $0xffff  }
0x16f: {  	v57 =	vadd.s32 $0x50, v8;
	[tilespmem:s4+$0x300] =	vst v29  }
0x170: {  	v27 =	vld.idx.msk [tilespmem:v27+s9+$0x0], $0xffff;
	[tilespmem:s6+$0x300] =	vst v30  }
0x171: {  	v29 =	vld.idx.msk [tilespmem:v33+s9+$0x0], $0xffff;
	_ =	sdelay $0x1  }
0x172: {  	[tilespmem:s0+$0x380] =	vst v56  }
0x173: {  	v30 =	vld.idx.msk [tilespmem:v57+s9+$0x0], $0xffff  }
0x174: {  	[tilespmem:s4+$0x380] =	vst v27  }
0x175: {  	v58 =	vadd.s32 $0x5A, v8;
	v26 =	vld.idx.msk [tilespmem:v26+s9+$0x0], $0xffff;
	[tilespmem:s6+$0x380] =	vst v29  }
0x176: {  	s5 =	sadd.s32 $0xA800, s8;
	v27 =	vld.idx.msk [tilespmem:v31+s9+$0x0], $0xffff  }
0x177: {  	s7 =	sor.u32 s28, s5;
	[tilespmem:s10+$0x0] =	vst v44;
	v29 =	vld.idx.msk [tilespmem:v46+s9+$0x0], $0xffff  }
0x178: {  	[tilespmem:s7+$0x0] =	vst v30;
	v30 =	vadd.s32 $0x6E, v1  }
0x179: {  	v15 =	vld.idx.msk [tilespmem:v15+s9+$0x0], $0xffff  }
0x17a: {  	s5 =	sor.u32 s26, s5;
	[tilespmem:s16+$0x0] =	vst v26;
	v31 =	vld.idx.msk [tilespmem:v58+s9+$0x0], $0xffff  }
0x17b: {  	v59 =	vadd.s32 $0x64, v8;
	v24 =	vld.idx.msk [tilespmem:v24+s9+$0x0], $0xffff;
	[tilespmem:s5+$0x0] =	vst v27  }
0x17c: {  	[tilespmem:s1+$0x900] =	vst v29;
	v26 =	vld.idx.msk [tilespmem:v36+s9+$0x0], $0xffff  }
0x17d: {  	[tilespmem:s25+$0xA80] =	vst v43;
	v27 =	vld.idx.msk [tilespmem:v30+s9+$0x0], $0xffff  }
0x17e: {  	[tilespmem:s3+$0x880] =	vst v15;
	v29 =	vadd.s32 $0x78, v1  }
0x17f: {  	v14 =	vld.idx.msk [tilespmem:v14+s9+$0x0], $0xffff;
	[tilespmem:s0+$0x880] =	vst v31  }
0x180: {  	[tilespmem:s4+$0x880] =	vst v24;
	v30 =	vld.idx.msk [tilespmem:v59+s9+$0x0], $0xffff  }
0x181: {  	v15 =	vadd.s32 $0x6E, v8;
	v23 =	vld.idx.msk [tilespmem:v23+s9+$0x0], $0xffff;
	[tilespmem:s6+$0x880] =	vst v26  }
0x182: {  	[tilespmem:s1+$0x980] =	vst v27;
	v24 =	vld.idx.msk [tilespmem:v28+s9+$0x0], $0xffff  }
0x183: {  	[tilespmem:s31+$0x980] =	vst v40;
	v26 =	vld.idx.msk [tilespmem:v29+s9+$0x0], $0xffff  }
0x184: {  	v3 =	vld.idx.msk [tilespmem:v3+s9+$0x0], $0xffff;
	[tilespmem:s3+$0x900] =	vst v14;
	v27 =	vadd.s32 $0x82, v1  }
0x185: {  	v12 =	vld.idx.msk [tilespmem:v12+s9+$0x0], $0xffff;
	[tilespmem:s0+$0x900] =	vst v30  }
0x186: {  	[tilespmem:s4+$0x900] =	vst v23;
	v15 =	vld.idx.msk [tilespmem:v15+s9+$0x0], $0xffff  }
0x187: {  	v14 =	vadd.s32 $0x78, v8;
	v21 =	vld.idx.msk [tilespmem:v21+s9+$0x0], $0xffff;
	[tilespmem:s6+$0x900] =	vst v24  }
0x188: {  	[tilespmem:s1+$0xA00] =	vst v26;
	v23 =	vld.idx.msk [tilespmem:v25+s9+$0x0], $0xffff  }
0x189: {  	[tilespmem:s25+$0xB00] =	vst v3;
	v24 =	vld.idx.msk [tilespmem:v27+s9+$0x0], $0xffff  }
0x18a: {  	v5 =	vld.idx.msk [tilespmem:v5+s9+$0x0], $0xffff;
	v3 =	vadd.s32 $0x8C, v1;
	[tilespmem:s3+$0x980] =	vst v12  }
0x18b: {  	v13 =	vld.idx.msk [tilespmem:v13+s9+$0x0], $0xffff;
	[tilespmem:s0+$0x980] =	vst v15  }
0x18c: {  	[tilespmem:s4+$0x980] =	vst v21;
	v14 =	vld.idx.msk [tilespmem:v14+s9+$0x0], $0xffff  }
0x18d: {  	v12 =	vadd.s32 $0x82, v8;
	v15 =	vld.idx.msk [tilespmem:v20+s9+$0x0], $0xffff;
	[tilespmem:s6+$0x980] =	vst v23  }
0x18e: {  	[tilespmem:s1+$0xA80] =	vst v24;
	v20 =	vld.idx.msk [tilespmem:v32+s9+$0x0], $0xffff  }
0x18f: {  	[tilespmem:s31+$0xA00] =	vst v5;
	v3 =	vld.idx.msk [tilespmem:v3+s9+$0x0], $0xffff  }
0x190: {  	v7 =	vld.idx.msk [tilespmem:v7+s9+$0x0], $0xffff;
	[tilespmem:s3+$0xA00] =	vst v13;
	v1 =	vadd.s32 $0x96, v1  }
0x191: {  	v11 =	vld.idx.msk [tilespmem:v11+s9+$0x0], $0xffff;
	[tilespmem:s0+$0xA00] =	vst v14  }
0x192: {  	[tilespmem:s4+$0xA00] =	vst v15;
	v5 =	vld.idx.msk [tilespmem:v12+s9+$0x0], $0xffff  }
0x193: {  	v13 =	vld.idx.msk [tilespmem:v18+s9+$0x0], $0xffff;
	v12 =	vadd.s32 $0x8C, v8;
	[tilespmem:s6+$0xA00] =	vst v20  }
0x194: {  	[tilespmem:s1+$0xB00] =	vst v3;
	v3 =	vld.idx.msk [tilespmem:v22+s9+$0x0], $0xffff  }
0x195: {  	[tilespmem:s31+$0xA80] =	vst v7;
	v1 =	vld.idx.msk [tilespmem:v1+s9+$0x0], $0xffff  }
0x196: {  	v6 =	vld.idx.msk [tilespmem:v6+s9+$0x0], $0xffff;
	[tilespmem:s3+$0xA80] =	vst v11  }
0x197: {  	v7 =	vadd.s32 $0x96, v8;
	v8 =	vld.idx.msk [tilespmem:v10+s9+$0x0], $0xffff;
	[tilespmem:s0+$0xA80] =	vst v5  }
0x198: {  	[tilespmem:s4+$0xA80] =	vst v13;
	v5 =	vld.idx.msk [tilespmem:v12+s9+$0x0], $0xffff  }
0x199: {  	v10 =	vld.idx.msk [tilespmem:v16+s9+$0x0], $0xffff;
	[tilespmem:s6+$0xA80] =	vst v3  }
0x19a: {  	[tilespmem:s1+$0xB80] =	vst v1;
	v1 =	vld.idx.msk [tilespmem:v39+s9+$0x0], $0xffff  }
0x19b: {  	v2 =	vld.idx.msk [tilespmem:v2+s9+$0x0], $0xffff;
	[tilespmem:s31+$0xB00] =	vst v6  }
0x19c: {  	v4 =	vld.idx.msk [tilespmem:v4+s9+$0x0], $0xffff;
	[tilespmem:s3+$0xB00] =	vst v8  }
0x19d: {  	[tilespmem:s0+$0xB00] =	vst v5;
	v5 =	vld.idx.msk [tilespmem:v9+s9+$0x0], $0xffff  }
0x19e: {  	[tilespmem:s4+$0xB00] =	vst v10;
	v3 =	vld.idx.msk [tilespmem:v7+s9+$0x0], $0xffff  }
0x19f: {  	v6 =	vld.idx.msk [tilespmem:v17+s9+$0x0], $0xffff;
	[tilespmem:s6+$0xB00] =	vst v1  }
0x1a0: {  	[tilespmem:s25+$0xB80] =	vst v2;
	v1 =	vld.idx.msk [tilespmem:v19+s9+$0x0], $0xffff  }
0x1a1: {  	[tilespmem:s31+$0xB80] =	vst v4  }
0x1a2: {  	p0 =	seq.s32 s22, $0x18;
	[tilespmem:s3+$0xB80] =	vst v5  }
0x1a3: {  	p2 =	sgt.u32 s22, $0xC;
	[tilespmem:s0+$0xB80] =	vst v3;
	s0 =	sadd.s32 @!p0 $0x2, s23  }
0x1a4: {  	s24 =	simm.s32 $0x800;
	s1 =	simm.s32 $0x100;
	[tilespmem:s4+$0xB80] =	vst v6;
	s5 =	smulhi.u32 @!p0 $0x51EB851F, s0  }
0x1a5: {  	s26 =	simm.s32 $0xA000;
	s25 =	simm.s32 $0x20000;
	s1 =	simm.s32 @!p2 $0x0;
	[tilespmem:s6+$0xB80] =	vst v1  }
0x1a6: {  	s1 =	sor.u32 s2, s1;
	s2 =	sshrl.u32 @!p0 s5, $0x3;
	s3 =	rddreg [dreg:$0x8]  }
0x1a7: {  	s7 =	simm.s32 $0x2;
	s1 =	sadd.s32 s1, s3;
	s3 =	smul.u32 @!p0 $0x19, s2  }
0x1a8: {  	[hbm4b:s1+s24] =	stream.strided.scatter [tilespmem:s26], [sflag:$0x3], $0x8000, s25, s24, $0x38;
	[tilespmem:$0x1A180] =	vst v63  }
0x1a9: {  	s1 =	sshll.u32 @!p0 s2, $0x8;
	s2 =	rddreg [dreg:$0x6];
	s0 =	ssub.s32 @!p0 s0, s3  }
0x1aa: {  	s1 =	sadd.s32 @!p0 s1, s2;
	s2 =	simm.s32 @!p0 $0x320000;
	s0 =	sshll.u32 @!p0 s0, $0xE  }
0x1ab: {  	s3 =	simm.s32 @!p0 $0x0;
	s0 =	sadd.s32 @!p0 s0, s1;
	s1 =	simm.s32 @!p0 $0x800  }
0x1ac: {  	[tilespmem:s3], [sflag:$0x1] =	stream.strided.gather @!p0 [hbm4b:s0+s1], $0x5000, s2, s1, $0x38;
	[tilespmem:$0x1A180] =	vst v63  }
0x1ad: {  	s8 =	simm.s32 $0x0;
	_ =	swait.ge [sflag:s7], $0x5000  }
0x1ae: {  	s10 =	simm.s32 $0x0;
	s4 =	simm.s32 @!p1 $0x4;
	[sflag:s7] =	ssyncset.done $0x0  }
0x1af: {  	s0 =	sand.u32 $0x400, s8;
	s2 =	sand.u32 $0xFFFFFF80, s10;
	[sflag:s7] =	ssyncadd.s32 $0xFFFFB000  }
0x1b0: {  	s3 =	sand.u32 $0x60, s8;
	s11 =	sadd.s32 s2, s0;
	_ =	swait.ge @!p1 [sflag:s4], $0x8000  }
0x1b1: {  	s25 =	sor.u32 $0x10, s3;
	s15 =	sadd.s32 $0x5000, s11;
	[sflag:s4] =	ssyncset.done @!p1 $0x0  }
0x1b2: {  	s14 =	sadd.s32 $0x5800, s11;
	s13 =	sor.u32 s25, s15;
	[sflag:s4] =	ssyncadd.s32 @!p1 $0xFFFF8000  }
0x1b3: {  	s16 =	sor.u32 s25, s14;
	v1 =	vld [tilespmem:s13+$0x0]  }
0x1b4: {  	s12 =	sadd.s32 $0x6000, s11;
	v2 =	vld [tilespmem:s16+$0x0]  }
0x1b5: {  	s17 =	sor.u32 s25, s12  }
0x1b6: {  	s10 =	sadd.s32 $0x6800, s11;
	v3 =	vld [tilespmem:s17+$0x0]  }
0x1b7: {  	s18 =	sor.u32 s25, s10  }
0x1b8: {  	s7 =	sadd.s32 $0x7000, s11;
	v4 =	vld [tilespmem:s18+$0x0]  }
0x1b9: {  	s19 =	sor.u32 s25, s7;
	vm0 =	vgt.f32 v2, v1  }
0x1ba: {  	s2 =	sadd.s32 $0x7800, s11;
	v1 =	vsel vm0, v2, v1;
	v2 =	vld [tilespmem:s19+$0x0]  }
0x1bb: {  	s20 =	sor.u32 s25, s2;
	vm1 =	vgt.f32 v3, v1  }
0x1bc: {  	s4 =	sadd.s32 $0x8000, s11;
	v1 =	vsel vm1, v3, v1;
	v3 =	vld [tilespmem:s20+$0x0]  }
0x1bd: {  	s21 =	sor.u32 s25, s4;
	vm2 =	vgt.f32 v4, v1  }
0x1be: {  	s5 =	sadd.s32 $0x8800, s11;
	v5 =	vld [tilespmem:s21+$0x0];
	v1 =	vsel vm2, v4, v1  }
0x1bf: {  	s22 =	sor.u32 s25, s5;
	vm3 =	vgt.f32 v2, v1  }
0x1c0: {  	s6 =	sadd.s32 $0x9000, s11;
	v1 =	vsel vm3, v2, v1;
	v2 =	vld [tilespmem:s22+$0x0]  }
0x1c1: {  	s24 =	sor.u32 s25, s6;
	vm4 =	vgt.f32 v3, v1  }
0x1c2: {  	s8 =	sadd.s32 $0x9800, s11;
	v6 =	vsel vm0, $0x1, v0;
	v4 =	vld [tilespmem:s24+$0x0];
	v1 =	vsel vm4, v3, v1  }
0x1c3: {  	s1 =	sor.u32 s25, s8;
	v3 =	vsel vm1, $0x2, v6;
	vm7 =	vgt.f32 v5, v1  }
0x1c4: {  	v3 =	vsel vm2, $0x3, v3;
	v1 =	vsel vm7, v5, v1;
	v5 =	vld [tilespmem:s1+$0x0]  }
0x1c5: {  	v3 =	vsel vm3, $0x4, v3;
	vm8 =	vgt.f32 v2, v1  }
0x1c6: {  	v3 =	vsel vm4, $0x5, v3;
	v1 =	vsel vm8, v2, v1  }
0x1c7: {  	v2 =	vsel vm7, $0x6, v3;
	vm9 =	vgt.f32 v4, v1  }
0x1c8: {  	v2 =	vsel vm8, $0x7, v2;
	v1 =	vsel vm9, v4, v1  }
0x1c9: {  	v2 =	vsel vm9, $0x8, v2;
	vm10 =	vgt.f32 v5, v1  }
0x1ca: {  	v2 =	vsel vm10, $0x9, v2;
	_ =	sdelay $0x4  }
0x1cb: {  	s26 =	simm.s32 $0x0;
	v1 =	vld.idx.msk [tilespmem:v2+s9+$0x0], $0xffff  }
0x1cc: {  	s11 =	simm.s32 $0x10;
	s1 =	sand.u32 $0x3FFFF000, s26;
	v3 =	vadd.s32 $0xA, v2  }
0x1cd: {  	s16 =	simm.s32 $0x100;
	s17 =	sand.u32 $0xFFFFFF80, s11;
	s18 =	sor.u32 s0, s1  }
0x1ce: {  	s13 =	sand.u32 $0x400, s16;
	s19 =	simm.s32 $0x20;
	s31 =	sadd.s32 $0x12000, s18  }
0x1cf: {  	s24 =	sadd.s32 s17, s13;
	s0 =	sand.u32 $0x60, s19;
	s11 =	sor.u32 s25, s31  }
0x1d0: {  	s19 =	sadd.s32 $0x5800, s24;
	s1 =	sor.u32 $0x10, s0;
	[tilespmem:s11+$0x0] =	vst v1  }
0x1d1: {  	s17 =	sadd.s32 $0x5000, s24;
	s21 =	sor.u32 s1, s19;
	v1 =	vld.idx.msk [tilespmem:v3+s9+$0x0], $0xffff  }
0x1d2: {  	s20 =	sor.u32 s1, s17;
	v5 =	vld [tilespmem:s21+$0x0];
	v4 =	vadd.s32 $0x14, v2  }
0x1d3: {  	v3 =	vld [tilespmem:s20+$0x0];
	s20 =	sadd.s32 $0x6000, s24  }
0x1d4: {  	s21 =	sadd.s32 $0x6800, s24;
	s22 =	sor.u32 s1, s20  }
0x1d5: {  	s26 =	sor.u32 s1, s21;
	v6 =	vld [tilespmem:s22+$0x0]  }
0x1d6: {  	s22 =	sadd.s32 $0x7000, s24;
	[tilespmem:s11+$0x80] =	vst v1;
	v1 =	vld [tilespmem:s26+$0x0]  }
0x1d7: {  	s26 =	sor.u32 s1, s22;
	v4 =	vld.idx.msk [tilespmem:v4+s9+$0x0], $0xffff;
	[dreg:$0xc] =	wrdreg s23  }
0x1d8: {  	s15 =	sor.u32 s3, s15;
	vm11 =	vgt.f32 v5, v3;
	v9 =	vld [tilespmem:s26+$0x0]  }
0x1d9: {  	s14 =	sor.u32 s3, s14;
	v3 =	vsel vm11, v5, v3;
	v5 =	vld [tilespmem:s15+$0x0]  }
0x1da: {  	s12 =	sor.u32 s3, s12;
	v8 =	vld [tilespmem:s14+$0x0]  }
0x1db: {  	s10 =	sor.u32 s3, s10;
	v12 =	vld [tilespmem:s12+$0x0]  }
0x1dc: {  	s7 =	sor.u32 s3, s7;
	v15 =	vld [tilespmem:s10+$0x0]  }
0x1dd: {  	s2 =	sor.u32 s3, s2;
	v18 =	vld [tilespmem:s7+$0x0]  }
0x1de: {  	s8 =	sor.u32 s3, s8;
	v14 =	vld [tilespmem:s2+$0x0]  }
0x1df: {  	v7 =	vadd.s32 $0x1E, v2;
	s20 =	sor.u32 s0, s20;
	s23 =	sadd.s32 $0x7800, s24;
	v13 =	vld [tilespmem:s8+$0x0]  }
0x1e0: {  	vm12 =	vgt.f32 v6, v3;
	s26 =	sor.u32 s1, s23;
	v39 =	vld [tilespmem:s20+$0x0]  }
0x1e1: {  	s21 =	sor.u32 s0, s21;
	s15 =	sadd.s32 $0x8000, s24;
	v3 =	vsel vm12, v6, v3;
	v6 =	vld [tilespmem:s26+$0x0]  }
0x1e2: {  	v24 =	vld [tilespmem:s21+$0x0];
	s16 =	sor.u32 s1, s15;
	vm13 =	vgt.f32 v1, v3  }
0x1e3: {  	[tilespmem:s11+$0x100] =	vst v4;
	v4 =	vld [tilespmem:s16+$0x0];
	s16 =	sadd.s32 $0x8800, s24;
	v1 =	vsel vm13, v1, v3  }
0x1e4: {  	v3 =	vld.idx.msk [tilespmem:v7+s9+$0x0], $0xffff;
	vm14 =	vgt.f32 v9, v1;
	s26 =	sor.u32 s1, s16  }
0x1e5: {  	s14 =	sadd.s32 $0x9000, s24;
	s7 =	sor.u32 s3, s6;
	v7 =	vld [tilespmem:s26+$0x0];
	v1 =	vsel vm14, v9, v1  }
0x1e6: {  	v16 =	vld [tilespmem:s7+$0x0];
	s26 =	sor.u32 s1, s14;
	vm15 =	vgt.f32 v6, v1  }
0x1e7: {  	v11 =	vsel vm11, $0x1, v0;
	s12 =	sadd.s32 $0x9800, s24;
	s10 =	sor.u32 s0, s17;
	v10 =	vld [tilespmem:s26+$0x0];
	v1 =	vsel vm15, v6, v1  }
0x1e8: {  	v17 =	vld [tilespmem:s10+$0x0];
	v9 =	vadd.s32 $0x28, v2;
	s26 =	sor.u32 s1, s12;
	v6 =	vsel vm12, $0x2, v11;
	vm7 =	vgt.f32 v4, v1  }
0x1e9: {  	s17 =	sor.u32 s0, s19;
	v6 =	vsel vm13, $0x3, v6;
	v1 =	vsel vm7, v4, v1;
	v4 =	vld [tilespmem:s26+$0x0]  }
0x1ea: {  	v38 =	vld [tilespmem:s17+$0x0];
	s15 =	sor.u32 s0, s15;
	[tilespmem:s11+$0x180] =	vst v3;
	v3 =	vsel vm14, $0x4, v6;
	vm8 =	vgt.f32 v7, v1  }
0x1eb: {  	v34 =	vld [tilespmem:s15+$0x0];
	s24 =	sor.u32 s0, s22;
	v3 =	vsel vm15, $0x5, v3;
	v1 =	vsel vm8, v7, v1  }
0x1ec: {  	v22 =	vld [tilespmem:s24+$0x0];
	v3 =	vsel vm7, $0x6, v3;
	vm9 =	vgt.f32 v10, v1  }
0x1ed: {  	s16 =	sor.u32 s0, s16;
	v6 =	vld.idx.msk [tilespmem:v9+s9+$0x0], $0xffff;
	v3 =	vsel vm8, $0x7, v3;
	v1 =	vsel vm9, v10, v1  }
0x1ee: {  	v27 =	vld [tilespmem:s16+$0x0];
	s14 =	sor.u32 s0, s14;
	v7 =	vadd.s32 $0x32, v2;
	v3 =	vsel vm9, $0x8, v3;
	vm10 =	vgt.f32 v4, v1  }
0x1ef: {  	s5 =	sor.u32 s3, s5;
	s4 =	sor.u32 s3, s4;
	v32 =	vld [tilespmem:s14+$0x0];
	v4 =	vsel vm10, $0x9, v3  }
0x1f0: {  	s19 =	simm.s32 $0x200;
	s20 =	simm.s32 $0x200;
	s12 =	sor.u32 s0, s12;
	v11 =	vld [tilespmem:s4+$0x0]  }
0x1f1: {  	s21 =	simm.s32 $0x40;
	s2 =	sand.u32 $0x3FFFF000, s19;
	s19 =	simm.s32 $0x20;
	v40 =	vld [tilespmem:s12+$0x0]  }
0x1f2: {  	s10 =	sand.u32 $0x400, s20;
	s17 =	sor.u32 s13, s2;
	s2 =	sand.u32 $0xFFFFFF80, s19;
	v9 =	vld [tilespmem:s5+$0x0];
	[tilespmem:s11+$0x200] =	vst v6  }
0x1f3: {  	s4 =	sand.u32 $0x60, s21;
	s5 =	sadd.s32 s2, s10;
	v1 =	vld.idx.msk [tilespmem:v7+s9+$0x0], $0xffff  }
0x1f4: {  	s6 =	sor.u32 $0x10, s4;
	s26 =	sor.u32 s0, s23;
	s2 =	sadd.s32 $0x5800, s5;
	v3 =	vadd.s32 $0x3C, v2;
	v6 =	vld.idx.msk [tilespmem:v4+s9+$0x0], $0xffff  }
0x1f5: {  	v29 =	vld [tilespmem:s26+$0x0];
	s13 =	sadd.s32 $0x6000, s5;
	s24 =	sor.u32 s6, s2;
	v7 =	vadd.s32 $0xA, v4  }
0x1f6: {  	s7 =	sadd.s32 $0x5000, s5;
	s26 =	sor.u32 s6, s13;
	v10 =	vld [tilespmem:s24+$0x0]  }
0x1f7: {  	s22 =	sadd.s32 $0x12000, s17;
	s23 =	sor.u32 s6, s7;
	s7 =	sor.u32 s4, s7;
	v19 =	vld [tilespmem:s26+$0x0]  }
0x1f8: {  	s8 =	sor.u32 s1, s22;
	v36 =	vld [tilespmem:s7+$0x0];
	[tilespmem:s11+$0x280] =	vst v1  }
0x1f9: {  	v1 =	vld.idx.msk [tilespmem:v3+s9+$0x0], $0xffff;
	[tilespmem:s8+$0x0] =	vst v6  }
0x1fa: {  	s2 =	sor.u32 s4, s2;
	v3 =	vld.idx.msk [tilespmem:v7+s9+$0x0], $0xffff  }
0x1fb: {  	v37 =	vld [tilespmem:s2+$0x0];
	v7 =	vadd.s32 $0x14, v4  }
0x1fc: {  	v20 =	vadd.s32 $0x46, v2;
	s16 =	sadd.s32 $0x7000, s5;
	s12 =	sor.u32 s4, s13;
	v6 =	vld [tilespmem:s23+$0x0]  }
0x1fd: {  	s19 =	sadd.s32 $0x6800, s5;
	s21 =	sor.u32 s6, s16;
	s16 =	sor.u32 s4, s16;
	v35 =	vld [tilespmem:s12+$0x0]  }
0x1fe: {  	s20 =	sor.u32 s6, s19;
	v33 =	vld [tilespmem:s16+$0x0]  }
0x1ff: {  	[tilespmem:s8+$0x80] =	vst v3;
	v3 =	vld [tilespmem:s20+$0x0]  }
0x200: {  	[tilespmem:s11+$0x300] =	vst v1;
	v7 =	vld.idx.msk [tilespmem:v7+s9+$0x0], $0xffff  }
0x201: {  	s14 =	sadd.s32 $0x8800, s5;
	v23 =	vadd.s32 $0x1E, v4;
	v21 =	vld.idx.msk [tilespmem:v20+s9+$0x0], $0xffff;
	vm11 =	vgt.f32 v10, v6  }
0x202: {  	s20 =	sadd.s32 $0x7800, s5;
	v6 =	vsel vm11, v10, v6;
	v10 =	vld [tilespmem:s21+$0x0];
	s21 =	sor.u32 s4, s14  }
0x203: {  	vm12 =	vgt.f32 v19, v6;
	s23 =	sor.u32 s6, s20;
	v28 =	vld [tilespmem:s21+$0x0]  }
0x204: {  	s13 =	sor.u32 s4, s19;
	s19 =	sor.u32 s4, s20;
	v1 =	vsel vm12, v19, v6;
	v6 =	vld [tilespmem:s23+$0x0]  }
0x205: {  	v54 =	vadd.s32 $0x50, v2;
	s15 =	sadd.s32 $0x8000, s5;
	v31 =	vld [tilespmem:s19+$0x0];
	vm13 =	vgt.f32 v3, v1;
	[tilespmem:s8+$0x100] =	vst v7  }
0x206: {  	s24 =	sor.u32 s6, s15;
	v1 =	vsel vm13, v3, v1;
	v3 =	vld.idx.msk [tilespmem:v23+s9+$0x0], $0xffff  }
0x207: {  	s20 =	sor.u32 s4, s15;
	v7 =	vld [tilespmem:s24+$0x0];
	vm14 =	vgt.f32 v10, v1  }
0x208: {  	s26 =	sor.u32 s6, s14;
	v30 =	vld [tilespmem:s20+$0x0];
	v1 =	vsel vm14, v10, v1  }
0x209: {  	v19 =	vadd.s32 $0x28, v4;
	s23 =	sadd.s32 $0x9000, s5;
	s5 =	sadd.s32 $0x9800, s5;
	[tilespmem:s11+$0x380] =	vst v21;
	v23 =	vsel vm11, $0x1, v0;
	v10 =	vld [tilespmem:s26+$0x0];
	vm15 =	vgt.f32 v6, v1  }
0x20a: {  	s14 =	simm.s32 $0x300;
	v54 =	vld.idx.msk [tilespmem:v54+s9+$0x0], $0xffff;
	s26 =	sor.u32 s6, s5;
	v1 =	vsel vm15, v6, v1;
	v6 =	vsel vm12, $0x2, v23  }
0x20b: {  	s15 =	simm.s32 $0x60;
	s24 =	sor.u32 s6, s23;
	[tilespmem:s8+$0x180] =	vst v3;
	v3 =	vsel vm13, $0x3, v6;
	v6 =	vld [tilespmem:s26+$0x0];
	s26 =	simm.s32 $0x30  }
0x20c: {  	s19 =	sand.u32 $0x400, s14;
	v20 =	vld [tilespmem:s24+$0x0];
	s24 =	sor.u32 s4, s23;
	vm7 =	vgt.f32 v7, v1;
	s7 =	sand.u32 $0xFFFFFF80, s26  }
0x20d: {  	s20 =	sand.u32 $0x60, s15;
	v26 =	vld [tilespmem:s24+$0x0];
	v1 =	vsel vm7, v7, v1;
	s7 =	sadd.s32 s7, s19  }
0x20e: {  	s2 =	sor.u32 $0x10, s20;
	v52 =	vld.idx.msk [tilespmem:v19+s9+$0x0], $0xffff;
	vm8 =	vgt.f32 v10, v1;
	s16 =	sadd.s32 $0x5000, s7  }
0x20f: {  	v7 =	vsel vm8, v10, v1;
	v1 =	vld [tilespmem:s13+$0x0];
	s21 =	sadd.s32 $0x5800, s7;
	s23 =	sor.u32 s2, s16  }
0x210: {  	v3 =	vsel vm14, $0x4, v3;
	s26 =	sadd.s32 $0x6000, s7;
	s24 =	sor.u32 s2, s21;
	v50 =	vld [tilespmem:s23+$0x0]  }
0x211: {  	v3 =	vsel vm15, $0x5, v3;
	vm9 =	vgt.f32 v20, v7;
	s15 =	sor.u32 s2, s26;
	v51 =	vld [tilespmem:s24+$0x0]  }
0x212: {  	v3 =	vsel vm7, $0x6, v3;
	v7 =	vsel vm9, v20, v7;
	s12 =	sor.u32 s20, s21;
	v49 =	vld [tilespmem:s15+$0x0]  }
0x213: {  	v3 =	vsel vm8, $0x7, v3;
	s13 =	sor.u32 s20, s26;
	vm10 =	vgt.f32 v6, v7;
	v7 =	vld [tilespmem:s12+$0x0]  }
0x214: {  	s5 =	sor.u32 s4, s5;
	v3 =	vsel vm9, $0x8, v3;
	v23 =	vld [tilespmem:s13+$0x0]  }
0x215: {  	vm11 =	vgt.f32 v8, v5;
	s14 =	sadd.s32 $0x6800, s7;
	v10 =	vsel vm10, $0x9, v3;
	v3 =	vld [tilespmem:s5+$0x0];
	s5 =	sor.u32 s20, s16  }
0x216: {  	v5 =	vsel vm11, v8, v5;
	s15 =	sadd.s32 $0x7000, s7;
	s16 =	sor.u32 s2, s14;
	v6 =	vld [tilespmem:s5+$0x0]  }
0x217: {  	vm12 =	vgt.f32 v12, v5;
	s12 =	sadd.s32 $0x7800, s7;
	s21 =	sor.u32 s2, s15;
	v48 =	vld [tilespmem:s16+$0x0]  }
0x218: {  	v5 =	vsel vm12, v12, v5;
	s23 =	sor.u32 s2, s12;
	v47 =	vld [tilespmem:s21+$0x0]  }
0x219: {  	vm13 =	vgt.f32 v15, v5;
	s14 =	sor.u32 s20, s14;
	v46 =	vld [tilespmem:s23+$0x0]  }
0x21a: {  	v5 =	vsel vm13, v15, v5;
	s15 =	sor.u32 s20, s15;
	v25 =	vld [tilespmem:s14+$0x0]  }
0x21b: {  	vm14 =	vgt.f32 v18, v5;
	s13 =	sadd.s32 $0x9000, s7;
	s12 =	sor.u32 s20, s12;
	v8 =	vld [tilespmem:s15+$0x0]  }
0x21c: {  	v12 =	vsel vm14, v18, v5;
	s5 =	sadd.s32 $0x8000, s7;
	s23 =	sor.u32 s2, s13;
	v18 =	vld [tilespmem:s12+$0x0]  }
0x21d: {  	s16 =	sadd.s32 $0x8800, s7;
	s24 =	sor.u32 s2, s5;
	v42 =	vld [tilespmem:s23+$0x0]  }
0x21e: {  	s26 =	sor.u32 s2, s16;
	v45 =	vld [tilespmem:s24+$0x0]  }
0x21f: {  	s5 =	sor.u32 s20, s5;
	v44 =	vld [tilespmem:s26+$0x0]  }
0x220: {  	s29 =	simm.s32 $0x400;
	vm15 =	vgt.f32 v14, v12;
	s7 =	sadd.s32 $0x9800, s7;
	s23 =	sor.u32 s20, s13;
	v5 =	vld [tilespmem:s5+$0x0]  }
0x221: {  	s30 =	simm.s32 $0x80;
	v15 =	vsel vm11, $0x1, v0;
	v19 =	vsel vm15, v14, v12;
	s15 =	simm.s32 $0x40;
	s24 =	sor.u32 s2, s7;
	v12 =	vld [tilespmem:s23+$0x0]  }
0x222: {  	v15 =	vsel vm12, $0x2, v15;
	vm7 =	vgt.f32 v11, v19;
	s21 =	sand.u32 $0x400, s29;
	s26 =	sor.u32 s20, s16;
	s16 =	sand.u32 $0xFFFFFF80, s15;
	v43 =	vld [tilespmem:s24+$0x0]  }
0x223: {  	v15 =	vsel vm13, $0x3, v15;
	v19 =	vsel vm7, v11, v19;
	s7 =	sor.u32 s20, s7;
	v14 =	vld [tilespmem:s26+$0x0];
	s26 =	sand.u32 $0x60, s30;
	s24 =	sadd.s32 s16, s21  }
0x224: {  	v20 =	vsel vm14, $0x4, v15;
	vm8 =	vgt.f32 v9, v19;
	v11 =	vld [tilespmem:s7+$0x0];
	s13 =	sadd.s32 $0x5000, s24;
	s28 =	sor.u32 $0x10, s26  }
0x225: {  	v20 =	vsel vm15, $0x5, v20;
	v60 =	vsel vm8, v9, v19;
	v53 =	vld.idx.msk [tilespmem:v10+s9+$0x0], $0xffff;
	s5 =	sadd.s32 $0x5800, s24;
	s14 =	sor.u32 s28, s13  }
0x226: {  	v20 =	vsel vm7, $0x6, v20;
	vm9 =	vgt.f32 v16, v60;
	s12 =	sadd.s32 $0x6000, s24;
	s15 =	sor.u32 s28, s5;
	v15 =	vld [tilespmem:s14+$0x0]  }
0x227: {  	v56 =	vsel vm8, $0x7, v20;
	s16 =	simm.s32 $0x400;
	v16 =	vsel vm9, v16, v60;
	s7 =	sor.u32 s26, s13;
	s23 =	sor.u32 s28, s12;
	v19 =	vld [tilespmem:s15+$0x0]  }
0x228: {  	v55 =	vadd.s32 $0xA, v10;
	v61 =	vsel vm9, $0x8, v56;
	s13 =	sand.u32 $0x3FFFF000, s16;
	vm10 =	vgt.f32 v13, v16;
	s5 =	sor.u32 s26, s5;
	s14 =	sadd.s32 $0x6800, s24;
	v20 =	vld [tilespmem:s23+$0x0]  }
0x229: {  	s15 =	sor.u32 s10, s13;
	v41 =	vsel vm10, $0x9, v61;
	v13 =	vld [tilespmem:s5+$0x0];
	s23 =	sadd.s32 $0x7000, s24;
	s10 =	sor.u32 s28, s14  }
0x22a: {  	v62 =	vadd.s32 $0x32, v4;
	s5 =	sadd.s32 $0x7800, s24;
	s16 =	sadd.s32 $0x12000, s15;
	s13 =	sor.u32 s28, s23;
	v16 =	vld [tilespmem:s10+$0x0]  }
0x22b: {  	vm11 =	vgt.f32 v38, v17;
	s10 =	sor.u32 s6, s16;
	v21 =	vld [tilespmem:s13+$0x0];
	s13 =	sor.u32 s28, s5  }
0x22c: {  	v63 =	vadd.s32 $0x5A, v2;
	v38 =	vsel vm11, v38, v17;
	[tilespmem:s10+$0x0] =	vst v53;
	v17 =	vld [tilespmem:s13+$0x0]  }
0x22d: {  	v55 =	vld.idx.msk [tilespmem:v55+s9+$0x0], $0xffff  }
0x22e: {  	vm12 =	vgt.f32 v39, v38;
	[tilespmem:s8+$0x200] =	vst v52;
	v57 =	vadd.s32 $0x14, v10;
	s13 =	sadd.s32 $0x12800, s18;
	v58 =	vld.idx.msk [tilespmem:v41+s9+$0x0], $0xffff  }
0x22f: {  	v38 =	vsel vm12, v39, v38;
	v52 =	vld.idx.msk [tilespmem:v62+s9+$0x0], $0xffff;
	v39 =	vadd.s32 $0xA, v41;
	s18 =	sor.u32 s25, s13  }
0x230: {  	vm13 =	vgt.f32 v24, v38;
	v9 =	vld [tilespmem:s7+$0x0];
	[tilespmem:s18+$0x0] =	vst v54;
	s18 =	sadd.s32 $0x8000, s24  }
0x231: {  	v38 =	vsel vm13, v24, v38;
	v60 =	vadd.s32 $0x3C, v4;
	v53 =	vld.idx.msk [tilespmem:v63+s9+$0x0], $0xffff;
	s25 =	sor.u32 s28, s18  }
0x232: {  	vm14 =	vgt.f32 v22, v38;
	v61 =	vadd.s32 $0x64, v2;
	v24 =	vld [tilespmem:s25+$0x0];
	s25 =	sor.u32 s3, s31;
	[tilespmem:s10+$0x80] =	vst v55  }
0x233: {  	v38 =	vsel vm14, v22, v38;
	v62 =	vld.idx.msk [tilespmem:v57+s9+$0x0], $0xffff;
	[tilespmem:s25+$0x0] =	vst v58  }
0x234: {  	vm15 =	vgt.f32 v29, v38;
	s12 =	sor.u32 s26, s12;
	v63 =	vadd.s32 $0x1E, v10;
	v39 =	vld.idx.msk [tilespmem:v39+s9+$0x0], $0xffff  }
0x235: {  	vm0 =	vgt.f32 v37, v36;
	v29 =	vsel vm15, v29, v38;
	[tilespmem:s8+$0x280] =	vst v52;
	v22 =	vld [tilespmem:s12+$0x0];
	v38 =	vadd.s32 $0x14, v41  }
0x236: {  	v37 =	vsel vm0, v37, v36;
	v59 =	vsel vm11, $0x1, v0;
	vm8 =	vgt.f32 v51, v50;
	v52 =	vld.idx.msk [tilespmem:v60+s9+$0x0], $0xffff;
	[tilespmem:s11+$0x880] =	vst v53  }
0x237: {  	vm5 =	vgt.f32 v34, v29;
	v50 =	vsel vm8, v51, v50;
	s23 =	sor.u32 s26, s23;
	v60 =	vld.idx.msk [tilespmem:v61+s9+$0x0], $0xffff;
	v61 =	vadd.s32 $0x46, v4  }
0x238: {  	v34 =	vsel vm5, v34, v29;
	v36 =	vld [tilespmem:s23+$0x0];
	v53 =	vsel vm12, $0x2, v59;
	[tilespmem:s10+$0x100] =	vst v62;
	v62 =	vadd.s32 $0x6E, v2  }
0x239: {  	s7 =	sadd.s32 $0x8800, s24;
	vm6 =	vgt.f32 v27, v34;
	vm10 =	vgt.f32 v49, v50;
	v53 =	vsel vm13, $0x3, v53;
	v57 =	vld.idx.msk [tilespmem:v63+s9+$0x0], $0xffff;
	[tilespmem:s25+$0x80] =	vst v39  }
0x23a: {  	v34 =	vsel vm6, v27, v34;
	s31 =	sor.u32 s28, s7;
	v53 =	vsel vm14, $0x4, v53;
	v63 =	vadd.s32 $0x28, v10;
	v38 =	vld.idx.msk [tilespmem:v38+s9+$0x0], $0xffff  }
0x23b: {  	v49 =	vsel vm10, v49, v50;
	vm7 =	vgt.f32 v32, v34;
	v29 =	vld [tilespmem:s31+$0x0];
	[tilespmem:s8+$0x300] =	vst v52;
	v59 =	vsel vm15, $0x5, v53  }
0x23c: {  	s12 =	sadd.s32 $0x9000, s24;
	v32 =	vsel vm7, v32, v34;
	v34 =	vsel vm5, $0x6, v59;
	v39 =	vadd.s32 $0x1E, v41;
	[tilespmem:s11+$0x900] =	vst v60;
	v52 =	vld.idx.msk [tilespmem:v61+s9+$0x0], $0xffff  }
0x23d: {  	vm11 =	vgt.f32 v48, v49;
	v54 =	vadd.s32 $0x50, v4;
	s31 =	sor.u32 s28, s12;
	v34 =	vsel vm6, $0x7, v34;
	v53 =	vld.idx.msk [tilespmem:v62+s9+$0x0], $0xffff  }
0x23e: {  	vm9 =	vgt.f32 v40, v32;
	v27 =	vld [tilespmem:s31+$0x0];
	v60 =	vadd.s32 $0x78, v2;
	v62 =	vsel vm7, $0x8, v34;
	[tilespmem:s10+$0x180] =	vst v57  }
0x23f: {  	v48 =	vsel vm11, v48, v49;
	s31 =	sor.u32 s26, s14;
	v61 =	vld.idx.msk [tilespmem:v63+s9+$0x0], $0xffff;
	[tilespmem:s25+$0x100] =	vst v38;
	v38 =	vsel vm9, $0x9, v62  }
0x240: {  	v32 =	vld [tilespmem:s31+$0x0];
	vm12 =	vgt.f32 v47, v48;
	v63 =	vadd.s32 $0x32, v10  }
0x241: {  	v47 =	vsel vm12, v47, v48;
	[tilespmem:s8+$0x380] =	vst v52;
	v39 =	vld.idx.msk [tilespmem:v39+s9+$0x0], $0xffff  }
0x242: {  	v58 =	vadd.s32 $0x28, v41;
	vm13 =	vgt.f32 v46, v47;
	v59 =	vld.idx.msk [tilespmem:v54+s9+$0x0], $0xffff;
	[tilespmem:s11+$0x980] =	vst v53  }
0x243: {  	v49 =	vadd.s32 $0x32, v41;
	v46 =	vsel vm13, v46, v47;
	v47 =	vadd.s32 $0x3C, v10;
	v40 =	vld.idx.msk [tilespmem:v60+s9+$0x0], $0xffff  }
0x244: {  	vm15 =	vgt.f32 v35, v37;
	vm14 =	vgt.f32 v45, v46;
	v60 =	vadd.s32 $0x5A, v4;
	[tilespmem:s10+$0x200] =	vst v61;
	v54 =	vld.idx.msk [tilespmem:v38+s9+$0x0], $0xffff  }
0x245: {  	s17 =	sadd.s32 $0x12800, s17;
	s31 =	sor.u32 s0, s22;
	s22 =	sor.u32 s26, s5;
	v37 =	vsel vm15, v35, v37;
	v45 =	vsel vm14, v45, v46;
	v52 =	vadd.s32 $0x82, v2;
	v61 =	vld.idx.msk [tilespmem:v63+s9+$0x0], $0xffff  }
0x246: {  	s1 =	sor.u32 s1, s17;
	s14 =	sadd.s32 $0x9800, s24;
	v35 =	vld [tilespmem:s22+$0x0];
	v62 =	vsel vm8, $0x1, v0;
	vm8 =	vgt.f32 v44, v45;
	v57 =	vadd.s32 $0xA, v38;
	s23 =	rddreg [dreg:$0xc];
	[tilespmem:s25+$0x180] =	vst v39  }
0x247: {  	s24 =	sor.u32 s28, s14;
	v44 =	vsel vm8, v44, v45;
	v63 =	vsel vm10, $0x2, v62;
	[tilespmem:s1+$0x0] =	vst v59;
	vm10 =	vgt.f32 v1, v37;
	v50 =	vld.idx.msk [tilespmem:v58+s9+$0x0], $0xffff  }
0x248: {  	v34 =	vld [tilespmem:s24+$0x0];
	vm9 =	vgt.f32 v42, v44;
	v55 =	vsel vm11, $0x3, v63;
	v37 =	vsel vm10, v1, v37;
	[tilespmem:s11+$0xA00] =	vst v40  }
0x249: {  	v53 =	vadd.s32 $0x14, v38;
	v59 =	vld.idx.msk [tilespmem:v60+s9+$0x0], $0xffff;
	v60 =	vsel vm12, $0x4, v55;
	vm12 =	vgt.f32 v33, v37;
	[tilespmem:s31+$0x0] =	vst v54  }
0x24a: {  	v42 =	vsel vm9, v42, v44;
	v62 =	vadd.s32 $0x64, v4;
	v33 =	vsel vm12, v33, v37;
	[tilespmem:s10+$0x280] =	vst v61;
	v61 =	vld.idx.msk [tilespmem:v52+s9+$0x0], $0xffff  }
0x24b: {  	v58 =	vadd.s32 $0x8C, v2;
	v51 =	vsel vm13, $0x5, v60;
	v39 =	vld.idx.msk [tilespmem:v57+s9+$0x0], $0xffff;
	vm13 =	vgt.f32 v31, v33  }
0x24c: {  	vm11 =	vgt.f32 v43, v42;
	v54 =	vsel vm14, $0x6, v51;
	v63 =	vld.idx.msk [tilespmem:v47+s9+$0x0], $0xffff;
	[tilespmem:s25+$0x200] =	vst v50;
	v31 =	vsel vm13, v31, v33  }
0x24d: {  	s24 =	sor.u32 s26, s18;
	v55 =	vadd.s32 $0x46, v10;
	v51 =	vsel vm8, $0x7, v54;
	v43 =	vld.idx.msk [tilespmem:v49+s9+$0x0], $0xffff;
	vm14 =	vgt.f32 v30, v31  }
0x24e: {  	v54 =	vsel vm0, $0x1, v0;
	v56 =	vsel vm9, $0x8, v51;
	[tilespmem:s8+$0x880] =	vst v59;
	v31 =	vsel vm14, v30, v31;
	v30 =	vld [tilespmem:s24+$0x0]  }
0x24f: {  	s18 =	sor.u32 s26, s7;
	v44 =	vsel vm15, $0x2, v54;
	v1 =	vsel vm11, $0x9, v56;
	v40 =	vld.idx.msk [tilespmem:v62+s9+$0x0], $0xffff;
	vm15 =	vgt.f32 v28, v31  }
0x250: {  	v51 =	vadd.s32 $0x6E, v4;
	[tilespmem:s11+$0xA80] =	vst v61;
	v31 =	vsel vm15, v28, v31;
	v28 =	vld [tilespmem:s18+$0x0]  }
0x251: {  	v57 =	vld.idx.msk [tilespmem:v58+s9+$0x0], $0xffff;
	[tilespmem:s10+$0x300] =	vst v63  }
0x252: {  	v2 =	vadd.s32 $0x96, v2;
	v44 =	vsel vm10, $0x3, v44;
	[tilespmem:s31+$0x80] =	vst v39;
	v52 =	vld.idx.msk [tilespmem:v55+s9+$0x0], $0xffff  }
0x253: {  	v46 =	vadd.s32 $0x3C, v41;
	v33 =	vld.idx.msk [tilespmem:v53+s9+$0x0], $0xffff;
	v58 =	vsel vm12, $0x4, v44;
	v55 =	vadd.s32 $0x50, v10  }
0x254: {  	s5 =	simm.s32 $0x600;
	vm6 =	vgt.f32 v7, v6;
	v61 =	vadd.s32 $0x1E, v38;
	v62 =	vsel vm13, $0x5, v58;
	v56 =	vld.idx.msk [tilespmem:v1+s9+$0x0], $0xffff;
	[tilespmem:s8+$0x900] =	vst v40  }
0x255: {  	s7 =	sor.u32 s26, s12;
	s1 =	sand.u32 $0x3FFFF000, s5;
	v60 =	vadd.s32 $0xA, v1;
	vm4 =	vgt.f32 v26, v31;
	v37 =	vsel vm14, $0x6, v62;
	v59 =	vld.idx.msk [tilespmem:v51+s9+$0x0], $0xffff  }
0x256: {  	s22 =	sor.u32 s19, s1;
	v63 =	vadd.s32 $0x78, v4;
	v31 =	vsel vm4, v26, v31;
	v26 =	vld [tilespmem:s7+$0x0];
	[tilespmem:s11+$0xB00] =	vst v57;
	v57 =	vsel vm15, $0x7, v37  }
0x257: {  	v6 =	vsel vm6, v7, v6;
	s24 =	sadd.s32 $0x12000, s22;
	vm5 =	vgt.f32 v3, v31;
	[tilespmem:s10+$0x380] =	vst v52;
	v37 =	vld.idx.msk [tilespmem:v2+s9+$0x0], $0xffff;
	v2 =	vsel vm4, $0x8, v57  }
0x258: {  	vm7 =	vgt.f32 v23, v6;
	s1 =	sor.u32 s2, s24;
	[tilespmem:s31+$0x100] =	vst v33;
	v45 =	vld.idx.msk [tilespmem:v55+s9+$0x0], $0xffff;
	v33 =	vsel vm5, $0x9, v2  }
0x259: {  	v6 =	vsel vm7, v23, v6;
	v58 =	vadd.s32 $0x5A, v10;
	v49 =	vld.idx.msk [tilespmem:v61+s9+$0x0], $0xffff;
	[tilespmem:s1+$0x0] =	vst v56  }
0x25a: {  	vm8 =	vgt.f32 v25, v6;
	v54 =	vadd.s32 $0x28, v38;
	v48 =	vld.idx.msk [tilespmem:v60+s9+$0x0], $0xffff;
	[tilespmem:s8+$0x980] =	vst v59  }
0x25b: {  	v23 =	vsel vm6, $0x1, v0;
	s19 =	sadd.s32 $0x12800, s15;
	v6 =	vsel vm8, v25, v6;
	[tilespmem:s25+$0x280] =	vst v43;
	v59 =	vadd.s32 $0x14, v1;
	v60 =	vld.idx.msk [tilespmem:v63+s9+$0x0], $0xffff  }
0x25c: {  	v42 =	vadd.s32 $0x64, v41;
	s12 =	sor.u32 s6, s19;
	vm9 =	vgt.f32 v8, v6;
	v62 =	vadd.s32 $0x82, v4;
	v61 =	vld.idx.msk [tilespmem:v46+s9+$0x0], $0xffff  }
0x25d: {  	v6 =	vsel vm9, v8, v6;
	v39 =	vadd.s32 $0x82, v41;
	v51 =	vadd.s32 $0x46, v41;
	[tilespmem:s12+$0x0] =	vst v45;
	v50 =	vld.idx.msk [tilespmem:v33+s9+$0x0], $0xffff  }
0x25e: {  	v53 =	vadd.s32 $0x5A, v41;
	v31 =	vadd.s32 $0x78, v41;
	v63 =	vadd.s32 $0xA, v33;
	[tilespmem:s31+$0x180] =	vst v49;
	v7 =	vld.idx.msk [tilespmem:v58+s9+$0x0], $0xffff  }
0x25f: {  	v3 =	vadd.s32 $0x8C, v41;
	v40 =	vadd.s32 $0x6E, v41;
	v54 =	vld.idx.msk [tilespmem:v54+s9+$0x0], $0xffff;
	[tilespmem:s1+$0x80] =	vst v48;
	v48 =	vadd.s32 $0x64, v10  }
0x260: {  	v52 =	vadd.s32 $0x50, v41;
	v2 =	vadd.s32 $0x96, v41;
	v41 =	vadd.s32 $0x32, v38;
	v44 =	vld.idx.msk [tilespmem:v59+s9+$0x0], $0xffff;
	[tilespmem:s8+$0xA00] =	vst v60  }
0x261: {  	s6 =	sor.u32 s4, s16;
	v47 =	vadd.s32 $0x3C, v38;
	vm10 =	vgt.f32 v18, v6;
	[tilespmem:s25+$0x300] =	vst v61;
	v59 =	vadd.s32 $0x1E, v1;
	v60 =	vld.idx.msk [tilespmem:v62+s9+$0x0], $0xffff  }
0x262: {  	vm0 =	vgt.f32 v13, v9;
	v18 =	vsel vm10, v18, v6;
	v61 =	vld.idx.msk [tilespmem:v51+s9+$0x0], $0xffff;
	v62 =	vadd.s32 $0x8C, v4;
	[tilespmem:s6+$0x0] =	vst v50  }
0x263: {  	v25 =	vadd.s32 $0x5A, v38;
	v9 =	vsel vm0, v13, v9;
	vm11 =	vgt.f32 v5, v18;
	[tilespmem:s10+$0x880] =	vst v7;
	v49 =	vld.idx.msk [tilespmem:v63+s9+$0x0], $0xffff  }
0x264: {  	v8 =	vadd.s32 $0x6E, v38;
	v6 =	vadd.s32 $0x82, v38;
	v18 =	vsel vm11, v5, v18;
	[tilespmem:s31+$0x200] =	vst v54;
	v48 =	vld.idx.msk [tilespmem:v48+s9+$0x0], $0xffff  }
0x265: {  	vm13 =	vgt.f32 v19, v15;
	vm12 =	vgt.f32 v14, v18;
	v57 =	vadd.s32 $0x6E, v10;
	v41 =	vld.idx.msk [tilespmem:v41+s9+$0x0], $0xffff;
	[tilespmem:s1+$0x100] =	vst v44  }
0x266: {  	v15 =	vsel vm13, v19, v15;
	v14 =	vsel vm12, v14, v18;
	v58 =	vadd.s32 $0x14, v33;
	v43 =	vld.idx.msk [tilespmem:v59+s9+$0x0], $0xffff;
	[tilespmem:s8+$0xA80] =	vst v60  }
0x267: {  	v5 =	vadd.s32 $0x8C, v38;
	vm14 =	vgt.f32 v12, v14;
	vm15 =	vgt.f32 v20, v15;
	[tilespmem:s25+$0x380] =	vst v61;
	v61 =	vld.idx.msk [tilespmem:v62+s9+$0x0], $0xffff  }
0x268: {  	s3 =	sor.u32 s3, s13;
	s13 =	sor.u32 s26, s14;
	v12 =	vsel vm14, v12, v14;
	v7 =	vsel vm7, $0x2, v23;
	v60 =	vadd.s32 $0x28, v1;
	v62 =	vld.idx.msk [tilespmem:v52+s9+$0x0], $0xffff  }
0x269: {  	v14 =	vadd.s32 $0x32, v1;
	v55 =	vadd.s32 $0x46, v38;
	v51 =	vld [tilespmem:s13+$0x0];
	v63 =	vsel vm8, $0x3, v7;
	[tilespmem:s10+$0x900] =	vst v48  }
0x26a: {  	v54 =	vadd.s32 $0x78, v10;
	v59 =	vsel vm9, $0x4, v63;
	v63 =	vadd.s32 $0x96, v4;
	[tilespmem:s6+$0x80] =	vst v49;
	v44 =	vld.idx.msk [tilespmem:v57+s9+$0x0], $0xffff  }
0x26b: {  	vm8 =	vgt.f32 v11, v12;
	v11 =	vsel vm15, v20, v15;
	v45 =	vsel vm10, $0x5, v59;
	[tilespmem:s31+$0x280] =	vst v41;
	v49 =	vld.idx.msk [tilespmem:v58+s9+$0x0], $0xffff  }
0x26c: {  	vm9 =	vgt.f32 v16, v11;
	v52 =	vadd.s32 $0x1E, v33;
	v18 =	vsel vm11, $0x6, v45;
	v58 =	vld.idx.msk [tilespmem:v47+s9+$0x0], $0xffff;
	[tilespmem:s1+$0x180] =	vst v43  }
0x26d: {  	v56 =	vadd.s32 $0x50, v38;
	v11 =	vsel vm9, v16, v11;
	v18 =	vsel vm12, $0x7, v18;
	v57 =	vld.idx.msk [tilespmem:v60+s9+$0x0], $0xffff;
	[tilespmem:s3+$0x0] =	vst v62  }
0x26e: {  	v19 =	vadd.s32 $0x46, v33;
	vm10 =	vgt.f32 v21, v11;
	v18 =	vsel vm14, $0x8, v18;
	[tilespmem:s8+$0xB00] =	vst v61;
	v15 =	vld.idx.msk [tilespmem:v53+s9+$0x0], $0xffff  }
0x26f: {  	v23 =	vadd.s32 $0x64, v38;
	v11 =	vsel vm10, v21, v11;
	v18 =	vsel vm8, $0x9, v18;
	v46 =	vld.idx.msk [tilespmem:v63+s9+$0x0], $0xffff;
	[tilespmem:s10+$0x980] =	vst v44  }
0x270: {  	v12 =	vadd.s32 $0x28, v33;
	v20 =	vadd.s32 $0x32, v33;
	vm11 =	vgt.f32 v17, v11;
	[tilespmem:s6+$0x100] =	vst v49;
	v43 =	vld.idx.msk [tilespmem:v54+s9+$0x0], $0xffff  }
0x271: {  	v11 =	vsel vm11, v17, v11;
	v60 =	vadd.s32 $0x82, v10;
	v63 =	vsel vm13, $0x1, v0;
	[tilespmem:s31+$0x300] =	vst v58;
	v16 =	vld.idx.msk [tilespmem:v52+s9+$0x0], $0xffff  }
0x272: {  	vm12 =	vgt.f32 v24, v11;
	v61 =	vadd.s32 $0xA, v18;
	v13 =	vsel vm15, $0x2, v63;
	v45 =	vld.idx.msk [tilespmem:v55+s9+$0x0], $0xffff;
	[tilespmem:s1+$0x200] =	vst v57  }
0x273: {  	v62 =	vadd.s32 $0x3C, v1;
	v11 =	vsel vm12, v24, v11;
	v13 =	vsel vm9, $0x3, v13;
	v14 =	vld.idx.msk [tilespmem:v14+s9+$0x0], $0xffff;
	[tilespmem:s25+$0x880] =	vst v15  }
0x274: {  	v24 =	vadd.s32 $0x8C, v10;
	vm14 =	vgt.f32 v29, v11;
	v13 =	vsel vm10, $0x4, v13;
	v15 =	vld.idx.msk [tilespmem:v18+s9+$0x0], $0xffff;
	[tilespmem:s8+$0xB80] =	vst v46  }
0x275: {  	vm13 =	vgt.f32 v22, v9;
	v11 =	vsel vm14, v29, v11;
	v13 =	vsel vm11, $0x5, v13;
	v17 =	vld.idx.msk [tilespmem:v42+s9+$0x0], $0xffff;
	[tilespmem:s10+$0xA00] =	vst v43  }
0x276: {  	v9 =	vsel vm13, v22, v9;
	vm15 =	vgt.f32 v27, v11;
	v13 =	vsel vm12, $0x6, v13;
	[tilespmem:s6+$0x180] =	vst v16;
	v16 =	vld.idx.msk [tilespmem:v60+s9+$0x0], $0xffff  }
0x277: {  	vm8 =	vgt.f32 v32, v9;
	v11 =	vsel vm15, v27, v11;
	v13 =	vsel vm14, $0x7, v13;
	[tilespmem:s31+$0x380] =	vst v45;
	v12 =	vld.idx.msk [tilespmem:v12+s9+$0x0], $0xffff  }
0x278: {  	s3 =	sor.u32 s20, s24;
	v32 =	vsel vm8, v32, v9;
	vm9 =	vgt.f32 v34, v11;
	v9 =	vsel vm15, $0x8, v13;
	v22 =	vld.idx.msk [tilespmem:v56+s9+$0x0], $0xffff;
	[tilespmem:s1+$0x280] =	vst v14  }
0x279: {  	v7 =	vadd.s32 $0x78, v38;
	v4 =	vadd.s32 $0x96, v38;
	v9 =	vsel vm9, $0x9, v9;
	v14 =	vld.idx.msk [tilespmem:v62+s9+$0x0], $0xffff;
	[tilespmem:s3+$0x0] =	vst v15  }
0x27a: {  	v59 =	vadd.s32 $0x3C, v33;
	v41 =	vadd.s32 $0x50, v33;
	v29 =	vadd.s32 $0x46, v1;
	[tilespmem:s25+$0x900] =	vst v17;
	v17 =	vld.idx.msk [tilespmem:v61+s9+$0x0], $0xffff  }
0x27b: {  	v21 =	vadd.s32 $0x14, v18;
	v53 =	vadd.s32 $0x50, v1;
	v55 =	vadd.s32 $0x1E, v18;
	v27 =	vld.idx.msk [tilespmem:v40+s9+$0x0], $0xffff;
	[tilespmem:s10+$0xA80] =	vst v16  }
0x27c: {  	s0 =	sor.u32 s0, s17;
	v57 =	vadd.s32 $0x28, v18;
	vm10 =	vgt.f32 v36, v32;
	v11 =	vadd.s32 $0x82, v33;
	[tilespmem:s6+$0x200] =	vst v12;
	v13 =	vld.idx.msk [tilespmem:v24+s9+$0x0], $0xffff  }
0x27d: {  	v46 =	vadd.s32 $0x64, v1;
	[tilespmem:s0+$0x0] =	vst v22;
	v20 =	vld.idx.msk [tilespmem:v20+s9+$0x0], $0xffff;
	v24 =	vadd.s32 $0x96, v10;
	v10 =	vsel vm10, v36, v32  }
0x27e: {  	v50 =	vadd.s32 $0x1E, v9;
	v15 =	vadd.s32 $0x64, v33;
	v54 =	vld.idx.msk [tilespmem:v9+s9+$0x0], $0xffff;
	[tilespmem:s1+$0x300] =	vst v14;
	vm11 =	vgt.f32 v35, v10  }
0x27f: {  	v61 =	vadd.s32 $0x14, v9;
	v29 =	vld.idx.msk [tilespmem:v29+s9+$0x0], $0xffff;
	[tilespmem:s3+$0x80] =	vst v17;
	v17 =	vsel vm0, $0x1, v0;
	v52 =	vsel vm11, v35, v10  }
0x280: {  	s14 =	simm.s32 $0x800;
	[tilespmem:s11+$0xB80] =	vst v37;
	v12 =	vadd.s32 $0x78, v33;
	v56 =	vld.idx.msk [tilespmem:v25+s9+$0x0], $0xffff;
	v17 =	vsel vm13, $0x2, v17;
	vm12 =	vgt.f32 v30, v52  }
0x281: {  	s15 =	sand.u32 $0x3FFFF000, s14;
	v22 =	vadd.s32 $0xA, v9;
	v21 =	vld.idx.msk [tilespmem:v21+s9+$0x0], $0xffff;
	v17 =	vsel vm8, $0x3, v17;
	[tilespmem:s10+$0xB00] =	vst v13;
	v13 =	vsel vm12, v30, v52  }
0x282: {  	s11 =	sor.u32 s21, s15;
	v16 =	vadd.s32 $0x5A, v33;
	[tilespmem:s6+$0x280] =	vst v20;
	v17 =	vsel vm10, $0x4, v17;
	v20 =	vld.idx.msk [tilespmem:v24+s9+$0x0], $0xffff;
	vm13 =	vgt.f32 v28, v13  }
0x283: {  	s16 =	sadd.s32 $0x12000, s11;
	v14 =	vadd.s32 $0x6E, v33;
	[tilespmem:s25+$0x980] =	vst v27;
	v17 =	vsel vm11, $0x5, v17;
	v24 =	vld.idx.msk [tilespmem:v59+s9+$0x0], $0xffff;
	v28 =	vsel vm13, v28, v13  }
0x284: {  	s0 =	sor.u32 s28, s16;
	v10 =	vadd.s32 $0x8C, v33;
	v58 =	vld.idx.msk [tilespmem:v31+s9+$0x0], $0xffff;
	v17 =	vsel vm12, $0x6, v17;
	[tilespmem:s1+$0x380] =	vst v29;
	vm14 =	vgt.f32 v26, v28  }
0x285: {  	v27 =	vadd.s32 $0x46, v18;
	[tilespmem:s0+$0x0] =	vst v54;
	v17 =	vsel vm13, $0x7, v17;
	v35 =	vld.idx.msk [tilespmem:v53+s9+$0x0], $0xffff;
	v25 =	vsel vm14, v26, v28  }
0x286: {  	v60 =	vld.idx.msk [tilespmem:v22+s9+$0x0], $0xffff;
	[tilespmem:s3+$0x100] =	vst v21;
	v17 =	vsel vm14, $0x8, v17;
	v28 =	vadd.s32 $0x5A, v1;
	vm15 =	vgt.f32 v51, v25  }
0x287: {  	v22 =	vadd.s32 $0x6E, v18;
	[tilespmem:s31+$0x880] =	vst v56;
	v30 =	vadd.s32 $0x32, v18;
	v31 =	vld.idx.msk [tilespmem:v55+s9+$0x0], $0xffff;
	v59 =	vsel vm15, $0x9, v17  }
0x288: {  	s18 =	sor.u32 $0x1, s23;
	s21 =	sadd.s32 $0x12800, s22;
	v63 =	vld.idx.msk [tilespmem:v23+s9+$0x0], $0xffff;
	v29 =	vadd.s32 $0x3C, v18;
	v13 =	vadd.s32 $0x96, v33;
	v21 =	vadd.s32 $0x78, v18;
	[tilespmem:s6+$0x300] =	vst v24  }
0x289: {  	s22 =	smulhi.u32 $0x51EB851F, s18;
	s2 =	sor.u32 s2, s21;
	[tilespmem:s25+$0xA00] =	vst v58;
	v26 =	vadd.s32 $0x50, v18;
	v25 =	vadd.s32 $0x5A, v18;
	v24 =	vadd.s32 $0x64, v18;
	v62 =	vld.idx.msk [tilespmem:v19+s9+$0x0], $0xffff  }
0x28a: {  	v39 =	vld.idx.msk [tilespmem:v39+s9+$0x0], $0xffff;
	v17 =	vadd.s32 $0x8C, v18;
	[tilespmem:s2+$0x0] =	vst v35;
	v19 =	vadd.s32 $0x82, v18;
	v18 =	vadd.s32 $0x96, v18  }
0x28b: {  	[tilespmem:s0+$0x80] =	vst v60;
	s2 =	sshrl.u32 s22, $0x3;
	v44 =	vadd.s32 $0xA, v59;
	v38 =	vadd.s32 $0x14, v59;
	v35 =	vadd.s32 $0x1E, v59;
	v45 =	vld.idx.msk [tilespmem:v28+s9+$0x0], $0xffff  }
0x28c: {  	v34 =	vadd.s32 $0x28, v59;
	v43 =	vadd.s32 $0x32, v59;
	v37 =	vadd.s32 $0x3C, v59;
	s24 =	smul.u32 $0x19, s2;
	[tilespmem:s3+$0x180] =	vst v31;
	v48 =	vld.idx.msk [tilespmem:v59+s9+$0x0], $0xffff  }
0x28d: {  	[tilespmem:s31+$0x900] =	vst v63;
	v33 =	vadd.s32 $0x46, v59;
	v36 =	vadd.s32 $0x5A, v59;
	v42 =	vadd.s32 $0x6E, v59;
	v47 =	vld.idx.msk [tilespmem:v57+s9+$0x0], $0xffff  }
0x28e: {  	s14 =	simm.s32 $0x8;
	s17 =	sor.u32 s20, s21;
	v49 =	vld.idx.msk [tilespmem:v61+s9+$0x0], $0xffff;
	v32 =	vadd.s32 $0x78, v59;
	v23 =	vadd.s32 $0x82, v59;
	v40 =	vadd.s32 $0x8C, v59;
	s7 =	ssub.s32 s18, s24;
	[tilespmem:s6+$0x380] =	vst v62  }
0x28f: {  	s8 =	sor.u32 s26, s16;
	[tilespmem:s10+$0xB80] =	vst v20;
	s10 =	sor.u32 s4, s19;
	v20 =	vadd.s32 $0x96, v59;
	v31 =	vadd.s32 $0x50, v59;
	v28 =	vadd.s32 $0x64, v59;
	s4 =	sshll.u32 s7, $0x12;
	v41 =	vld.idx.msk [tilespmem:v41+s9+$0x0], $0xffff  }
.LBB2_5:
0x290: {  	s14 =	sadd.s32 $0x2, s14;
	[tilespmem:s1+$0x880] =	vst v45;
	v45 =	vld.idx.msk [tilespmem:v8+s9+$0x0], $0xffff;
	v8 =	vmov v14;
	v14 =	vmov v22;
	v22 =	vmov v42  }
0x291: {  	s29 =	sadd.s32 $0x100, s29;
	s5 =	sshll.u32 s14, $0x3;
	[tilespmem:s8+$0x0] =	vst v48;
	v42 =	vld.idx.msk [tilespmem:v46+s9+$0x0], $0xffff  }
0x292: {  	s30 =	sadd.s32 $0x20, s30;
	s16 =	sand.u32 $0x400, s29;
	s5 =	sand.u32 $0xFFFFFF80, s5;
	v44 =	vld.idx.msk [tilespmem:v44+s9+$0x0], $0xffff;
	[tilespmem:s3+$0x200] =	vst v47  }
0x293: {  	s13 =	sand.u32 $0x60, s30;
	p1 =	slt.u32 s14, $0x7E;
	v47 =	vadd.s32 $0x6E, v1;
	s5 =	sadd.s32 s5, s16;
	[tilespmem:s0+$0x100] =	vst v49;
	v46 =	vld.idx.msk [tilespmem:v30+s9+$0x0], $0xffff;
	v30 =	vmov v43  }
0x294: {  	s15 =	sor.u32 $0x10, s13;
	s7 =	sadd.s32 $0x5000, s5;
	v43 =	vld.idx.msk [tilespmem:v50+s9+$0x0], $0xffff;
	[tilespmem:s25+$0xA80] =	vst v39  }
0x295: {  	s18 =	sadd.s32 $0x5800, s5;
	s12 =	sor.u32 s13, s7;
	s7 =	sor.u32 s15, s7;
	[tilespmem:s10+$0x0] =	vst v41;
	v39 =	vld.idx.msk [tilespmem:v3+s9+$0x0], $0xffff;
	v3 =	vmovc v5;
	v5 =	vmov v10;
	v10 =	vmov v17;
	v17 =	vmov v40  }
0x296: {  	s19 =	sor.u32 s13, s18;
	v41 =	vadd.s32 $0x28, v9;
	s10 =	smov.u32 s17;
	v40 =	vld [tilespmem:s7+$0x0];
	s7 =	sor.u32 s15, s18;
	[tilespmem:s31+$0x980] =	vst v45  }
0x297: {  	v45 =	vld [tilespmem:s7+$0x0];
	[tilespmem:s1+$0x900] =	vst v42  }
0x298: {  	s7 =	sadd.s32 $0x6000, s5;
	[tilespmem:s8+$0x80] =	vst v44;
	v42 =	vld.idx.msk [tilespmem:v47+s9+$0x0], $0xffff  }
0x299: {  	s20 =	sor.u32 s13, s7;
	s7 =	sor.u32 s15, s7;
	v44 =	vld [tilespmem:s12+$0x0];
	[tilespmem:s3+$0x280] =	vst v46  }
0x29a: {  	s12 =	sadd.s32 $0x6800, s5;
	v46 =	vld [tilespmem:s7+$0x0];
	[tilespmem:s0+$0x180] =	vst v43;
	v43 =	vadd.s32 $0x78, v1  }
0x29b: {  	s18 =	sor.u32 s13, s12;
	s7 =	sor.u32 s15, s12;
	v41 =	vld.idx.msk [tilespmem:v41+s9+$0x0], $0xffff;
	[tilespmem:s25+$0xB00] =	vst v39  }
0x29c: {  	s12 =	sadd.s32 $0x7000, s5;
	v39 =	vld [tilespmem:s7+$0x0]  }
0x29d: {  	v48 =	vadd.s32 $0x32, v9;
	s7 =	sor.u32 s13, s12;
	vm0 =	vgt.f32 v45, v40;
	s12 =	sor.u32 s15, s12;
	v47 =	vld [tilespmem:s19+$0x0]  }
0x29e: {  	s17 =	sadd.s32 $0x7800, s5;
	v40 =	vsel vm0, v45, v40;
	v45 =	vld [tilespmem:s12+$0x0];
	[tilespmem:s1+$0x980] =	vst v42  }
0x29f: {  	s21 =	sor.u32 s15, s17;
	s19 =	sadd.s32 $0x8000, s5;
	s12 =	sor.u32 s13, s17;
	vm1 =	vgt.f32 v46, v40;
	v42 =	vld.idx.msk [tilespmem:v43+s9+$0x0], $0xffff  }
0x2a0: {  	s17 =	sor.u32 s13, s19;
	s19 =	sor.u32 s15, s19;
	v40 =	vsel vm1, v46, v40;
	v43 =	vld [tilespmem:s21+$0x0]  }
0x2a1: {  	vm2 =	vgt.f32 v39, v40;
	v46 =	vld [tilespmem:s19+$0x0];
	[tilespmem:s0+$0x200] =	vst v41;
	v41 =	vadd.s32 $0x82, v1  }
0x2a2: {  	s19 =	sadd.s32 $0x8800, s5;
	vm3 =	vgt.f32 v47, v44;
	v39 =	vsel vm2, v39, v40;
	v40 =	vld.idx.msk [tilespmem:v48+s9+$0x0], $0xffff  }
0x2a3: {  	s21 =	sadd.s32 $0x9000, s5;
	v44 =	vsel vm3, v47, v44;
	v47 =	vsel vm3, $0x1, v0;
	v48 =	vld [tilespmem:s20+$0x0];
	s20 =	sor.u32 s13, s19;
	vm3 =	vgt.f32 v45, v39;
	s19 =	sor.u32 s15, s19  }
0x2a4: {  	v49 =	vadd.s32 $0x3C, v9;
	s22 =	sor.u32 s13, s21;
	v39 =	vsel vm3, v45, v39;
	v45 =	vld [tilespmem:s19+$0x0];
	s19 =	sor.u32 s15, s21  }
0x2a5: {  	vm4 =	vgt.f32 v43, v39;
	v50 =	vld [tilespmem:s19+$0x0];
	[tilespmem:s1+$0xA00] =	vst v42  }
0x2a6: {  	s5 =	sadd.s32 $0x9800, s5;
	v42 =	vsel vm0, $0x1, v0;
	v39 =	vsel vm4, v43, v39;
	v41 =	vld.idx.msk [tilespmem:v41+s9+$0x0], $0xffff  }
0x2a7: {  	v42 =	vsel vm1, $0x2, v42;
	v43 =	vld [tilespmem:s18+$0x0];
	s18 =	sor.u32 s13, s5;
	vm0 =	vgt.f32 v46, v39;
	s5 =	sor.u32 s15, s5  }
0x2a8: {  	v42 =	vsel vm2, $0x3, v42;
	v39 =	vsel vm0, v46, v39;
	v46 =	vld [tilespmem:s5+$0x0];
	[tilespmem:s0+$0x280] =	vst v40;
	v40 =	vadd.s32 $0x8C, v1  }
0x2a9: {  	vm1 =	vgt.f32 v48, v44;
	v42 =	vsel vm3, $0x4, v42;
	vm2 =	vgt.f32 v45, v39;
	v49 =	vld.idx.msk [tilespmem:v49+s9+$0x0], $0xffff  }
0x2aa: {  	v44 =	vsel vm1, v48, v44;
	v42 =	vsel vm4, $0x5, v42;
	v48 =	vld [tilespmem:s7+$0x0];
	v39 =	vsel vm2, v45, v39  }
0x2ab: {  	v51 =	vadd.s32 $0x46, v9;
	v42 =	vsel vm0, $0x6, v42;
	v45 =	vld [tilespmem:s12+$0x0];
	vm0 =	vgt.f32 v50, v39  }
0x2ac: {  	v42 =	vsel vm2, $0x7, v42;
	vm3 =	vgt.f32 v43, v44;
	v52 =	vld [tilespmem:s17+$0x0];
	v39 =	vsel vm0, v50, v39;
	[tilespmem:s1+$0xA80] =	vst v41  }
0x2ad: {  	v42 =	vsel vm0, $0x8, v42;
	v41 =	vsel vm3, v43, v44;
	vm0 =	vgt.f32 v46, v39;
	v39 =	vld.idx.msk [tilespmem:v40+s9+$0x0], $0xffff  }
0x2ae: {  	v40 =	vsel vm1, $0x2, v47;
	v43 =	vld [tilespmem:s20+$0x0];
	v42 =	vsel vm0, $0x9, v42  }
0x2af: {  	v46 =	vadd.s32 $0x96, v1;
	v1 =	vmovc v9;
	v40 =	vsel vm3, $0x3, v40;
	vm0 =	vgt.f32 v48, v41;
	v44 =	vld [tilespmem:s22+$0x0];
	[tilespmem:s0+$0x300] =	vst v49;
	v9 =	vmovc v42  }
0x2b0: {  	v41 =	vsel vm0, v48, v41;
	v40 =	vsel vm0, $0x4, v40;
	v47 =	vld.idx.msk [tilespmem:v51+s9+$0x0], $0xffff  }
0x2b1: {  	vm0 =	vgt.f32 v45, v41;
	v48 =	vld [tilespmem:s18+$0x0]  }
0x2b2: {  	v41 =	vsel vm0, v45, v41;
	v40 =	vsel vm0, $0x5, v40;
	v38 =	vld.idx.msk [tilespmem:v38+s9+$0x0], $0xffff;
	v45 =	vadd.s32 $0x50, v1  }
0x2b3: {  	vm0 =	vgt.f32 v52, v41;
	v42 =	vld.idx.msk [tilespmem:v42+s9+$0x0], $0xffff;
	[tilespmem:s1+$0xB00] =	vst v39  }
0x2b4: {  	s5 =	sshll.u32 s14, $0x8;
	v39 =	vsel vm0, v52, v41;
	v40 =	vsel vm0, $0x6, v40;
	v41 =	vld.idx.msk [tilespmem:v46+s9+$0x0], $0xffff  }
0x2b5: {  	s5 =	sand.u32 $0x3FFFF000, s5;
	v46 =	vadd.s32 $0xA, v9;
	vm0 =	vgt.f32 v43, v39;
	v49 =	vld.idx.msk [tilespmem:v29+s9+$0x0], $0xffff;
	v29 =	vmov v37  }
0x2b6: {  	s7 =	sor.u32 s16, s5;
	v37 =	vsel vm0, v43, v39;
	v39 =	vsel vm0, $0x7, v40;
	[tilespmem:s0+$0x380] =	vst v47;
	v40 =	vld.idx.msk [tilespmem:v16+s9+$0x0], $0xffff;
	v16 =	vmovc v25;
	v25 =	vmov v36  }
0x2b7: {  	s12 =	sadd.s32 $0x12000, s7;
	vm0 =	vgt.f32 v44, v37;
	v36 =	vld.idx.msk [tilespmem:v45+s9+$0x0], $0xffff  }
0x2b8: {  	s5 =	sor.u32 s13, s12;
	s12 =	sor.u32 s15, s12;
	v37 =	vsel vm0, v44, v37;
	v39 =	vsel vm0, $0x8, v39;
	[tilespmem:s8+$0x100] =	vst v38;
	v47 =	vld.idx.msk [tilespmem:v7+s9+$0x0], $0xffff;
	v7 =	vmovc v12;
	v12 =	vmov v21  }
0x2b9: {  	v45 =	vadd.s32 $0x5A, v1;
	v21 =	vmov v32;
	vm0 =	vgt.f32 v48, v37;
	[tilespmem:s12+$0x0] =	vst v42;
	v50 =	vld.idx.msk [tilespmem:v35+s9+$0x0], $0xffff  }
0x2ba: {  	v39 =	vsel vm0, $0x9, v39;
	v46 =	vld.idx.msk [tilespmem:v46+s9+$0x0], $0xffff;
	[tilespmem:s1+$0xB80] =	vst v41;
	s1 =	smov.u32 s0;
	s0 =	smov.u32 s12  }
0x2bb: {  	s12 =	sadd.s32 $0x12800, s11;
	s11 =	smov.u32 s7;
	v44 =	vadd.s32 $0xA, v39;
	v38 =	vadd.s32 $0x14, v39;
	v35 =	vadd.s32 $0x1E, v39;
	[tilespmem:s3+$0x300] =	vst v49;
	v41 =	vld.idx.msk [tilespmem:v2+s9+$0x0], $0xffff;
	v2 =	vmovc v4;
	v4 =	vmovc v13  }
0x2bc: {  	v51 =	vadd.s32 $0x14, v9;
	v49 =	vadd.s32 $0x28, v39;
	v43 =	vadd.s32 $0x32, v39;
	s17 =	sor.u32 s26, s12;
	s7 =	sor.u32 s28, s12;
	v13 =	vmovc v18;
	s26 =	smov.u32 s13;
	v52 =	vld.idx.msk [tilespmem:v27+s9+$0x0], $0xffff;
	[tilespmem:s6+$0x880] =	vst v40;
	v27 =	vmovc v33  }
0x2bd: {  	v37 =	vadd.s32 $0x3C, v39;
	v53 =	vadd.s32 $0x50, v39;
	s28 =	smov.u32 s15;
	v33 =	vadd.s32 $0x46, v39;
	[tilespmem:s7+$0x0] =	vst v36;
	v54 =	vld.idx.msk [tilespmem:v15+s9+$0x0], $0xffff;
	v15 =	vmovc v24;
	v24 =	vmovc v28  }
0x2be: {  	v42 =	vadd.s32 $0x6E, v39;
	v18 =	vmovc v20;
	v36 =	vadd.s32 $0x5A, v39;
	v28 =	vadd.s32 $0x64, v39;
	v45 =	vld.idx.msk [tilespmem:v45+s9+$0x0], $0xffff;
	[tilespmem:s31+$0xA00] =	vst v47  }
.Ltmp3:
0x2bf: {  	v32 =	vadd.s32 $0x78, v39;
	v55 =	vadd.s32 $0x82, v39;
	v40 =	vadd.s32 $0x8C, v39;
	v48 =	vld.idx.msk [tilespmem:v39+s9+$0x0], $0xffff;
	[tilespmem:s8+$0x180] =	vst v50;
	(pc) =	sbr.rel @p1 .LBB2_5-.Ltmp3, $4  }
0x2c0: {  	v20 =	vadd.s32 $0x96, v39;
	[tilespmem:s0+$0x80] =	vst v46;
	v47 =	vld.idx.msk [tilespmem:v34+s9+$0x0], $0xffff;
	v46 =	vadd.s32 $0x64, v1;
	v34 =	vmov v49  }
0x2c1: {  	v49 =	vld.idx.msk [tilespmem:v51+s9+$0x0], $0xffff;
	[tilespmem:s25+$0xB80] =	vst v41;
	s25 =	smov.u32 s31;
	s31 =	smov.u32 s6;
	s6 =	smov.u32 s3  }
0x2c2: {  	s3 =	smov.u32 s8;
	s8 =	smov.u32 s5;
	[tilespmem:s6+$0x380] =	vst v52;
	v39 =	vld.idx.msk [tilespmem:v6+s9+$0x0], $0xffff;
	v6 =	vmovc v11;
	v11 =	vmov v19;
	v19 =	vmov v23;
	v23 =	vmov v55  }
0x2c3: {  	v50 =	vadd.s32 $0x1E, v9;
	v41 =	vld.idx.msk [tilespmem:v26+s9+$0x0], $0xffff;
	[tilespmem:s31+$0x900] =	vst v54;
	v26 =	vmov v31;
	v31 =	vmov v53  }
0x2c4: {  	_ =	sdelay $0x2  }
0x2c5: {  	[tilespmem:s8+$0x0] =	vst v48  }
0x2c6: {  	v44 =	vld.idx.msk [tilespmem:v44+s9+$0x0], $0xffff;
	_ =	sdelay $0x4  }
0x2c7: {  	[tilespmem:s8+$0x80] =	vst v44  }
0x2c8: {  	v38 =	vld.idx.msk [tilespmem:v38+s9+$0x0], $0xffff;
	_ =	sdelay $0x1  }
0x2c9: {  	[tilespmem:s0+$0x100] =	vst v49  }
0x2ca: {  	v62 =	vld.idx.msk [tilespmem:v50+s9+$0x0], $0xffff  }
0x2cb: {  	v63 =	vadd.s32 $0x28, v9  }
0x2cc: {  	[tilespmem:s8+$0x100] =	vst v38  }
0x2cd: {  	v35 =	vld.idx.msk [tilespmem:v35+s9+$0x0], $0xffff;
	_ =	sdelay $0x1  }
0x2ce: {  	[tilespmem:s0+$0x180] =	vst v62  }
0x2cf: {  	v50 =	vld.idx.msk [tilespmem:v63+s9+$0x0], $0xffff  }
0x2d0: {  	v51 =	vadd.s32 $0x32, v9  }
0x2d1: {  	[tilespmem:s8+$0x180] =	vst v35  }
0x2d2: {  	v34 =	vld.idx.msk [tilespmem:v34+s9+$0x0], $0xffff  }
0x2d3: {  	[tilespmem:s3+$0x200] =	vst v47  }
0x2d4: {  	v30 =	vld.idx.msk [tilespmem:v30+s9+$0x0], $0xffff;
	[tilespmem:s0+$0x200] =	vst v50  }
0x2d5: {  	v52 =	vld.idx.msk [tilespmem:v51+s9+$0x0], $0xffff  }
0x2d6: {  	v53 =	vadd.s32 $0x3C, v9  }
0x2d7: {  	[tilespmem:s8+$0x200] =	vst v34  }
0x2d8: {  	v34 =	vld.idx.msk [tilespmem:v43+s9+$0x0], $0xffff  }
0x2d9: {  	[tilespmem:s3+$0x280] =	vst v30  }
0x2da: {  	v29 =	vld.idx.msk [tilespmem:v29+s9+$0x0], $0xffff;
	[tilespmem:s0+$0x280] =	vst v52  }
0x2db: {  	v35 =	vld.idx.msk [tilespmem:v53+s9+$0x0], $0xffff  }
0x2dc: {  	v54 =	vadd.s32 $0x46, v9  }
0x2dd: {  	[tilespmem:s8+$0x280] =	vst v34  }
0x2de: {  	v55 =	vld.idx.msk [tilespmem:v37+s9+$0x0], $0xffff  }
0x2df: {  	[tilespmem:s3+$0x300] =	vst v29  }
0x2e0: {  	v27 =	vld.idx.msk [tilespmem:v27+s9+$0x0], $0xffff;
	[tilespmem:s0+$0x300] =	vst v35  }
0x2e1: {  	v56 =	vld.idx.msk [tilespmem:v54+s9+$0x0], $0xffff  }
0x2e2: {  	v57 =	vadd.s32 $0x50, v9  }
0x2e3: {  	[tilespmem:s8+$0x300] =	vst v55  }
0x2e4: {  	v58 =	vld.idx.msk [tilespmem:v33+s9+$0x0], $0xffff  }
0x2e5: {  	[tilespmem:s3+$0x380] =	vst v27  }
0x2e6: {  	v26 =	vld.idx.msk [tilespmem:v26+s9+$0x0], $0xffff;
	[tilespmem:s0+$0x380] =	vst v56  }
0x2e7: {  	v59 =	vld.idx.msk [tilespmem:v57+s9+$0x0], $0xffff  }
0x2e8: {  	v60 =	vadd.s32 $0x5A, v9;
	[tilespmem:s10+$0x0] =	vst v41  }
0x2e9: {  	v16 =	vld.idx.msk [tilespmem:v16+s9+$0x0], $0xffff;
	[tilespmem:s8+$0x380] =	vst v58  }
0x2ea: {  	s5 =	sadd.s32 $0x12800, s11;
	[tilespmem:s1+$0x880] =	vst v45;
	v61 =	vld.idx.msk [tilespmem:v31+s9+$0x0], $0xffff  }
0x2eb: {  	s7 =	sor.u32 s28, s5;
	v62 =	vld.idx.msk [tilespmem:v46+s9+$0x0], $0xffff;
	[tilespmem:s17+$0x0] =	vst v26  }
0x2ec: {  	v63 =	vadd.s32 $0x6E, v1;
	v25 =	vld.idx.msk [tilespmem:v25+s9+$0x0], $0xffff;
	[tilespmem:s7+$0x0] =	vst v59  }
0x2ed: {  	[tilespmem:s25+$0xA80] =	vst v39;
	v37 =	vld.idx.msk [tilespmem:v60+s9+$0x0], $0xffff  }
0x2ee: {  	v8 =	vld.idx.msk [tilespmem:v8+s9+$0x0], $0xffff;
	s5 =	sor.u32 s26, s5;
	[tilespmem:s6+$0x880] =	vst v16;
	v38 =	vadd.s32 $0x64, v9  }
0x2ef: {  	v15 =	vld.idx.msk [tilespmem:v15+s9+$0x0], $0xffff;
	[tilespmem:s5+$0x0] =	vst v61  }
0x2f0: {  	[tilespmem:s1+$0x900] =	vst v62;
	v41 =	vld.idx.msk [tilespmem:v36+s9+$0x0], $0xffff  }
0x2f1: {  	v43 =	vld.idx.msk [tilespmem:v63+s9+$0x0], $0xffff;
	[tilespmem:s3+$0x880] =	vst v25  }
0x2f2: {  	v44 =	vadd.s32 $0x78, v1;
	v24 =	vld.idx.msk [tilespmem:v24+s9+$0x0], $0xffff;
	[tilespmem:s0+$0x880] =	vst v37  }
0x2f3: {  	[tilespmem:s31+$0x980] =	vst v8;
	v45 =	vld.idx.msk [tilespmem:v38+s9+$0x0], $0xffff  }
0x2f4: {  	v3 =	vld.idx.msk [tilespmem:v3+s9+$0x0], $0xffff;
	v46 =	vadd.s32 $0x6E, v9;
	[tilespmem:s6+$0x900] =	vst v15  }
0x2f5: {  	v14 =	vld.idx.msk [tilespmem:v14+s9+$0x0], $0xffff;
	[tilespmem:s8+$0x880] =	vst v41  }
0x2f6: {  	[tilespmem:s1+$0x980] =	vst v43;
	v47 =	vld.idx.msk [tilespmem:v28+s9+$0x0], $0xffff  }
0x2f7: {  	v48 =	vld.idx.msk [tilespmem:v44+s9+$0x0], $0xffff;
	[tilespmem:s3+$0x900] =	vst v24  }
0x2f8: {  	v49 =	vadd.s32 $0x82, v1;
	v22 =	vld.idx.msk [tilespmem:v22+s9+$0x0], $0xffff;
	[tilespmem:s0+$0x900] =	vst v45  }
0x2f9: {  	[tilespmem:s25+$0xB00] =	vst v3;
	v16 =	vld.idx.msk [tilespmem:v46+s9+$0x0], $0xffff  }
0x2fa: {  	v7 =	vld.idx.msk [tilespmem:v7+s9+$0x0], $0xffff;
	v50 =	vadd.s32 $0x78, v9;
	[tilespmem:s6+$0x980] =	vst v14  }
0x2fb: {  	v12 =	vld.idx.msk [tilespmem:v12+s9+$0x0], $0xffff;
	[tilespmem:s8+$0x900] =	vst v47  }
0x2fc: {  	[tilespmem:s1+$0xA00] =	vst v48;
	v51 =	vld.idx.msk [tilespmem:v42+s9+$0x0], $0xffff  }
0x2fd: {  	v8 =	vld.idx.msk [tilespmem:v49+s9+$0x0], $0xffff;
	[tilespmem:s3+$0x980] =	vst v22  }
0x2fe: {  	v3 =	vadd.s32 $0x8C, v1;
	v53 =	vld.idx.msk [tilespmem:v21+s9+$0x0], $0xffff;
	[tilespmem:s0+$0x980] =	vst v16  }
0x2ff: {  	[tilespmem:s31+$0xA00] =	vst v7;
	v15 =	vld.idx.msk [tilespmem:v50+s9+$0x0], $0xffff  }
0x300: {  	v6 =	vld.idx.msk [tilespmem:v6+s9+$0x0], $0xffff;
	v52 =	vadd.s32 $0x82, v9;
	[tilespmem:s6+$0xA00] =	vst v12  }
0x301: {  	v11 =	vld.idx.msk [tilespmem:v11+s9+$0x0], $0xffff;
	[tilespmem:s8+$0x980] =	vst v51  }
0x302: {  	[tilespmem:s1+$0xA80] =	vst v8;
	v54 =	vld.idx.msk [tilespmem:v32+s9+$0x0], $0xffff  }
0x303: {  	v3 =	vld.idx.msk [tilespmem:v3+s9+$0x0], $0xffff;
	[tilespmem:s3+$0xA00] =	vst v53  }
0x304: {  	v1 =	vadd.s32 $0x96, v1;
	v57 =	vld.idx.msk [tilespmem:v19+s9+$0x0], $0xffff;
	[tilespmem:s0+$0xA00] =	vst v15  }
0x305: {  	[tilespmem:s31+$0xA80] =	vst v6;
	v55 =	vld.idx.msk [tilespmem:v52+s9+$0x0], $0xffff  }
0x306: {  	v5 =	vld.idx.msk [tilespmem:v5+s9+$0x0], $0xffff;
	v56 =	vadd.s32 $0x8C, v9;
	[tilespmem:s6+$0xA80] =	vst v11  }
0x307: {  	v60 =	vld.idx.msk [tilespmem:v10+s9+$0x0], $0xffff;
	[tilespmem:s8+$0xA00] =	vst v54  }
0x308: {  	[tilespmem:s1+$0xB00] =	vst v3;
	v3 =	vld.idx.msk [tilespmem:v23+s9+$0x0], $0xffff  }
0x309: {  	v1 =	vld.idx.msk [tilespmem:v1+s9+$0x0], $0xffff;
	[tilespmem:s3+$0xA80] =	vst v57  }
0x30a: {  	v61 =	vld.idx.msk [tilespmem:v17+s9+$0x0], $0xffff;
	[tilespmem:s0+$0xA80] =	vst v55  }
0x30b: {  	[tilespmem:s31+$0xB00] =	vst v5;
	v58 =	vld.idx.msk [tilespmem:v56+s9+$0x0], $0xffff  }
0x30c: {  	v2 =	vld.idx.msk [tilespmem:v2+s9+$0x0], $0xffff;
	v59 =	vadd.s32 $0x96, v9;
	[tilespmem:s6+$0xB00] =	vst v60  }
0x30d: {  	v4 =	vld.idx.msk [tilespmem:v4+s9+$0x0], $0xffff;
	[tilespmem:s8+$0xA80] =	vst v3  }
0x30e: {  	[tilespmem:s1+$0xB80] =	vst v1;
	v1 =	vld.idx.msk [tilespmem:v40+s9+$0x0], $0xffff  }
0x30f: {  	v62 =	vld.idx.msk [tilespmem:v13+s9+$0x0], $0xffff;
	[tilespmem:s3+$0xB00] =	vst v61  }
0x310: {  	v63 =	vld.idx.msk [tilespmem:v18+s9+$0x0], $0xffff;
	[tilespmem:s0+$0xB00] =	vst v58  }
0x311: {  	[tilespmem:s25+$0xB80] =	vst v2;
	v3 =	vld.idx.msk [tilespmem:v59+s9+$0x0], $0xffff  }
0x312: {  	[tilespmem:s31+$0xB80] =	vst v4  }
0x313: {  	[tilespmem:s8+$0xB00] =	vst v1  }
0x314: {  	[tilespmem:s6+$0xB80] =	vst v62;
	v1 =	vld.idx.msk [tilespmem:v20+s9+$0x0], $0xffff  }
0x315: {  	[tilespmem:s3+$0xB80] =	vst v63  }
.Ltmp4:
0x316: {  	[tilespmem:s0+$0xB80] =	vst v3;
	(pc) =	sbr.rel @p0 .LBB2_8-.Ltmp4, $4  }
0x317: {  	s29 =	sshll.u32 s2, $0x8;
	s1 =	rddreg [dreg:$0x8]  }
0x318: {  	s30 =	simm.s32 $0x20000;
	s0 =	sadd.s32 s29, s1  }
0x319: {  	s31 =	simm.s32 $0x12000;
	s0 =	sadd.s32 s4, s0;
	s4 =	simm.s32 $0x800;
	[tilespmem:s8+$0xB80] =	vst v1  }
0x31a: {  	[hbm4b:s0+s4] =	stream.strided.scatter [tilespmem:s31], [sflag:$0x4], $0x8000, s30, s4, $0x38;
	[tilespmem:$0x1A180] =	vst v63  }
0x31b: {  	s0 =	sadd.s32 $0x3, s23  }
0x31c: {  	s1 =	smulhi.u32 $0x51EB851F, s0;
	_ =	sdelay $0x1  }
0x31d: {  	s1 =	sshrl.u32 s1, $0x3  }
0x31e: {  	s2 =	smul.u32 $0x19, s1  }
.Ltmp5:
0x31f: {  	s28 =	rddreg [dreg:$0x6];
	(pc) =	sbr.rel .LBB2_2-.Ltmp5, $4  }
0x320: {  	s29 =	simm.s32 $0x320000;
	s1 =	sshll.u32 s1, $0x8;
	s0 =	ssub.s32 s0, s2  }
0x321: {  	s31 =	rddreg [dreg:$0xb];
	s1 =	sadd.s32 s1, s28;
	s0 =	sshll.u32 s0, $0xE  }
0x322: {  	s30 =	simm.s32 $0x5000;
	s0 =	sadd.s32 s0, s1;
	s1 =	sadd.s32 $0x1, s31  }
0x323: {  	[tilespmem:s30], [sflag:$0x2] =	stream.strided.gather [hbm4b:s0+s4], $0x5000, s29, s4, $0x38;
	[tilespmem:$0x1A180] =	vst v63  }
.LBB2_9:
0x324: {  	_ =	sfence.sel $0x180000  }
0x325: {  	[bflag:$0x0] =	sbarrier.arrive $0xFFFF  }
0x326: {  	_ =	strace $0x90000047  }
0x327: {  	s0 =	stileid.u32;
	[bflag:$0x2] =	sbarrier.arrive $0xFFFF  }
0x328: {  	p0 =	sne.s32 s0, $0x0;
	s0 =	rddreg [dreg:$0x3]  }
0x329: {  	s0 =	sadd.s32 @!p0 $0x100000, s0  }
0x32a: {  	[sflag:s0] =	ssyncadd.tile.s32 @!p0 $0x1;
	_ =	shalt  }
.Lfunc_end2:
_tile_overlayer_lowered:
.L_overlay_start_2:
0x32b: {  	(tag) =	ssettag $0x2  }
0x32c: {  	s0 =	rddreg [dreg:$0x0];
	s2 =	stileid.u32  }
0x32d: {  	s1 =	rddreg [dreg:$0x1];
	p0 =	sne.s32 s2, $0x0  }
0x32e: {  	s3 =	rddreg [dreg:$0x2];
	[bflag:$0x3] =	sbarrier.arrive $0xFFFF;
	s2 =	simm.s32 @!p0 $0x1C05  }
0x32f: {  	[timem:s3], [sflag:s2] =	dma.local @!p0 [hbm:s0], s1  }
0x330: {  	s0 =	simm.s32 @!p0 $0x5  }
0x331: {  	_ =	swait.ge @!p0 [sflag:s0], s1  }
0x332: {  	s1 =	ssub.s32 @!p0 $0x0, s1;
	[sflag:s0] =	ssyncset.done @!p0 $0x0  }
0x333: {  	[sflag:s0] =	ssyncadd.s32 @!p0 s1  }
0x334: {  	[bflag:$0x3] =	sbarrier.arrive $0xFFFF  }
0x335: {  	_ =	shalt  }

</sc_bundles>
